<compile_context>
chip_gen: v7x
topology: tpu7x:2x2x1
jax: 0.10.2.dev20260603
libtpu: 0.0.44.dev20260713+nightly
codegen_flags: <defaults>
</compile_context>

<pallas_src>
import functools

import jax
import jax.numpy as jnp
from jax import lax
from jax.experimental import pallas as pl
from jax.experimental.pallas import tpu as pltpu
from jax.experimental.pallas import tpu_sc as plsc

N = 10000
NP = 10240
E = 320000
D = 128

NC = 2
NS = 16
L = 16
NW = NC * NS
EPT = E // NW
CHUNK = 80
NCH = EPT // CHUNK
RPT = NP // NS
NBUF = 4
NIDX = 8
AH = 3
W = NBUF - AH
DI = NIDX - 2

_mesh = plsc.VectorSubcoreMesh(core_axis_name="c", subcore_axis_name="s")


@functools.partial(
    pl.kernel,
    out_type=jax.ShapeDtypeStruct((NC, NP), jnp.float32),
    mesh=_mesh,
    scratch_types=[
        pltpu.VMEM((NCH, CHUNK), jnp.int32),
        pltpu.VMEM((CHUNK,), jnp.float32),
        pltpu.VMEM((RPT,), jnp.float32),
        pltpu.SemaphoreType.DMA,
        pltpu.VMEM_SHARED((NP,), jnp.float32),
    ],
)
def _sc_hist(dst_hbm, out_hbm, didx_v, ones_v, z_v, sem, hist_sh):
    c = lax.axis_index("c")
    s = lax.axis_index("s")
    wid = c * NS + s
    for i in range(CHUNK // L):
        ones_v[pl.ds(i * L, L)] = jnp.ones((L,), jnp.float32)
    for i in range(RPT // L):
        z_v[pl.ds(i * L, L)] = jnp.zeros((L,), jnp.float32)

    row0 = s * RPT
    pltpu.sync_copy(dst_hbm.at[wid], didx_v)
    pltpu.sync_copy(z_v, hist_sh.at[pl.ds(row0, RPT)])
    plsc.subcore_barrier()

    def fire(i, _):
        pltpu.async_copy(ones_v, hist_sh.at[didx_v.at[i]], sem, add=True)
        return _

    lax.fori_loop(0, NCH, fire, None)

    def drain(i, _):
        pltpu.make_async_copy(ones_v, hist_sh.at[didx_v.at[0]], sem).wait()
        return _

    lax.fori_loop(0, NCH, drain, None)
    plsc.subcore_barrier()
    pltpu.sync_copy(hist_sh.at[pl.ds(row0, RPT)],
                    out_hbm.at[c, pl.ds(row0, RPT)])


@functools.partial(
    pl.kernel,
    out_type=jax.ShapeDtypeStruct((NC, NP, D), jnp.float32),
    mesh=_mesh,
    scratch_types=[
        pltpu.VMEM((NIDX, CHUNK), jnp.int32),
        pltpu.VMEM((NIDX, CHUNK), jnp.int32),
        [pltpu.VMEM((CHUNK, D), jnp.float32)] * NBUF,
        [pltpu.SemaphoreType.DMA] * NIDX,
        [pltpu.SemaphoreType.DMA] * NBUF,
        [pltpu.SemaphoreType.DMA] * NBUF,
        pltpu.VMEM_SHARED((NP, D), jnp.float32),
    ],
)
def _sc_scatter(src_hbm, dst_hbm, xs_hbm, zeros_hbm, out_hbm,
                sidx_v, didx_v, rows, isem, gsem, ssem, acc_sh):
    c = lax.axis_index("c")
    s = lax.axis_index("s")
    wid = c * NS + s
    row0 = s * RPT

    def idx_issue(j, sl):
        pltpu.async_copy(src_hbm.at[wid, j], sidx_v.at[sl], isem[sl])
        pltpu.async_copy(dst_hbm.at[wid, j], didx_v.at[sl], isem[sl])

    def idx_wait(sl):
        pltpu.make_async_copy(src_hbm.at[wid, 0], sidx_v.at[sl],
                              isem[sl]).wait()
        pltpu.make_async_copy(dst_hbm.at[wid, 0], didx_v.at[sl],
                              isem[sl]).wait()

    def gather(sl, b):
        pltpu.async_copy(xs_hbm.at[sidx_v.at[sl]], rows[b], gsem[b])

    def gather_wait(b):
        pltpu.make_async_copy(xs_hbm.at[sidx_v.at[0]], rows[b],
                              gsem[b]).wait()

    def scat(sl, b):
        pltpu.async_copy(rows[b], acc_sh.at[didx_v.at[sl]], ssem[b], add=True)

    def scat_wait(b):
        pltpu.make_async_copy(rows[b], acc_sh.at[didx_v.at[0]],
                              ssem[b]).wait()

    for j in range(NIDX):
        idx_issue(j, j)

    @pl.when(c == 0)
    def _init_xs():
        pltpu.sync_copy(xs_hbm.at[pl.ds(row0, RPT)],
                        acc_sh.at[pl.ds(row0, RPT)])

    @pl.when(c != 0)
    def _init_zero():
        pltpu.sync_copy(zeros_hbm, acc_sh.at[pl.ds(row0, RPT)])

    plsc.subcore_barrier()

    for j in range(AH):
        idx_wait(j)
        gather(j, j)

    NK = NCH // NIDX
    NE = NCH - NK * NIDX

    def step(k, _):
        for b in range(NIDX):
            gather_wait(b % NBUF)
            scat(b, b % NBUF)

            def _free_rows():
                scat_wait((b + AH) % NBUF)

            if b < W:
                pl.when(k > 0)(_free_rows)
            else:
                _free_rows()

            def _g():
                idx_wait((b + AH) % NIDX)
                gather((b + AH) % NIDX, (b + AH) % NBUF)

            _g()

            def _i():
                idx_issue(k * NIDX + b + DI, (b + DI) % NIDX)

            if b < NIDX - DI:
                pl.when(k > 0)(_i)
            elif b < NCH - DI - (NK - 1) * NIDX:
                _i()
            else:
                pl.when(k < NK - 1)(_i)
        return _

    lax.fori_loop(0, NK, step, None)

    for e in range(NE):
        je = NK * NIDX + e
        gather_wait(je % NBUF)
        scat(je % NIDX, je % NBUF)
        scat_wait((je + AH) % NBUF)
        if je + AH < NCH:
            idx_wait((je + AH) % NIDX)
            gather((je + AH) % NIDX, (je + AH) % NBUF)

    for b in range(W):
        scat_wait((NCH - W + b) % NBUF)

    plsc.subcore_barrier()
    pltpu.sync_copy(acc_sh.at[pl.ds(row0, RPT)],
                    out_hbm.at[c, pl.ds(row0, RPT)])


_RB = 1280


def _tca_body(x_ref, w_ref, h_ref, xs_ref):
    xw = jnp.dot(x_ref[...], w_ref[...], preferred_element_type=jnp.float32)
    deg = h_ref[0, :] + h_ref[1, :] + 1.0
    xs_ref[...] = xw * lax.rsqrt(deg)[:, None]


def _tcb_body(p_ref, h_ref, b_ref, o_ref):
    deg = h_ref[0, :] + h_ref[1, :] + 1.0
    o_ref[...] = (p_ref[0] + p_ref[1]) * lax.rsqrt(deg)[:, None] + b_ref[...]


_tc_a = pl.pallas_call(
    _tca_body,
    grid=(NP // _RB,),
    in_specs=[
        pl.BlockSpec((_RB, D), lambda i: (i, 0)),
        pl.BlockSpec((D, D), lambda i: (0, 0)),
        pl.BlockSpec((NC, _RB), lambda i: (0, i)),
    ],
    out_specs=pl.BlockSpec((_RB, D), lambda i: (i, 0)),
    out_shape=jax.ShapeDtypeStruct((NP, D), jnp.float32),
)

_tc_b = pl.pallas_call(
    _tcb_body,
    grid=(NP // _RB,),
    in_specs=[
        pl.BlockSpec((NC, _RB, D), lambda i: (0, i, 0)),
        pl.BlockSpec((NC, _RB), lambda i: (0, i)),
        pl.BlockSpec((1, D), lambda i: (0, 0)),
    ],
    out_specs=pl.BlockSpec((_RB, D), lambda i: (i, 0)),
    out_shape=jax.ShapeDtypeStruct((N, D), jnp.float32),
)


def kernel(x, edge_index, W_mat, b):
    srcp = edge_index[0].reshape(NW, NCH, CHUNK)
    dstp = edge_index[1].reshape(NW, NCH, CHUNK)
    hist = _sc_hist(dstp)
    xs = _tc_a(x, W_mat, hist)
    zeros_blk = jnp.zeros((RPT, D), jnp.float32)
    p = _sc_scatter(srcp, dstp, xs, zeros_blk)
    return _tc_b(p, hist, b.reshape(1, D))

# --- scband reference (transcript-rebuilt; emitter-appended) ---
"""Pipeline reference for scband-gcn1-84954453115001 (READ-ONLY COPY).

The authoritative reference and input builder live on the scoring server;
editing this copy changes nothing except your own understanding.
"""

import jax, jax.numpy as jnp
import numpy as np

N_NODES = 10000
N_EDGES = 320000
D_IN = 128
D_OUT = 128


def setup_inputs(seed: int = 0) -> dict:
    key = jax.random.key(seed)
    k1, k2, k3 = jax.random.split(key, 3)
    x = jax.random.normal(k1, (N_NODES, D_IN), dtype=jnp.float32)
    edge_index = jax.random.randint(k2, (2, N_EDGES), 0, N_NODES, dtype=jnp.int32)
    # GCNConv learned parameters: weight [in, out] (glorot-ish), bias [out] (zeros)
    scale = (6.0 / (D_IN + D_OUT)) ** 0.5
    W = jax.random.uniform(k3, (D_IN, D_OUT), dtype=jnp.float32, minval=-scale, maxval=scale)
    b = jnp.zeros((D_OUT,), dtype=jnp.float32)
    return {"x": x, "edge_index": edge_index, "W": W, "b": b}


def reference(x, edge_index, W, b):
    # Faithful GCNConv forward (PyG semantics): linear transform, add self-loops,
    # symmetric normalization D^-1/2 A D^-1/2, scatter-add aggregation, bias.
    N = x.shape[0]
    src = edge_index[0]
    dst = edge_index[1]
    loop = jnp.arange(N, dtype=edge_index.dtype)
    src = jnp.concatenate([src, loop], axis=0)
    dst = jnp.concatenate([dst, loop], axis=0)
    ew = jnp.ones(src.shape[0], dtype=x.dtype)  # edge_weight=None -> ones
    # degree computed on destination (col) nodes
    deg = jax.ops.segment_sum(ew, dst, num_segments=N)
    deg_inv_sqrt = jnp.where(deg > 0, jax.lax.rsqrt(jnp.where(deg > 0, deg, 1.0)), 0.0)
    norm = deg_inv_sqrt[src] * ew * deg_inv_sqrt[dst]
    xw = x @ W
    msg = xw[src] * norm[:, None]
    out = jax.ops.segment_sum(msg, dst, num_segments=N)
    out = out + b
    return out

if __name__ == "__main__":
    import jax
    _d = setup_inputs()
    print(jax.jit(kernel)(*tuple(_d.values())))

</pallas_src>

<mosaic_0001>
#map = affine_map<(d0, d1) -> (0, 0, 0)>
#map1 = affine_map<(d0, d1) -> (0, 0)>
module attributes {stable_mosaic.version = 14 : i64} {
  func.func @_sc_hist(%arg0: i32, %arg1: i32, %arg2: memref<32x125x80xi32, #tpu.memory_space<hbm>>, %arg3: memref<2x10240xf32, #tpu.memory_space<hbm>>, %arg4: memref<125x80xi32, #tpu.memory_space<vmem>>, %arg5: memref<80xf32, #tpu.memory_space<vmem>>, %arg6: memref<640xf32, #tpu.memory_space<vmem>>, %arg7: memref<!tpu.dma_semaphore, #tpu.memory_space<semaphore_mem>>, %arg8: memref<10240xf32, #tpu.memory_space<vmem_shared>>) attributes {dimension_semantics = [#tpu.dimension_semantics<core_parallel>, #tpu.dimension_semantics<subcore_parallel>], iteration_bounds = array<i64: 2, 16>, scalar_prefetch = 0 : i64, scratch_operands = 5 : i64, tpu.core_type = #tpu.core_type<sc_vector_subcore>, window_params = [{transform_indices = #map}, {transform_indices = #map1}]} {
    %mul3A = arith.constant 16 : i32
    %mul3A_0 = arith.muli %arg0, %mul3A : i32
    %add3A = arith.addi %mul3A_0, %arg1 : i32
    %broadcast_in_dim3A = arith.constant 1.000000e+00 : f32
    %broadcast_in_dim3A_1 = vector.broadcast %broadcast_in_dim3A : f32 to vector<16xf32>
    %swap3A = arith.constant 0 : index
    %swap3A_2 = tpu.vector_load %arg5[%swap3A] {strides = array<i32>} : memref<80xf32, #tpu.memory_space<vmem>>, vector<16xf32>,
    %swap3A_3 = vector.shape_cast %swap3A_2 : vector<16xf32> to vector<16xf32>
    %swap3A_4 = vector.shape_cast %broadcast_in_dim3A_1 : vector<16xf32> to vector<16xf32>
    tpu.vector_store %arg5[%swap3A], %swap3A_4 {strides = array<i32>} : memref<80xf32, #tpu.memory_space<vmem>>, vector<16xf32>,
    %broadcast_in_dim3A_5 = arith.constant 1.000000e+00 : f32
    %broadcast_in_dim3A_6 = vector.broadcast %broadcast_in_dim3A_5 : f32 to vector<16xf32>
    %swap3A_7 = arith.constant 16 : index
    %swap3A_8 = tpu.vector_load %arg5[%swap3A_7] {strides = array<i32>} : memref<80xf32, #tpu.memory_space<vmem>>, vector<16xf32>,
    %swap3A_9 = vector.shape_cast %swap3A_8 : vector<16xf32> to vector<16xf32>
    %swap3A_10 = vector.shape_cast %broadcast_in_dim3A_6 : vector<16xf32> to vector<16xf32>
    tpu.vector_store %arg5[%swap3A_7], %swap3A_10 {strides = array<i32>} : memref<80xf32, #tpu.memory_space<vmem>>, vector<16xf32>,
    %broadcast_in_dim3A_11 = arith.constant 1.000000e+00 : f32
    %broadcast_in_dim3A_12 = vector.broadcast %broadcast_in_dim3A_11 : f32 to vector<16xf32>
    %swap3A_13 = arith.constant 32 : index
    %swap3A_14 = tpu.vector_load %arg5[%swap3A_13] {strides = array<i32>} : memref<80xf32, #tpu.memory_space<vmem>>, vector<16xf32>,
    %swap3A_15 = vector.shape_cast %swap3A_14 : vector<16xf32> to vector<16xf32>
    %swap3A_16 = vector.shape_cast %broadcast_in_dim3A_12 : vector<16xf32> to vector<16xf32>
    tpu.vector_store %arg5[%swap3A_13], %swap3A_16 {strides = array<i32>} : memref<80xf32, #tpu.memory_space<vmem>>, vector<16xf32>,
    %broadcast_in_dim3A_17 = arith.constant 1.000000e+00 : f32
    %broadcast_in_dim3A_18 = vector.broadcast %broadcast_in_dim3A_17 : f32 to vector<16xf32>
    %swap3A_19 = arith.constant 48 : index
    %swap3A_20 = tpu.vector_load %arg5[%swap3A_19] {strides = array<i32>} : memref<80xf32, #tpu.memory_space<vmem>>, vector<16xf32>,
    %swap3A_21 = vector.shape_cast %swap3A_20 : vector<16xf32> to vector<16xf32>
    %swap3A_22 = vector.shape_cast %broadcast_in_dim3A_18 : vector<16xf32> to vector<16xf32>
    tpu.vector_store %arg5[%swap3A_19], %swap3A_22 {strides = array<i32>} : memref<80xf32, #tpu.memory_space<vmem>>, vector<16xf32>,
    %broadcast_in_dim3A_23 = arith.constant 1.000000e+00 : f32
    %broadcast_in_dim3A_24 = vector.broadcast %broadcast_in_dim3A_23 : f32 to vector<16xf32>
    %swap3A_25 = arith.constant 64 : index
    %swap3A_26 = tpu.vector_load %arg5[%swap3A_25] {strides = array<i32>} : memref<80xf32, #tpu.memory_space<vmem>>, vector<16xf32>,
    %swap3A_27 = vector.shape_cast %swap3A_26 : vector<16xf32> to vector<16xf32>
    %swap3A_28 = vector.shape_cast %broadcast_in_dim3A_24 : vector<16xf32> to vector<16xf32>
    tpu.vector_store %arg5[%swap3A_25], %swap3A_28 {strides = array<i32>} : memref<80xf32, #tpu.memory_space<vmem>>, vector<16xf32>,
    %broadcast_in_dim3A_29 = arith.constant 0.000000e+00 : f32
    %broadcast_in_dim3A_30 = vector.broadcast %broadcast_in_dim3A_29 : f32 to vector<16xf32>
    %swap3A_31 = arith.constant 0 : index
    %swap3A_32 = tpu.vector_load %arg6[%swap3A_31] {strides = array<i32>} : memref<640xf32, #tpu.memory_space<vmem>>, vector<16xf32>,
    %swap3A_33 = vector.shape_cast %swap3A_32 : vector<16xf32> to vector<16xf32>
    %swap3A_34 = vector.shape_cast %broadcast_in_dim3A_30 : vector<16xf32> to vector<16xf32>
    tpu.vector_store %arg6[%swap3A_31], %swap3A_34 {strides = array<i32>} : memref<640xf32, #tpu.memory_space<vmem>>, vector<16xf32>,
    %broadcast_in_dim3A_35 = arith.constant 0.000000e+00 : f32
    %broadcast_in_dim3A_36 = vector.broadcast %broadcast_in_dim3A_35 : f32 to vector<16xf32>
    %swap3A_37 = arith.constant 16 : index
    %swap3A_38 = tpu.vector_load %arg6[%swap3A_37] {strides = array<i32>} : memref<640xf32, #tpu.memory_space<vmem>>, vector<16xf32>,
    %swap3A_39 = vector.shape_cast %swap3A_38 : vector<16xf32> to vector<16xf32>
    %swap3A_40 = vector.shape_cast %broadcast_in_dim3A_36 : vector<16xf32> to vector<16xf32>
    tpu.vector_store %arg6[%swap3A_37], %swap3A_40 {strides = array<i32>} : memref<640xf32, #tpu.memory_space<vmem>>, vector<16xf32>,
    %broadcast_in_dim3A_41 = arith.constant 0.000000e+00 : f32
    %broadcast_in_dim3A_42 = vector.broadcast %broadcast_in_dim3A_41 : f32 to vector<16xf32>
    %swap3A_43 = arith.constant 32 : index
    %swap3A_44 = tpu.vector_load %arg6[%swap3A_43] {strides = array<i32>} : memref<640xf32, #tpu.memory_space<vmem>>, vector<16xf32>,
    %swap3A_45 = vector.shape_cast %swap3A_44 : vector<16xf32> to vector<16xf32>
    %swap3A_46 = vector.shape_cast %broadcast_in_dim3A_42 : vector<16xf32> to vector<16xf32>
    tpu.vector_store %arg6[%swap3A_43], %swap3A_46 {strides = array<i32>} : memref<640xf32, #tpu.memory_space<vmem>>, vector<16xf32>,
    %broadcast_in_dim3A_47 = arith.constant 0.000000e+00 : f32
    %broadcast_in_dim3A_48 = vector.broadcast %broadcast_in_dim3A_47 : f32 to vector<16xf32>
    %swap3A_49 = arith.constant 48 : index
    %swap3A_50 = tpu.vector_load %arg6[%swap3A_49] {strides = array<i32>} : memref<640xf32, #tpu.memory_space<vmem>>, vector<16xf32>,
    %swap3A_51 = vector.shape_cast %swap3A_50 : vector<16xf32> to vector<16xf32>
    %swap3A_52 = vector.shape_cast %broadcast_in_dim3A_48 : vector<16xf32> to vector<16xf32>
    tpu.vector_store %arg6[%swap3A_49], %swap3A_52 {strides = array<i32>} : memref<640xf32, #tpu.memory_space<vmem>>, vector<16xf32>,
    %broadcast_in_dim3A_53 = arith.constant 0.000000e+00 : f32
    %broadcast_in_dim3A_54 = vector.broadcast %broadcast_in_dim3A_53 : f32 to vector<16xf32>
    %swap3A_55 = arith.constant 64 : index
    %swap3A_56 = tpu.vector_load %arg6[%swap3A_55] {strides = array<i32>} : memref<640xf32, #tpu.memory_space<vmem>>, vector<16xf32>,
    %swap3A_57 = vector.shape_cast %swap3A_56 : vector<16xf32> to vector<16xf32>
    %swap3A_58 = vector.shape_cast %broadcast_in_dim3A_54 : vector<16xf32> to vector<16xf32>
    tpu.vector_store %arg6[%swap3A_55], %swap3A_58 {strides = array<i32>} : memref<640xf32, #tpu.memory_space<vmem>>, vector<16xf32>,
    %broadcast_in_dim3A_59 = arith.constant 0.000000e+00 : f32
    %broadcast_in_dim3A_60 = vector.broadcast %broadcast_in_dim3A_59 : f32 to vector<16xf32>
    %swap3A_61 = arith.constant 80 : index
    %swap3A_62 = tpu.vector_load %arg6[%swap3A_61] {strides = array<i32>} : memref<640xf32, #tpu.memory_space<vmem>>, vector<16xf32>,
    %swap3A_63 = vector.shape_cast %swap3A_62 : vector<16xf32> to vector<16xf32>
    %swap3A_64 = vector.shape_cast %broadcast_in_dim3A_60 : vector<16xf32> to vector<16xf32>
    tpu.vector_store %arg6[%swap3A_61], %swap3A_64 {strides = array<i32>} : memref<640xf32, #tpu.memory_space<vmem>>, vector<16xf32>,
    %broadcast_in_dim3A_65 = arith.constant 0.000000e+00 : f32
    %broadcast_in_dim3A_66 = vector.broadcast %broadcast_in_dim3A_65 : f32 to vector<16xf32>
    %swap3A_67 = arith.constant 96 : index
    %swap3A_68 = tpu.vector_load %arg6[%swap3A_67] {strides = array<i32>} : memref<640xf32, #tpu.memory_space<vmem>>, vector<16xf32>,
    %swap3A_69 = vector.shape_cast %swap3A_68 : vector<16xf32> to vector<16xf32>
    %swap3A_70 = vector.shape_cast %broadcast_in_dim3A_66 : vector<16xf32> to vector<16xf32>
    tpu.vector_store %arg6[%swap3A_67], %swap3A_70 {strides = array<i32>} : memref<640xf32, #tpu.memory_space<vmem>>, vector<16xf32>,
    %broadcast_in_dim3A_71 = arith.constant 0.000000e+00 : f32
    %broadcast_in_dim3A_72 = vector.broadcast %broadcast_in_dim3A_71 : f32 to vector<16xf32>
    %swap3A_73 = arith.constant 112 : index
    %swap3A_74 = tpu.vector_load %arg6[%swap3A_73] {strides = array<i32>} : memref<640xf32, #tpu.memory_space<vmem>>, vector<16xf32>,
    %swap3A_75 = vector.shape_cast %swap3A_74 : vector<16xf32> to vector<16xf32>
    %swap3A_76 = vector.shape_cast %broadcast_in_dim3A_72 : vector<16xf32> to vector<16xf32>
    tpu.vector_store %arg6[%swap3A_73], %swap3A_76 {strides = array<i32>} : memref<640xf32, #tpu.memory_space<vmem>>, vector<16xf32>,
    %broadcast_in_dim3A_77 = arith.constant 0.000000e+00 : f32
    %broadcast_in_dim3A_78 = vector.broadcast %broadcast_in_dim3A_77 : f32 to vector<16xf32>
    %swap3A_79 = arith.constant 128 : index
    %swap3A_80 = tpu.vector_load %arg6[%swap3A_79] {strides = array<i32>} : memref<640xf32, #tpu.memory_space<vmem>>, vector<16xf32>,
    %swap3A_81 = vector.shape_cast %swap3A_80 : vector<16xf32> to vector<16xf32>
    %swap3A_82 = vector.shape_cast %broadcast_in_dim3A_78 : vector<16xf32> to vector<16xf32>
    tpu.vector_store %arg6[%swap3A_79], %swap3A_82 {strides = array<i32>} : memref<640xf32, #tpu.memory_space<vmem>>, vector<16xf32>,
    %broadcast_in_dim3A_83 = arith.constant 0.000000e+00 : f32
    %broadcast_in_dim3A_84 = vector.broadcast %broadcast_in_dim3A_83 : f32 to vector<16xf32>
    %swap3A_85 = arith.constant 144 : index
    %swap3A_86 = tpu.vector_load %arg6[%swap3A_85] {strides = array<i32>} : memref<640xf32, #tpu.memory_space<vmem>>, vector<16xf32>,
    %swap3A_87 = vector.shape_cast %swap3A_86 : vector<16xf32> to vector<16xf32>
    %swap3A_88 = vector.shape_cast %broadcast_in_dim3A_84 : vector<16xf32> to vector<16xf32>
    tpu.vector_store %arg6[%swap3A_85], %swap3A_88 {strides = array<i32>} : memref<640xf32, #tpu.memory_space<vmem>>, vector<16xf32>,
    %broadcast_in_dim3A_89 = arith.constant 0.000000e+00 : f32
    %broadcast_in_dim3A_90 = vector.broadcast %broadcast_in_dim3A_89 : f32 to vector<16xf32>
    %swap3A_91 = arith.constant 160 : index
    %swap3A_92 = tpu.vector_load %arg6[%swap3A_91] {strides = array<i32>} : memref<640xf32, #tpu.memory_space<vmem>>, vector<16xf32>,
    %swap3A_93 = vector.shape_cast %swap3A_92 : vector<16xf32> to vector<16xf32>
    %swap3A_94 = vector.shape_cast %broadcast_in_dim3A_90 : vector<16xf32> to vector<16xf32>
    tpu.vector_store %arg6[%swap3A_91], %swap3A_94 {strides = array<i32>} : memref<640xf32, #tpu.memory_space<vmem>>, vector<16xf32>,
    %broadcast_in_dim3A_95 = arith.constant 0.000000e+00 : f32
    %broadcast_in_dim3A_96 = vector.broadcast %broadcast_in_dim3A_95 : f32 to vector<16xf32>
    %swap3A_97 = arith.constant 176 : index
    %swap3A_98 = tpu.vector_load %arg6[%swap3A_97] {strides = array<i32>} : memref<640xf32, #tpu.memory_space<vmem>>, vector<16xf32>,
    %swap3A_99 = vector.shape_cast %swap3A_98 : vector<16xf32> to vector<16xf32>
    %swap3A_100 = vector.shape_cast %broadcast_in_dim3A_96 : vector<16xf32> to vector<16xf32>
    tpu.vector_store %arg6[%swap3A_97], %swap3A_100 {strides = array<i32>} : memref<640xf32, #tpu.memory_space<vmem>>, vector<16xf32>,
    %broadcast_in_dim3A_101 = arith.constant 0.000000e+00 : f32
    %broadcast_in_dim3A_102 = vector.broadcast %broadcast_in_dim3A_101 : f32 to vector<16xf32>
    %swap3A_103 = arith.constant 192 : index
    %swap3A_104 = tpu.vector_load %arg6[%swap3A_103] {strides = array<i32>} : memref<640xf32, #tpu.memory_space<vmem>>, vector<16xf32>,
    %swap3A_105 = vector.shape_cast %swap3A_104 : vector<16xf32> to vector<16xf32>
    %swap3A_106 = vector.shape_cast %broadcast_in_dim3A_102 : vector<16xf32> to vector<16xf32>
    tpu.vector_store %arg6[%swap3A_103], %swap3A_106 {strides = array<i32>} : memref<640xf32, #tpu.memory_space<vmem>>, vector<16xf32>,
    %broadcast_in_dim3A_107 = arith.constant 0.000000e+00 : f32
    %broadcast_in_dim3A_108 = vector.broadcast %broadcast_in_dim3A_107 : f32 to vector<16xf32>
    %swap3A_109 = arith.constant 208 : index
    %swap3A_110 = tpu.vector_load %arg6[%swap3A_109] {strides = array<i32>} : memref<640xf32, #tpu.memory_space<vmem>>, vector<16xf32>,
    %swap3A_111 = vector.shape_cast %swap3A_110 : vector<16xf32> to vector<16xf32>
    %swap3A_112 = vector.shape_cast %broadcast_in_dim3A_108 : vector<16xf32> to vector<16xf32>
    tpu.vector_store %arg6[%swap3A_109], %swap3A_112 {strides = array<i32>} : memref<640xf32, #tpu.memory_space<vmem>>, vector<16xf32>,
    %broadcast_in_dim3A_113 = arith.constant 0.000000e+00 : f32
    %broadcast_in_dim3A_114 = vector.broadcast %broadcast_in_dim3A_113 : f32 to vector<16xf32>
    %swap3A_115 = arith.constant 224 : index
    %swap3A_116 = tpu.vector_load %arg6[%swap3A_115] {strides = array<i32>} : memref<640xf32, #tpu.memory_space<vmem>>, vector<16xf32>,
    %swap3A_117 = vector.shape_cast %swap3A_116 : vector<16xf32> to vector<16xf32>
    %swap3A_118 = vector.shape_cast %broadcast_in_dim3A_114 : vector<16xf32> to vector<16xf32>
    tpu.vector_store %arg6[%swap3A_115], %swap3A_118 {strides = array<i32>} : memref<640xf32, #tpu.memory_space<vmem>>, vector<16xf32>,
    %broadcast_in_dim3A_119 = arith.constant 0.000000e+00 : f32
    %broadcast_in_dim3A_120 = vector.broadcast %broadcast_in_dim3A_119 : f32 to vector<16xf32>
    %swap3A_121 = arith.constant 240 : index
    %swap3A_122 = tpu.vector_load %arg6[%swap3A_121] {strides = array<i32>} : memref<640xf32, #tpu.memory_space<vmem>>, vector<16xf32>,
    %swap3A_123 = vector.shape_cast %swap3A_122 : vector<16xf32> to vector<16xf32>
    %swap3A_124 = vector.shape_cast %broadcast_in_dim3A_120 : vector<16xf32> to vector<16xf32>
    tpu.vector_store %arg6[%swap3A_121], %swap3A_124 {strides = array<i32>} : memref<640xf32, #tpu.memory_space<vmem>>, vector<16xf32>,
    %broadcast_in_dim3A_125 = arith.constant 0.000000e+00 : f32
    %broadcast_in_dim3A_126 = vector.broadcast %broadcast_in_dim3A_125 : f32 to vector<16xf32>
    %swap3A_127 = arith.constant 256 : index
    %swap3A_128 = tpu.vector_load %arg6[%swap3A_127] {strides = array<i32>} : memref<640xf32, #tpu.memory_space<vmem>>, vector<16xf32>,
    %swap3A_129 = vector.shape_cast %swap3A_128 : vector<16xf32> to vector<16xf32>
    %swap3A_130 = vector.shape_cast %broadcast_in_dim3A_126 : vector<16xf32> to vector<16xf32>
    tpu.vector_store %arg6[%swap3A_127], %swap3A_130 {strides = array<i32>} : memref<640xf32, #tpu.memory_space<vmem>>, vector<16xf32>,
    %broadcast_in_dim3A_131 = arith.constant 0.000000e+00 : f32
    %broadcast_in_dim3A_132 = vector.broadcast %broadcast_in_dim3A_131 : f32 to vector<16xf32>
    %swap3A_133 = arith.constant 272 : index
    %swap3A_134 = tpu.vector_load %arg6[%swap3A_133] {strides = array<i32>} : memref<640xf32, #tpu.memory_space<vmem>>, vector<16xf32>,
    %swap3A_135 = vector.shape_cast %swap3A_134 : vector<16xf32> to vector<16xf32>
    %swap3A_136 = vector.shape_cast %broadcast_in_dim3A_132 : vector<16xf32> to vector<16xf32>
    tpu.vector_store %arg6[%swap3A_133], %swap3A_136 {strides = array<i32>} : memref<640xf32, #tpu.memory_space<vmem>>, vector<16xf32>,
    %broadcast_in_dim3A_137 = arith.constant 0.000000e+00 : f32
    %broadcast_in_dim3A_138 = vector.broadcast %broadcast_in_dim3A_137 : f32 to vector<16xf32>
    %swap3A_139 = arith.constant 288 : index
    %swap3A_140 = tpu.vector_load %arg6[%swap3A_139] {strides = array<i32>} : memref<640xf32, #tpu.memory_space<vmem>>, vector<16xf32>,
    %swap3A_141 = vector.shape_cast %swap3A_140 : vector<16xf32> to vector<16xf32>
    %swap3A_142 = vector.shape_cast %broadcast_in_dim3A_138 : vector<16xf32> to vector<16xf32>
    tpu.vector_store %arg6[%swap3A_139], %swap3A_142 {strides = array<i32>} : memref<640xf32, #tpu.memory_space<vmem>>, vector<16xf32>,
    %broadcast_in_dim3A_143 = arith.constant 0.000000e+00 : f32
    %broadcast_in_dim3A_144 = vector.broadcast %broadcast_in_dim3A_143 : f32 to vector<16xf32>
    %swap3A_145 = arith.constant 304 : index
    %swap3A_146 = tpu.vector_load %arg6[%swap3A_145] {strides = array<i32>} : memref<640xf32, #tpu.memory_space<vmem>>, vector<16xf32>,
    %swap3A_147 = vector.shape_cast %swap3A_146 : vector<16xf32> to vector<16xf32>
    %swap3A_148 = vector.shape_cast %broadcast_in_dim3A_144 : vector<16xf32> to vector<16xf32>
    tpu.vector_store %arg6[%swap3A_145], %swap3A_148 {strides = array<i32>} : memref<640xf32, #tpu.memory_space<vmem>>, vector<16xf32>,
    %broadcast_in_dim3A_149 = arith.constant 0.000000e+00 : f32
    %broadcast_in_dim3A_150 = vector.broadcast %broadcast_in_dim3A_149 : f32 to vector<16xf32>
    %swap3A_151 = arith.constant 320 : index
    %swap3A_152 = tpu.vector_load %arg6[%swap3A_151] {strides = array<i32>} : memref<640xf32, #tpu.memory_space<vmem>>, vector<16xf32>,
    %swap3A_153 = vector.shape_cast %swap3A_152 : vector<16xf32> to vector<16xf32>
    %swap3A_154 = vector.shape_cast %broadcast_in_dim3A_150 : vector<16xf32> to vector<16xf32>
    tpu.vector_store %arg6[%swap3A_151], %swap3A_154 {strides = array<i32>} : memref<640xf32, #tpu.memory_space<vmem>>, vector<16xf32>,
    %broadcast_in_dim3A_155 = arith.constant 0.000000e+00 : f32
    %broadcast_in_dim3A_156 = vector.broadcast %broadcast_in_dim3A_155 : f32 to vector<16xf32>
    %swap3A_157 = arith.constant 336 : index
    %swap3A_158 = tpu.vector_load %arg6[%swap3A_157] {strides = array<i32>} : memref<640xf32, #tpu.memory_space<vmem>>, vector<16xf32>,
    %swap3A_159 = vector.shape_cast %swap3A_158 : vector<16xf32> to vector<16xf32>
    %swap3A_160 = vector.shape_cast %broadcast_in_dim3A_156 : vector<16xf32> to vector<16xf32>
    tpu.vector_store %arg6[%swap3A_157], %swap3A_160 {strides = array<i32>} : memref<640xf32, #tpu.memory_space<vmem>>, vector<16xf32>,
    %broadcast_in_dim3A_161 = arith.constant 0.000000e+00 : f32
    %broadcast_in_dim3A_162 = vector.broadcast %broadcast_in_dim3A_161 : f32 to vector<16xf32>
    %swap3A_163 = arith.constant 352 : index
    %swap3A_164 = tpu.vector_load %arg6[%swap3A_163] {strides = array<i32>} : memref<640xf32, #tpu.memory_space<vmem>>, vector<16xf32>,
    %swap3A_165 = vector.shape_cast %swap3A_164 : vector<16xf32> to vector<16xf32>
    %swap3A_166 = vector.shape_cast %broadcast_in_dim3A_162 : vector<16xf32> to vector<16xf32>
    tpu.vector_store %arg6[%swap3A_163], %swap3A_166 {strides = array<i32>} : memref<640xf32, #tpu.memory_space<vmem>>, vector<16xf32>,
    %broadcast_in_dim3A_167 = arith.constant 0.000000e+00 : f32
    %broadcast_in_dim3A_168 = vector.broadcast %broadcast_in_dim3A_167 : f32 to vector<16xf32>
    %swap3A_169 = arith.constant 368 : index
    %swap3A_170 = tpu.vector_load %arg6[%swap3A_169] {strides = array<i32>} : memref<640xf32, #tpu.memory_space<vmem>>, vector<16xf32>,
    %swap3A_171 = vector.shape_cast %swap3A_170 : vector<16xf32> to vector<16xf32>
    %swap3A_172 = vector.shape_cast %broadcast_in_dim3A_168 : vector<16xf32> to vector<16xf32>
    tpu.vector_store %arg6[%swap3A_169], %swap3A_172 {strides = array<i32>} : memref<640xf32, #tpu.memory_space<vmem>>, vector<16xf32>,
    %broadcast_in_dim3A_173 = arith.constant 0.000000e+00 : f32
    %broadcast_in_dim3A_174 = vector.broadcast %broadcast_in_dim3A_173 : f32 to vector<16xf32>
    %swap3A_175 = arith.constant 384 : index
    %swap3A_176 = tpu.vector_load %arg6[%swap3A_175] {strides = array<i32>} : memref<640xf32, #tpu.memory_space<vmem>>, vector<16xf32>,
    %swap3A_177 = vector.shape_cast %swap3A_176 : vector<16xf32> to vector<16xf32>
    %swap3A_178 = vector.shape_cast %broadcast_in_dim3A_174 : vector<16xf32> to vector<16xf32>
    tpu.vector_store %arg6[%swap3A_175], %swap3A_178 {strides = array<i32>} : memref<640xf32, #tpu.memory_space<vmem>>, vector<16xf32>,
    %broadcast_in_dim3A_179 = arith.constant 0.000000e+00 : f32
    %broadcast_in_dim3A_180 = vector.broadcast %broadcast_in_dim3A_179 : f32 to vector<16xf32>
    %swap3A_181 = arith.constant 400 : index
    %swap3A_182 = tpu.vector_load %arg6[%swap3A_181] {strides = array<i32>} : memref<640xf32, #tpu.memory_space<vmem>>, vector<16xf32>,
    %swap3A_183 = vector.shape_cast %swap3A_182 : vector<16xf32> to vector<16xf32>
    %swap3A_184 = vector.shape_cast %broadcast_in_dim3A_180 : vector<16xf32> to vector<16xf32>
    tpu.vector_store %arg6[%swap3A_181], %swap3A_184 {strides = array<i32>} : memref<640xf32, #tpu.memory_space<vmem>>, vector<16xf32>,
    %broadcast_in_dim3A_185 = arith.constant 0.000000e+00 : f32
    %broadcast_in_dim3A_186 = vector.broadcast %broadcast_in_dim3A_185 : f32 to vector<16xf32>
    %swap3A_187 = arith.constant 416 : index
    %swap3A_188 = tpu.vector_load %arg6[%swap3A_187] {strides = array<i32>} : memref<640xf32, #tpu.memory_space<vmem>>, vector<16xf32>,
    %swap3A_189 = vector.shape_cast %swap3A_188 : vector<16xf32> to vector<16xf32>
    %swap3A_190 = vector.shape_cast %broadcast_in_dim3A_186 : vector<16xf32> to vector<16xf32>
    tpu.vector_store %arg6[%swap3A_187], %swap3A_190 {strides = array<i32>} : memref<640xf32, #tpu.memory_space<vmem>>, vector<16xf32>,
    %broadcast_in_dim3A_191 = arith.constant 0.000000e+00 : f32
    %broadcast_in_dim3A_192 = vector.broadcast %broadcast_in_dim3A_191 : f32 to vector<16xf32>
    %swap3A_193 = arith.constant 432 : index
    %swap3A_194 = tpu.vector_load %arg6[%swap3A_193] {strides = array<i32>} : memref<640xf32, #tpu.memory_space<vmem>>, vector<16xf32>,
    %swap3A_195 = vector.shape_cast %swap3A_194 : vector<16xf32> to vector<16xf32>
    %swap3A_196 = vector.shape_cast %broadcast_in_dim3A_192 : vector<16xf32> to vector<16xf32>
    tpu.vector_store %arg6[%swap3A_193], %swap3A_196 {strides = array<i32>} : memref<640xf32, #tpu.memory_space<vmem>>, vector<16xf32>,
    %broadcast_in_dim3A_197 = arith.constant 0.000000e+00 : f32
    %broadcast_in_dim3A_198 = vector.broadcast %broadcast_in_dim3A_197 : f32 to vector<16xf32>
    %swap3A_199 = arith.constant 448 : index
    %swap3A_200 = tpu.vector_load %arg6[%swap3A_199] {strides = array<i32>} : memref<640xf32, #tpu.memory_space<vmem>>, vector<16xf32>,
    %swap3A_201 = vector.shape_cast %swap3A_200 : vector<16xf32> to vector<16xf32>
    %swap3A_202 = vector.shape_cast %broadcast_in_dim3A_198 : vector<16xf32> to vector<16xf32>
    tpu.vector_store %arg6[%swap3A_199], %swap3A_202 {strides = array<i32>} : memref<640xf32, #tpu.memory_space<vmem>>, vector<16xf32>,
    %broadcast_in_dim3A_203 = arith.constant 0.000000e+00 : f32
    %broadcast_in_dim3A_204 = vector.broadcast %broadcast_in_dim3A_203 : f32 to vector<16xf32>
    %swap3A_205 = arith.constant 464 : index
    %swap3A_206 = tpu.vector_load %arg6[%swap3A_205] {strides = array<i32>} : memref<640xf32, #tpu.memory_space<vmem>>, vector<16xf32>,
    %swap3A_207 = vector.shape_cast %swap3A_206 : vector<16xf32> to vector<16xf32>
    %swap3A_208 = vector.shape_cast %broadcast_in_dim3A_204 : vector<16xf32> to vector<16xf32>
    tpu.vector_store %arg6[%swap3A_205], %swap3A_208 {strides = array<i32>} : memref<640xf32, #tpu.memory_space<vmem>>, vector<16xf32>,
    %broadcast_in_dim3A_209 = arith.constant 0.000000e+00 : f32
    %broadcast_in_dim3A_210 = vector.broadcast %broadcast_in_dim3A_209 : f32 to vector<16xf32>
    %swap3A_211 = arith.constant 480 : index
    %swap3A_212 = tpu.vector_load %arg6[%swap3A_211] {strides = array<i32>} : memref<640xf32, #tpu.memory_space<vmem>>, vector<16xf32>,
    %swap3A_213 = vector.shape_cast %swap3A_212 : vector<16xf32> to vector<16xf32>
    %swap3A_214 = vector.shape_cast %broadcast_in_dim3A_210 : vector<16xf32> to vector<16xf32>
    tpu.vector_store %arg6[%swap3A_211], %swap3A_214 {strides = array<i32>} : memref<640xf32, #tpu.memory_space<vmem>>, vector<16xf32>,
    %broadcast_in_dim3A_215 = arith.constant 0.000000e+00 : f32
    %broadcast_in_dim3A_216 = vector.broadcast %broadcast_in_dim3A_215 : f32 to vector<16xf32>
    %swap3A_217 = arith.constant 496 : index
    %swap3A_218 = tpu.vector_load %arg6[%swap3A_217] {strides = array<i32>} : memref<640xf32, #tpu.memory_space<vmem>>, vector<16xf32>,
    %swap3A_219 = vector.shape_cast %swap3A_218 : vector<16xf32> to vector<16xf32>
    %swap3A_220 = vector.shape_cast %broadcast_in_dim3A_216 : vector<16xf32> to vector<16xf32>
    tpu.vector_store %arg6[%swap3A_217], %swap3A_220 {strides = array<i32>} : memref<640xf32, #tpu.memory_space<vmem>>, vector<16xf32>,
    %broadcast_in_dim3A_221 = arith.constant 0.000000e+00 : f32
    %broadcast_in_dim3A_222 = vector.broadcast %broadcast_in_dim3A_221 : f32 to vector<16xf32>
    %swap3A_223 = arith.constant 512 : index
    %swap3A_224 = tpu.vector_load %arg6[%swap3A_223] {strides = array<i32>} : memref<640xf32, #tpu.memory_space<vmem>>, vector<16xf32>,
    %swap3A_225 = vector.shape_cast %swap3A_224 : vector<16xf32> to vector<16xf32>
    %swap3A_226 = vector.shape_cast %broadcast_in_dim3A_222 : vector<16xf32> to vector<16xf32>
    tpu.vector_store %arg6[%swap3A_223], %swap3A_226 {strides = array<i32>} : memref<640xf32, #tpu.memory_space<vmem>>, vector<16xf32>,
    %broadcast_in_dim3A_227 = arith.constant 0.000000e+00 : f32
    %broadcast_in_dim3A_228 = vector.broadcast %broadcast_in_dim3A_227 : f32 to vector<16xf32>
    %swap3A_229 = arith.constant 528 : index
    %swap3A_230 = tpu.vector_load %arg6[%swap3A_229] {strides = array<i32>} : memref<640xf32, #tpu.memory_space<vmem>>, vector<16xf32>,
    %swap3A_231 = vector.shape_cast %swap3A_230 : vector<16xf32> to vector<16xf32>
    %swap3A_232 = vector.shape_cast %broadcast_in_dim3A_228 : vector<16xf32> to vector<16xf32>
    tpu.vector_store %arg6[%swap3A_229], %swap3A_232 {strides = array<i32>} : memref<640xf32, #tpu.memory_space<vmem>>, vector<16xf32>,
    %broadcast_in_dim3A_233 = arith.constant 0.000000e+00 : f32
    %broadcast_in_dim3A_234 = vector.broadcast %broadcast_in_dim3A_233 : f32 to vector<16xf32>
    %swap3A_235 = arith.constant 544 : index
    %swap3A_236 = tpu.vector_load %arg6[%swap3A_235] {strides = array<i32>} : memref<640xf32, #tpu.memory_space<vmem>>, vector<16xf32>,
    %swap3A_237 = vector.shape_cast %swap3A_236 : vector<16xf32> to vector<16xf32>
    %swap3A_238 = vector.shape_cast %broadcast_in_dim3A_234 : vector<16xf32> to vector<16xf32>
    tpu.vector_store %arg6[%swap3A_235], %swap3A_238 {strides = array<i32>} : memref<640xf32, #tpu.memory_space<vmem>>, vector<16xf32>,
    %broadcast_in_dim3A_239 = arith.constant 0.000000e+00 : f32
    %broadcast_in_dim3A_240 = vector.broadcast %broadcast_in_dim3A_239 : f32 to vector<16xf32>
    %swap3A_241 = arith.constant 560 : index
    %swap3A_242 = tpu.vector_load %arg6[%swap3A_241] {strides = array<i32>} : memref<640xf32, #tpu.memory_space<vmem>>, vector<16xf32>,
    %swap3A_243 = vector.shape_cast %swap3A_242 : vector<16xf32> to vector<16xf32>
    %swap3A_244 = vector.shape_cast %broadcast_in_dim3A_240 : vector<16xf32> to vector<16xf32>
    tpu.vector_store %arg6[%swap3A_241], %swap3A_244 {strides = array<i32>} : memref<640xf32, #tpu.memory_space<vmem>>, vector<16xf32>,
    %broadcast_in_dim3A_245 = arith.constant 0.000000e+00 : f32
    %broadcast_in_dim3A_246 = vector.broadcast %broadcast_in_dim3A_245 : f32 to vector<16xf32>
    %swap3A_247 = arith.constant 576 : index
    %swap3A_248 = tpu.vector_load %arg6[%swap3A_247] {strides = array<i32>} : memref<640xf32, #tpu.memory_space<vmem>>, vector<16xf32>,
    %swap3A_249 = vector.shape_cast %swap3A_248 : vector<16xf32> to vector<16xf32>
    %swap3A_250 = vector.shape_cast %broadcast_in_dim3A_246 : vector<16xf32> to vector<16xf32>
    tpu.vector_store %arg6[%swap3A_247], %swap3A_250 {strides = array<i32>} : memref<640xf32, #tpu.memory_space<vmem>>, vector<16xf32>,
    %broadcast_in_dim3A_251 = arith.constant 0.000000e+00 : f32
    %broadcast_in_dim3A_252 = vector.broadcast %broadcast_in_dim3A_251 : f32 to vector<16xf32>
    %swap3A_253 = arith.constant 592 : index
    %swap3A_254 = tpu.vector_load %arg6[%swap3A_253] {strides = array<i32>} : memref<640xf32, #tpu.memory_space<vmem>>, vector<16xf32>,
    %swap3A_255 = vector.shape_cast %swap3A_254 : vector<16xf32> to vector<16xf32>
    %swap3A_256 = vector.shape_cast %broadcast_in_dim3A_252 : vector<16xf32> to vector<16xf32>
    tpu.vector_store %arg6[%swap3A_253], %swap3A_256 {strides = array<i32>} : memref<640xf32, #tpu.memory_space<vmem>>, vector<16xf32>,
    %broadcast_in_dim3A_257 = arith.constant 0.000000e+00 : f32
    %broadcast_in_dim3A_258 = vector.broadcast %broadcast_in_dim3A_257 : f32 to vector<16xf32>
    %swap3A_259 = arith.constant 608 : index
    %swap3A_260 = tpu.vector_load %arg6[%swap3A_259] {strides = array<i32>} : memref<640xf32, #tpu.memory_space<vmem>>, vector<16xf32>,
    %swap3A_261 = vector.shape_cast %swap3A_260 : vector<16xf32> to vector<16xf32>
    %swap3A_262 = vector.shape_cast %broadcast_in_dim3A_258 : vector<16xf32> to vector<16xf32>
    tpu.vector_store %arg6[%swap3A_259], %swap3A_262 {strides = array<i32>} : memref<640xf32, #tpu.memory_space<vmem>>, vector<16xf32>,
    %broadcast_in_dim3A_263 = arith.constant 0.000000e+00 : f32
    %broadcast_in_dim3A_264 = vector.broadcast %broadcast_in_dim3A_263 : f32 to vector<16xf32>
    %swap3A_265 = arith.constant 624 : index
    %swap3A_266 = tpu.vector_load %arg6[%swap3A_265] {strides = array<i32>} : memref<640xf32, #tpu.memory_space<vmem>>, vector<16xf32>,
    %swap3A_267 = vector.shape_cast %swap3A_266 : vector<16xf32> to vector<16xf32>
    %swap3A_268 = vector.shape_cast %broadcast_in_dim3A_264 : vector<16xf32> to vector<16xf32>
    tpu.vector_store %arg6[%swap3A_265], %swap3A_268 {strides = array<i32>} : memref<640xf32, #tpu.memory_space<vmem>>, vector<16xf32>,
    %mul3A_269 = arith.constant 640 : i32
    %mul3A_270 = arith.muli %arg1, %mul3A_269 : i32
    "tpu.region"() ({
      %run_scoped3A = tpu.sem_alloc : memref<!tpu.dma_semaphore, #tpu.memory_space<semaphore_mem>>
      %dma_start3A = arith.constant 0 : i32
      %dma_start3A_281 = arith.constant 0 : i32
      %dma_start3A_282 = tpu.memref_slice %arg2[%add3A, %dma_start3A, %dma_start3A_281] : memref<32x125x80xi32, #tpu.memory_space<hbm>> -> memref<1x125x80xi32, #tpu.memory_space<hbm>>
      %dma_start3A_283 = tpu.memref_squeeze %dma_start3A_282 : memref<1x125x80xi32, #tpu.memory_space<hbm>> -> memref<125x80xi32, #tpu.memory_space<hbm>>
      %dma_start3A_284 = arith.constant 0 : i32
      %dma_start3A_285 = arith.constant 0 : i32
      %dma_start3A_286 = tpu.memref_slice %arg2[%add3A, %dma_start3A_284, %dma_start3A_285] : memref<32x125x80xi32, #tpu.memory_space<hbm>> -> memref<1x125x80xi32, #tpu.memory_space<hbm>>
      %dma_start3A_287 = tpu.memref_squeeze %dma_start3A_286 : memref<1x125x80xi32, #tpu.memory_space<hbm>> -> memref<125x80xi32, #tpu.memory_space<hbm>>
      tpu.enqueue_dma source(%dma_start3A_287 : memref<125x80xi32, #tpu.memory_space<hbm>>) target(%arg4 : memref<125x80xi32, #tpu.memory_space<vmem>>) target_semaphore(%run_scoped3A : memref<!tpu.dma_semaphore, #tpu.memory_space<semaphore_mem>>)
      %dma_wait3A = arith.constant 0 : i32
      %dma_wait3A_288 = arith.constant 0 : i32
      %dma_wait3A_289 = tpu.memref_slice %arg2[%add3A, %dma_wait3A, %dma_wait3A_288] : memref<32x125x80xi32, #tpu.memory_space<hbm>> -> memref<1x125x80xi32, #tpu.memory_space<hbm>>
      %dma_wait3A_290 = tpu.memref_squeeze %dma_wait3A_289 : memref<1x125x80xi32, #tpu.memory_space<hbm>> -> memref<125x80xi32, #tpu.memory_space<hbm>>
      %dma_wait3A_291 = arith.constant 0 : i32
      %dma_wait3A_292 = arith.constant 0 : i32
      %dma_wait3A_293 = tpu.memref_slice %arg2[%add3A, %dma_wait3A_291, %dma_wait3A_292] : memref<32x125x80xi32, #tpu.memory_space<hbm>> -> memref<1x125x80xi32, #tpu.memory_space<hbm>>
      %dma_wait3A_294 = tpu.memref_squeeze %dma_wait3A_293 : memref<1x125x80xi32, #tpu.memory_space<hbm>> -> memref<125x80xi32, #tpu.memory_space<hbm>>
      tpu.wait_dma2 semaphore(%run_scoped3A : memref<!tpu.dma_semaphore, #tpu.memory_space<semaphore_mem>>) src(%dma_wait3A_294 : memref<125x80xi32, #tpu.memory_space<hbm>>) dst(%arg4 : memref<125x80xi32, #tpu.memory_space<vmem>>)
      tpu.yield
    }) : () -> ()
    "tpu.region"() ({
      %run_scoped3A = tpu.sem_alloc : memref<!tpu.dma_semaphore, #tpu.memory_space<semaphore_mem>>
      %dma_start3A = tpu.memref_slice %arg8[%mul3A_270] : memref<10240xf32, #tpu.memory_space<vmem_shared>> -> memref<640xf32, #tpu.memory_space<vmem_shared>>
      %dma_start3A_281 = tpu.memref_slice %arg8[%mul3A_270] : memref<10240xf32, #tpu.memory_space<vmem_shared>> -> memref<640xf32, #tpu.memory_space<vmem_shared>>
      tpu.enqueue_dma source(%arg6 : memref<640xf32, #tpu.memory_space<vmem>>) target(%dma_start3A_281 : memref<640xf32, #tpu.memory_space<vmem_shared>>) target_semaphore(%run_scoped3A : memref<!tpu.dma_semaphore, #tpu.memory_space<semaphore_mem>>)
      %dma_wait3A = tpu.memref_slice %arg8[%mul3A_270] : memref<10240xf32, #tpu.memory_space<vmem_shared>> -> memref<640xf32, #tpu.memory_space<vmem_shared>>
      %dma_wait3A_282 = tpu.memref_slice %arg8[%mul3A_270] : memref<10240xf32, #tpu.memory_space<vmem_shared>> -> memref<640xf32, #tpu.memory_space<vmem_shared>>
      tpu.wait_dma2 semaphore(%run_scoped3A : memref<!tpu.dma_semaphore, #tpu.memory_space<semaphore_mem>>) src(%arg6 : memref<640xf32, #tpu.memory_space<vmem>>) dst(%dma_wait3A_282 : memref<640xf32, #tpu.memory_space<vmem_shared>>)
      tpu.yield
    }) : () -> ()
    %barrier3A = arith.constant 0 : index
    tpu.barrier barrier_id(%barrier3A)
    %scan3A = arith.constant 0 : i32
    %scan3A_271 = arith.constant 125 : i32
    %scan3A_272 = arith.addi %scan3A, %scan3A_271 : i32
    %scan3A_273 = arith.constant 1 : i32
    scf.for %scan3A_281 = %scan3A to %scan3A_272 step %scan3A_273  : i32 {
      %dma_start3A = arith.constant 0 : i32
      %dma_start3A_282 = tpu.memref_slice %arg4[%scan3A_281, %dma_start3A] : memref<125x80xi32, #tpu.memory_space<vmem>> -> memref<1x80xi32, #tpu.memory_space<vmem>>
      %dma_start3A_283 = tpu.memref_squeeze %dma_start3A_282 : memref<1x80xi32, #tpu.memory_space<vmem>> -> memref<80xi32, #tpu.memory_space<vmem>>
      %dma_start3A_284 = arith.constant 0 : i32
      %dma_start3A_285 = tpu.memref_slice %arg8[%dma_start3A_284] : memref<10240xf32, #tpu.memory_space<vmem_shared>> -> memref<10240xf32, #tpu.memory_space<vmem_shared>>
      tpu.enqueue_indirect_dma source(%arg5 : memref<80xf32, #tpu.memory_space<vmem>>) target(%dma_start3A_285 : memref<10240xf32, #tpu.memory_space<vmem_shared>>) offsets(%dma_start3A_283 : memref<80xi32, #tpu.memory_space<vmem>>) semaphore(%arg7 : memref<!tpu.dma_semaphore, #tpu.memory_space<semaphore_mem>>) {add = true}
    }
    %scan3A_274 = arith.constant 125 : i32
    %scan3A_275 = arith.constant 0 : i32
    %scan3A_276 = arith.constant 125 : i32
    %scan3A_277 = arith.addi %scan3A_275, %scan3A_276 : i32
    %scan3A_278 = arith.constant 1 : i32
    scf.for %scan3A_281 = %scan3A_275 to %scan3A_277 step %scan3A_278  : i32 {
      %dma_wait3A = arith.constant 0 : i32
      %dma_wait3A_282 = arith.constant 0 : i32
      %dma_wait3A_283 = tpu.memref_slice %arg4[%dma_wait3A, %dma_wait3A_282] : memref<125x80xi32, #tpu.memory_space<vmem>> -> memref<1x80xi32, #tpu.memory_space<vmem>>
      %dma_wait3A_284 = tpu.memref_squeeze %dma_wait3A_283 : memref<1x80xi32, #tpu.memory_space<vmem>> -> memref<80xi32, #tpu.memory_space<vmem>>
      %dma_wait3A_285 = arith.constant 0 : i32
      %dma_wait3A_286 = tpu.memref_slice %arg8[%dma_wait3A_285] : memref<10240xf32, #tpu.memory_space<vmem_shared>> -> memref<10240xf32, #tpu.memory_space<vmem_shared>>
      tpu.wait_indirect_dma semaphore(%arg7 : memref<!tpu.dma_semaphore, #tpu.memory_space<semaphore_mem>>) src(%arg5 : memref<80xf32, #tpu.memory_space<vmem>>) dst(%dma_wait3A_286 : memref<10240xf32, #tpu.memory_space<vmem_shared>>)
    }
    %scan3A_279 = arith.constant 125 : i32
    %barrier3A_280 = arith.constant 0 : index
    tpu.barrier barrier_id(%barrier3A_280)
    "tpu.region"() ({
      %run_scoped3A = tpu.sem_alloc : memref<!tpu.dma_semaphore, #tpu.memory_space<semaphore_mem>>
      %dma_start3A = tpu.memref_slice %arg3[%arg0, %mul3A_270] : memref<2x10240xf32, #tpu.memory_space<hbm>> -> memref<1x640xf32, #tpu.memory_space<hbm>>
      %dma_start3A_281 = tpu.memref_squeeze %dma_start3A : memref<1x640xf32, #tpu.memory_space<hbm>> -> memref<640xf32, #tpu.memory_space<hbm>>
      %dma_start3A_282 = tpu.memref_slice %arg8[%mul3A_270] : memref<10240xf32, #tpu.memory_space<vmem_shared>> -> memref<640xf32, #tpu.memory_space<vmem_shared>>
      tpu.enqueue_dma source(%dma_start3A_282 : memref<640xf32, #tpu.memory_space<vmem_shared>>) target(%dma_start3A_281 : memref<640xf32, #tpu.memory_space<hbm>>) target_semaphore(%run_scoped3A : memref<!tpu.dma_semaphore, #tpu.memory_space<semaphore_mem>>)
      %dma_wait3A = tpu.memref_slice %arg3[%arg0, %mul3A_270] : memref<2x10240xf32, #tpu.memory_space<hbm>> -> memref<1x640xf32, #tpu.memory_space<hbm>>
      %dma_wait3A_283 = tpu.memref_squeeze %dma_wait3A : memref<1x640xf32, #tpu.memory_space<hbm>> -> memref<640xf32, #tpu.memory_space<hbm>>
      %dma_wait3A_284 = tpu.memref_slice %arg8[%mul3A_270] : memref<10240xf32, #tpu.memory_space<vmem_shared>> -> memref<640xf32, #tpu.memory_space<vmem_shared>>
      tpu.wait_dma2 semaphore(%run_scoped3A : memref<!tpu.dma_semaphore, #tpu.memory_space<semaphore_mem>>) src(%dma_wait3A_284 : memref<640xf32, #tpu.memory_space<vmem_shared>>) dst(%dma_wait3A_283 : memref<640xf32, #tpu.memory_space<hbm>>)
      tpu.yield
    }) : () -> ()
    return
  }
}

#map = affine_map<(d0, d1) -> (0, 0, 0)>
#map1 = affine_map<(d0, d1) -> (0, 0)>
module attributes {stable_mosaic.version = 14 : i64} {
  func.func @_sc_scatter(%arg0: i32, %arg1: i32, %arg2: memref<32x125x80xi32, #tpu.memory_space<hbm>>, %arg3: memref<32x125x80xi32, #tpu.memory_space<hbm>>, %arg4: memref<10240x128xf32, #tpu.memory_space<hbm>>, %arg5: memref<640x128xf32, #tpu.memory_space<hbm>>, %arg6: memref<2x10240x128xf32, #tpu.memory_space<hbm>>, %arg7: memref<8x80xi32, #tpu.memory_space<vmem>>, %arg8: memref<8x80xi32, #tpu.memory_space<vmem>>, %arg9: memref<80x128xf32, #tpu.memory_space<vmem>>, %arg10: memref<80x128xf32, #tpu.memory_space<vmem>>, %arg11: memref<80x128xf32, #tpu.memory_space<vmem>>, %arg12: memref<80x128xf32, #tpu.memory_space<vmem>>, %arg13: memref<!tpu.dma_semaphore, #tpu.memory_space<semaphore_mem>>, %arg14: memref<!tpu.dma_semaphore, #tpu.memory_space<semaphore_mem>>, %arg15: memref<!tpu.dma_semaphore, #tpu.memory_space<semaphore_mem>>, %arg16: memref<!tpu.dma_semaphore, #tpu.memory_space<semaphore_mem>>, %arg17: memref<!tpu.dma_semaphore, #tpu.memory_space<semaphore_mem>>, %arg18: memref<!tpu.dma_semaphore, #tpu.memory_space<semaphore_mem>>, %arg19: memref<!tpu.dma_semaphore, #tpu.memory_space<semaphore_mem>>, %arg20: memref<!tpu.dma_semaphore, #tpu.memory_space<semaphore_mem>>, %arg21: memref<!tpu.dma_semaphore, #tpu.memory_space<semaphore_mem>>, %arg22: memref<!tpu.dma_semaphore, #tpu.memory_space<semaphore_mem>>, %arg23: memref<!tpu.dma_semaphore, #tpu.memory_space<semaphore_mem>>, %arg24: memref<!tpu.dma_semaphore, #tpu.memory_space<semaphore_mem>>, %arg25: memref<!tpu.dma_semaphore, #tpu.memory_space<semaphore_mem>>, %arg26: memref<!tpu.dma_semaphore, #tpu.memory_space<semaphore_mem>>, %arg27: memref<!tpu.dma_semaphore, #tpu.memory_space<semaphore_mem>>, %arg28: memref<!tpu.dma_semaphore, #tpu.memory_space<semaphore_mem>>, %arg29: memref<10240x128xf32, #tpu.memory_space<vmem_shared>>) attributes {dimension_semantics = [#tpu.dimension_semantics<core_parallel>, #tpu.dimension_semantics<subcore_parallel>], iteration_bounds = array<i64: 2, 16>, scalar_prefetch = 0 : i64, scratch_operands = 23 : i64, tpu.core_type = #tpu.core_type<sc_vector_subcore>, window_params = [{transform_indices = #map}, {transform_indices = #map}, {transform_indices = #map1}, {transform_indices = #map1}, {transform_indices = #map}]} {
    %mul3A = arith.constant 16 : i32
    %mul3A_0 = arith.muli %arg0, %mul3A : i32
    %add3A = arith.addi %mul3A_0, %arg1 : i32
    %mul3A_1 = arith.constant 640 : i32
    %mul3A_2 = arith.muli %arg1, %mul3A_1 : i32
    %dma_start3A = arith.constant 0 : i32
    %dma_start3A_3 = arith.constant 0 : i32
    %dma_start3A_4 = arith.constant 0 : i32
    %dma_start3A_5 = tpu.memref_slice %arg7[%dma_start3A_3, %dma_start3A_4] : memref<8x80xi32, #tpu.memory_space<vmem>> -> memref<1x80xi32, #tpu.memory_space<vmem>>
    %dma_start3A_6 = tpu.memref_squeeze %dma_start3A_5 : memref<1x80xi32, #tpu.memory_space<vmem>> -> memref<80xi32, #tpu.memory_space<vmem>>
    %dma_start3A_7 = arith.constant 0 : i32
    %dma_start3A_8 = tpu.memref_slice %arg2[%add3A, %dma_start3A, %dma_start3A_7] : memref<32x125x80xi32, #tpu.memory_space<hbm>> -> memref<1x1x80xi32, #tpu.memory_space<hbm>>
    %dma_start3A_9 = tpu.memref_squeeze %dma_start3A_8 : memref<1x1x80xi32, #tpu.memory_space<hbm>> -> memref<80xi32, #tpu.memory_space<hbm>>
    %dma_start3A_10 = arith.constant 0 : i32
    %dma_start3A_11 = tpu.memref_slice %arg7[%dma_start3A_3, %dma_start3A_10] : memref<8x80xi32, #tpu.memory_space<vmem>> -> memref<1x80xi32, #tpu.memory_space<vmem>>
    %dma_start3A_12 = tpu.memref_squeeze %dma_start3A_11 : memref<1x80xi32, #tpu.memory_space<vmem>> -> memref<80xi32, #tpu.memory_space<vmem>>
    %dma_start3A_13 = arith.constant 0 : i32
    %dma_start3A_14 = tpu.memref_slice %arg2[%add3A, %dma_start3A, %dma_start3A_13] : memref<32x125x80xi32, #tpu.memory_space<hbm>> -> memref<1x1x80xi32, #tpu.memory_space<hbm>>
    %dma_start3A_15 = tpu.memref_squeeze %dma_start3A_14 : memref<1x1x80xi32, #tpu.memory_space<hbm>> -> memref<80xi32, #tpu.memory_space<hbm>>
    tpu.enqueue_dma source(%dma_start3A_15 : memref<80xi32, #tpu.memory_space<hbm>>) target(%dma_start3A_12 : memref<80xi32, #tpu.memory_space<vmem>>) target_semaphore(%arg13 : memref<!tpu.dma_semaphore, #tpu.memory_space<semaphore_mem>>)
    %dma_start3A_16 = arith.constant 0 : i32
    %dma_start3A_17 = arith.constant 0 : i32
    %dma_start3A_18 = arith.constant 0 : i32
    %dma_start3A_19 = tpu.memref_slice %arg8[%dma_start3A_17, %dma_start3A_18] : memref<8x80xi32, #tpu.memory_space<vmem>> -> memref<1x80xi32, #tpu.memory_space<vmem>>
    %dma_start3A_20 = tpu.memref_squeeze %dma_start3A_19 : memref<1x80xi32, #tpu.memory_space<vmem>> -> memref<80xi32, #tpu.memory_space<vmem>>
    %dma_start3A_21 = arith.constant 0 : i32
    %dma_start3A_22 = tpu.memref_slice %arg3[%add3A, %dma_start3A_16, %dma_start3A_21] : memref<32x125x80xi32, #tpu.memory_space<hbm>> -> memref<1x1x80xi32, #tpu.memory_space<hbm>>
    %dma_start3A_23 = tpu.memref_squeeze %dma_start3A_22 : memref<1x1x80xi32, #tpu.memory_space<hbm>> -> memref<80xi32, #tpu.memory_space<hbm>>
    %dma_start3A_24 = arith.constant 0 : i32
    %dma_start3A_25 = tpu.memref_slice %arg8[%dma_start3A_17, %dma_start3A_24] : memref<8x80xi32, #tpu.memory_space<vmem>> -> memref<1x80xi32, #tpu.memory_space<vmem>>
    %dma_start3A_26 = tpu.memref_squeeze %dma_start3A_25 : memref<1x80xi32, #tpu.memory_space<vmem>> -> memref<80xi32, #tpu.memory_space<vmem>>
    %dma_start3A_27 = arith.constant 0 : i32
    %dma_start3A_28 = tpu.memref_slice %arg3[%add3A, %dma_start3A_16, %dma_start3A_27] : memref<32x125x80xi32, #tpu.memory_space<hbm>> -> memref<1x1x80xi32, #tpu.memory_space<hbm>>
    %dma_start3A_29 = tpu.memref_squeeze %dma_start3A_28 : memref<1x1x80xi32, #tpu.memory_space<hbm>> -> memref<80xi32, #tpu.memory_space<hbm>>
    tpu.enqueue_dma source(%dma_start3A_29 : memref<80xi32, #tpu.memory_space<hbm>>) target(%dma_start3A_26 : memref<80xi32, #tpu.memory_space<vmem>>) target_semaphore(%arg13 : memref<!tpu.dma_semaphore, #tpu.memory_space<semaphore_mem>>)
    %dma_start3A_30 = arith.constant 1 : i32
    %dma_start3A_31 = arith.constant 1 : i32
    %dma_start3A_32 = arith.constant 0 : i32
    %dma_start3A_33 = tpu.memref_slice %arg7[%dma_start3A_31, %dma_start3A_32] : memref<8x80xi32, #tpu.memory_space<vmem>> -> memref<1x80xi32, #tpu.memory_space<vmem>>
    %dma_start3A_34 = tpu.memref_squeeze %dma_start3A_33 : memref<1x80xi32, #tpu.memory_space<vmem>> -> memref<80xi32, #tpu.memory_space<vmem>>
    %dma_start3A_35 = arith.constant 0 : i32
    %dma_start3A_36 = tpu.memref_slice %arg2[%add3A, %dma_start3A_30, %dma_start3A_35] : memref<32x125x80xi32, #tpu.memory_space<hbm>> -> memref<1x1x80xi32, #tpu.memory_space<hbm>>
    %dma_start3A_37 = tpu.memref_squeeze %dma_start3A_36 : memref<1x1x80xi32, #tpu.memory_space<hbm>> -> memref<80xi32, #tpu.memory_space<hbm>>
    %dma_start3A_38 = arith.constant 0 : i32
    %dma_start3A_39 = tpu.memref_slice %arg7[%dma_start3A_31, %dma_start3A_38] : memref<8x80xi32, #tpu.memory_space<vmem>> -> memref<1x80xi32, #tpu.memory_space<vmem>>
    %dma_start3A_40 = tpu.memref_squeeze %dma_start3A_39 : memref<1x80xi32, #tpu.memory_space<vmem>> -> memref<80xi32, #tpu.memory_space<vmem>>
    %dma_start3A_41 = arith.constant 0 : i32
    %dma_start3A_42 = tpu.memref_slice %arg2[%add3A, %dma_start3A_30, %dma_start3A_41] : memref<32x125x80xi32, #tpu.memory_space<hbm>> -> memref<1x1x80xi32, #tpu.memory_space<hbm>>
    %dma_start3A_43 = tpu.memref_squeeze %dma_start3A_42 : memref<1x1x80xi32, #tpu.memory_space<hbm>> -> memref<80xi32, #tpu.memory_space<hbm>>
    tpu.enqueue_dma source(%dma_start3A_43 : memref<80xi32, #tpu.memory_space<hbm>>) target(%dma_start3A_40 : memref<80xi32, #tpu.memory_space<vmem>>) target_semaphore(%arg14 : memref<!tpu.dma_semaphore, #tpu.memory_space<semaphore_mem>>)
    %dma_start3A_44 = arith.constant 1 : i32
    %dma_start3A_45 = arith.constant 1 : i32
    %dma_start3A_46 = arith.constant 0 : i32
    %dma_start3A_47 = tpu.memref_slice %arg8[%dma_start3A_45, %dma_start3A_46] : memref<8x80xi32, #tpu.memory_space<vmem>> -> memref<1x80xi32, #tpu.memory_space<vmem>>
    %dma_start3A_48 = tpu.memref_squeeze %dma_start3A_47 : memref<1x80xi32, #tpu.memory_space<vmem>> -> memref<80xi32, #tpu.memory_space<vmem>>
    %dma_start3A_49 = arith.constant 0 : i32
    %dma_start3A_50 = tpu.memref_slice %arg3[%add3A, %dma_start3A_44, %dma_start3A_49] : memref<32x125x80xi32, #tpu.memory_space<hbm>> -> memref<1x1x80xi32, #tpu.memory_space<hbm>>
    %dma_start3A_51 = tpu.memref_squeeze %dma_start3A_50 : memref<1x1x80xi32, #tpu.memory_space<hbm>> -> memref<80xi32, #tpu.memory_space<hbm>>
    %dma_start3A_52 = arith.constant 0 : i32
    %dma_start3A_53 = tpu.memref_slice %arg8[%dma_start3A_45, %dma_start3A_52] : memref<8x80xi32, #tpu.memory_space<vmem>> -> memref<1x80xi32, #tpu.memory_space<vmem>>
    %dma_start3A_54 = tpu.memref_squeeze %dma_start3A_53 : memref<1x80xi32, #tpu.memory_space<vmem>> -> memref<80xi32, #tpu.memory_space<vmem>>
    %dma_start3A_55 = arith.constant 0 : i32
    %dma_start3A_56 = tpu.memref_slice %arg3[%add3A, %dma_start3A_44, %dma_start3A_55] : memref<32x125x80xi32, #tpu.memory_space<hbm>> -> memref<1x1x80xi32, #tpu.memory_space<hbm>>
    %dma_start3A_57 = tpu.memref_squeeze %dma_start3A_56 : memref<1x1x80xi32, #tpu.memory_space<hbm>> -> memref<80xi32, #tpu.memory_space<hbm>>
    tpu.enqueue_dma source(%dma_start3A_57 : memref<80xi32, #tpu.memory_space<hbm>>) target(%dma_start3A_54 : memref<80xi32, #tpu.memory_space<vmem>>) target_semaphore(%arg14 : memref<!tpu.dma_semaphore, #tpu.memory_space<semaphore_mem>>)
    %dma_start3A_58 = arith.constant 2 : i32
    %dma_start3A_59 = arith.constant 2 : i32
    %dma_start3A_60 = arith.constant 0 : i32
    %dma_start3A_61 = tpu.memref_slice %arg7[%dma_start3A_59, %dma_start3A_60] : memref<8x80xi32, #tpu.memory_space<vmem>> -> memref<1x80xi32, #tpu.memory_space<vmem>>
    %dma_start3A_62 = tpu.memref_squeeze %dma_start3A_61 : memref<1x80xi32, #tpu.memory_space<vmem>> -> memref<80xi32, #tpu.memory_space<vmem>>
    %dma_start3A_63 = arith.constant 0 : i32
    %dma_start3A_64 = tpu.memref_slice %arg2[%add3A, %dma_start3A_58, %dma_start3A_63] : memref<32x125x80xi32, #tpu.memory_space<hbm>> -> memref<1x1x80xi32, #tpu.memory_space<hbm>>
    %dma_start3A_65 = tpu.memref_squeeze %dma_start3A_64 : memref<1x1x80xi32, #tpu.memory_space<hbm>> -> memref<80xi32, #tpu.memory_space<hbm>>
    %dma_start3A_66 = arith.constant 0 : i32
    %dma_start3A_67 = tpu.memref_slice %arg7[%dma_start3A_59, %dma_start3A_66] : memref<8x80xi32, #tpu.memory_space<vmem>> -> memref<1x80xi32, #tpu.memory_space<vmem>>
    %dma_start3A_68 = tpu.memref_squeeze %dma_start3A_67 : memref<1x80xi32, #tpu.memory_space<vmem>> -> memref<80xi32, #tpu.memory_space<vmem>>
    %dma_start3A_69 = arith.constant 0 : i32
    %dma_start3A_70 = tpu.memref_slice %arg2[%add3A, %dma_start3A_58, %dma_start3A_69] : memref<32x125x80xi32, #tpu.memory_space<hbm>> -> memref<1x1x80xi32, #tpu.memory_space<hbm>>
    %dma_start3A_71 = tpu.memref_squeeze %dma_start3A_70 : memref<1x1x80xi32, #tpu.memory_space<hbm>> -> memref<80xi32, #tpu.memory_space<hbm>>
    tpu.enqueue_dma source(%dma_start3A_71 : memref<80xi32, #tpu.memory_space<hbm>>) target(%dma_start3A_68 : memref<80xi32, #tpu.memory_space<vmem>>) target_semaphore(%arg15 : memref<!tpu.dma_semaphore, #tpu.memory_space<semaphore_mem>>)
    %dma_start3A_72 = arith.constant 2 : i32
    %dma_start3A_73 = arith.constant 2 : i32
    %dma_start3A_74 = arith.constant 0 : i32
    %dma_start3A_75 = tpu.memref_slice %arg8[%dma_start3A_73, %dma_start3A_74] : memref<8x80xi32, #tpu.memory_space<vmem>> -> memref<1x80xi32, #tpu.memory_space<vmem>>
    %dma_start3A_76 = tpu.memref_squeeze %dma_start3A_75 : memref<1x80xi32, #tpu.memory_space<vmem>> -> memref<80xi32, #tpu.memory_space<vmem>>
    %dma_start3A_77 = arith.constant 0 : i32
    %dma_start3A_78 = tpu.memref_slice %arg3[%add3A, %dma_start3A_72, %dma_start3A_77] : memref<32x125x80xi32, #tpu.memory_space<hbm>> -> memref<1x1x80xi32, #tpu.memory_space<hbm>>
    %dma_start3A_79 = tpu.memref_squeeze %dma_start3A_78 : memref<1x1x80xi32, #tpu.memory_space<hbm>> -> memref<80xi32, #tpu.memory_space<hbm>>
    %dma_start3A_80 = arith.constant 0 : i32
    %dma_start3A_81 = tpu.memref_slice %arg8[%dma_start3A_73, %dma_start3A_80] : memref<8x80xi32, #tpu.memory_space<vmem>> -> memref<1x80xi32, #tpu.memory_space<vmem>>
    %dma_start3A_82 = tpu.memref_squeeze %dma_start3A_81 : memref<1x80xi32, #tpu.memory_space<vmem>> -> memref<80xi32, #tpu.memory_space<vmem>>
    %dma_start3A_83 = arith.constant 0 : i32
    %dma_start3A_84 = tpu.memref_slice %arg3[%add3A, %dma_start3A_72, %dma_start3A_83] : memref<32x125x80xi32, #tpu.memory_space<hbm>> -> memref<1x1x80xi32, #tpu.memory_space<hbm>>
    %dma_start3A_85 = tpu.memref_squeeze %dma_start3A_84 : memref<1x1x80xi32, #tpu.memory_space<hbm>> -> memref<80xi32, #tpu.memory_space<hbm>>
    tpu.enqueue_dma source(%dma_start3A_85 : memref<80xi32, #tpu.memory_space<hbm>>) target(%dma_start3A_82 : memref<80xi32, #tpu.memory_space<vmem>>) target_semaphore(%arg15 : memref<!tpu.dma_semaphore, #tpu.memory_space<semaphore_mem>>)
    %dma_start3A_86 = arith.constant 3 : i32
    %dma_start3A_87 = arith.constant 3 : i32
    %dma_start3A_88 = arith.constant 0 : i32
    %dma_start3A_89 = tpu.memref_slice %arg7[%dma_start3A_87, %dma_start3A_88] : memref<8x80xi32, #tpu.memory_space<vmem>> -> memref<1x80xi32, #tpu.memory_space<vmem>>
    %dma_start3A_90 = tpu.memref_squeeze %dma_start3A_89 : memref<1x80xi32, #tpu.memory_space<vmem>> -> memref<80xi32, #tpu.memory_space<vmem>>
    %dma_start3A_91 = arith.constant 0 : i32
    %dma_start3A_92 = tpu.memref_slice %arg2[%add3A, %dma_start3A_86, %dma_start3A_91] : memref<32x125x80xi32, #tpu.memory_space<hbm>> -> memref<1x1x80xi32, #tpu.memory_space<hbm>>
    %dma_start3A_93 = tpu.memref_squeeze %dma_start3A_92 : memref<1x1x80xi32, #tpu.memory_space<hbm>> -> memref<80xi32, #tpu.memory_space<hbm>>
    %dma_start3A_94 = arith.constant 0 : i32
    %dma_start3A_95 = tpu.memref_slice %arg7[%dma_start3A_87, %dma_start3A_94] : memref<8x80xi32, #tpu.memory_space<vmem>> -> memref<1x80xi32, #tpu.memory_space<vmem>>
    %dma_start3A_96 = tpu.memref_squeeze %dma_start3A_95 : memref<1x80xi32, #tpu.memory_space<vmem>> -> memref<80xi32, #tpu.memory_space<vmem>>
    %dma_start3A_97 = arith.constant 0 : i32
    %dma_start3A_98 = tpu.memref_slice %arg2[%add3A, %dma_start3A_86, %dma_start3A_97] : memref<32x125x80xi32, #tpu.memory_space<hbm>> -> memref<1x1x80xi32, #tpu.memory_space<hbm>>
    %dma_start3A_99 = tpu.memref_squeeze %dma_start3A_98 : memref<1x1x80xi32, #tpu.memory_space<hbm>> -> memref<80xi32, #tpu.memory_space<hbm>>
    tpu.enqueue_dma source(%dma_start3A_99 : memref<80xi32, #tpu.memory_space<hbm>>) target(%dma_start3A_96 : memref<80xi32, #tpu.memory_space<vmem>>) target_semaphore(%arg16 : memref<!tpu.dma_semaphore, #tpu.memory_space<semaphore_mem>>)
    %dma_start3A_100 = arith.constant 3 : i32
    %dma_start3A_101 = arith.constant 3 : i32
    %dma_start3A_102 = arith.constant 0 : i32
    %dma_start3A_103 = tpu.memref_slice %arg8[%dma_start3A_101, %dma_start3A_102] : memref<8x80xi32, #tpu.memory_space<vmem>> -> memref<1x80xi32, #tpu.memory_space<vmem>>
    %dma_start3A_104 = tpu.memref_squeeze %dma_start3A_103 : memref<1x80xi32, #tpu.memory_space<vmem>> -> memref<80xi32, #tpu.memory_space<vmem>>
    %dma_start3A_105 = arith.constant 0 : i32
    %dma_start3A_106 = tpu.memref_slice %arg3[%add3A, %dma_start3A_100, %dma_start3A_105] : memref<32x125x80xi32, #tpu.memory_space<hbm>> -> memref<1x1x80xi32, #tpu.memory_space<hbm>>
    %dma_start3A_107 = tpu.memref_squeeze %dma_start3A_106 : memref<1x1x80xi32, #tpu.memory_space<hbm>> -> memref<80xi32, #tpu.memory_space<hbm>>
    %dma_start3A_108 = arith.constant 0 : i32
    %dma_start3A_109 = tpu.memref_slice %arg8[%dma_start3A_101, %dma_start3A_108] : memref<8x80xi32, #tpu.memory_space<vmem>> -> memref<1x80xi32, #tpu.memory_space<vmem>>
    %dma_start3A_110 = tpu.memref_squeeze %dma_start3A_109 : memref<1x80xi32, #tpu.memory_space<vmem>> -> memref<80xi32, #tpu.memory_space<vmem>>
    %dma_start3A_111 = arith.constant 0 : i32
    %dma_start3A_112 = tpu.memref_slice %arg3[%add3A, %dma_start3A_100, %dma_start3A_111] : memref<32x125x80xi32, #tpu.memory_space<hbm>> -> memref<1x1x80xi32, #tpu.memory_space<hbm>>
    %dma_start3A_113 = tpu.memref_squeeze %dma_start3A_112 : memref<1x1x80xi32, #tpu.memory_space<hbm>> -> memref<80xi32, #tpu.memory_space<hbm>>
    tpu.enqueue_dma source(%dma_start3A_113 : memref<80xi32, #tpu.memory_space<hbm>>) target(%dma_start3A_110 : memref<80xi32, #tpu.memory_space<vmem>>) target_semaphore(%arg16 : memref<!tpu.dma_semaphore, #tpu.memory_space<semaphore_mem>>)
    %dma_start3A_114 = arith.constant 4 : i32
    %dma_start3A_115 = arith.constant 4 : i32
    %dma_start3A_116 = arith.constant 0 : i32
    %dma_start3A_117 = tpu.memref_slice %arg7[%dma_start3A_115, %dma_start3A_116] : memref<8x80xi32, #tpu.memory_space<vmem>> -> memref<1x80xi32, #tpu.memory_space<vmem>>
    %dma_start3A_118 = tpu.memref_squeeze %dma_start3A_117 : memref<1x80xi32, #tpu.memory_space<vmem>> -> memref<80xi32, #tpu.memory_space<vmem>>
    %dma_start3A_119 = arith.constant 0 : i32
    %dma_start3A_120 = tpu.memref_slice %arg2[%add3A, %dma_start3A_114, %dma_start3A_119] : memref<32x125x80xi32, #tpu.memory_space<hbm>> -> memref<1x1x80xi32, #tpu.memory_space<hbm>>
    %dma_start3A_121 = tpu.memref_squeeze %dma_start3A_120 : memref<1x1x80xi32, #tpu.memory_space<hbm>> -> memref<80xi32, #tpu.memory_space<hbm>>
    %dma_start3A_122 = arith.constant 0 : i32
    %dma_start3A_123 = tpu.memref_slice %arg7[%dma_start3A_115, %dma_start3A_122] : memref<8x80xi32, #tpu.memory_space<vmem>> -> memref<1x80xi32, #tpu.memory_space<vmem>>
    %dma_start3A_124 = tpu.memref_squeeze %dma_start3A_123 : memref<1x80xi32, #tpu.memory_space<vmem>> -> memref<80xi32, #tpu.memory_space<vmem>>
    %dma_start3A_125 = arith.constant 0 : i32
    %dma_start3A_126 = tpu.memref_slice %arg2[%add3A, %dma_start3A_114, %dma_start3A_125] : memref<32x125x80xi32, #tpu.memory_space<hbm>> -> memref<1x1x80xi32, #tpu.memory_space<hbm>>
    %dma_start3A_127 = tpu.memref_squeeze %dma_start3A_126 : memref<1x1x80xi32, #tpu.memory_space<hbm>> -> memref<80xi32, #tpu.memory_space<hbm>>
    tpu.enqueue_dma source(%dma_start3A_127 : memref<80xi32, #tpu.memory_space<hbm>>) target(%dma_start3A_124 : memref<80xi32, #tpu.memory_space<vmem>>) target_semaphore(%arg17 : memref<!tpu.dma_semaphore, #tpu.memory_space<semaphore_mem>>)
    %dma_start3A_128 = arith.constant 4 : i32
    %dma_start3A_129 = arith.constant 4 : i32
    %dma_start3A_130 = arith.constant 0 : i32
    %dma_start3A_131 = tpu.memref_slice %arg8[%dma_start3A_129, %dma_start3A_130] : memref<8x80xi32, #tpu.memory_space<vmem>> -> memref<1x80xi32, #tpu.memory_space<vmem>>
    %dma_start3A_132 = tpu.memref_squeeze %dma_start3A_131 : memref<1x80xi32, #tpu.memory_space<vmem>> -> memref<80xi32, #tpu.memory_space<vmem>>
    %dma_start3A_133 = arith.constant 0 : i32
    %dma_start3A_134 = tpu.memref_slice %arg3[%add3A, %dma_start3A_128, %dma_start3A_133] : memref<32x125x80xi32, #tpu.memory_space<hbm>> -> memref<1x1x80xi32, #tpu.memory_space<hbm>>
    %dma_start3A_135 = tpu.memref_squeeze %dma_start3A_134 : memref<1x1x80xi32, #tpu.memory_space<hbm>> -> memref<80xi32, #tpu.memory_space<hbm>>
    %dma_start3A_136 = arith.constant 0 : i32
    %dma_start3A_137 = tpu.memref_slice %arg8[%dma_start3A_129, %dma_start3A_136] : memref<8x80xi32, #tpu.memory_space<vmem>> -> memref<1x80xi32, #tpu.memory_space<vmem>>
    %dma_start3A_138 = tpu.memref_squeeze %dma_start3A_137 : memref<1x80xi32, #tpu.memory_space<vmem>> -> memref<80xi32, #tpu.memory_space<vmem>>
    %dma_start3A_139 = arith.constant 0 : i32
    %dma_start3A_140 = tpu.memref_slice %arg3[%add3A, %dma_start3A_128, %dma_start3A_139] : memref<32x125x80xi32, #tpu.memory_space<hbm>> -> memref<1x1x80xi32, #tpu.memory_space<hbm>>
    %dma_start3A_141 = tpu.memref_squeeze %dma_start3A_140 : memref<1x1x80xi32, #tpu.memory_space<hbm>> -> memref<80xi32, #tpu.memory_space<hbm>>
    tpu.enqueue_dma source(%dma_start3A_141 : memref<80xi32, #tpu.memory_space<hbm>>) target(%dma_start3A_138 : memref<80xi32, #tpu.memory_space<vmem>>) target_semaphore(%arg17 : memref<!tpu.dma_semaphore, #tpu.memory_space<semaphore_mem>>)
    %dma_start3A_142 = arith.constant 5 : i32
    %dma_start3A_143 = arith.constant 5 : i32
    %dma_start3A_144 = arith.constant 0 : i32
    %dma_start3A_145 = tpu.memref_slice %arg7[%dma_start3A_143, %dma_start3A_144] : memref<8x80xi32, #tpu.memory_space<vmem>> -> memref<1x80xi32, #tpu.memory_space<vmem>>
    %dma_start3A_146 = tpu.memref_squeeze %dma_start3A_145 : memref<1x80xi32, #tpu.memory_space<vmem>> -> memref<80xi32, #tpu.memory_space<vmem>>
    %dma_start3A_147 = arith.constant 0 : i32
    %dma_start3A_148 = tpu.memref_slice %arg2[%add3A, %dma_start3A_142, %dma_start3A_147] : memref<32x125x80xi32, #tpu.memory_space<hbm>> -> memref<1x1x80xi32, #tpu.memory_space<hbm>>
    %dma_start3A_149 = tpu.memref_squeeze %dma_start3A_148 : memref<1x1x80xi32, #tpu.memory_space<hbm>> -> memref<80xi32, #tpu.memory_space<hbm>>
    %dma_start3A_150 = arith.constant 0 : i32
    %dma_start3A_151 = tpu.memref_slice %arg7[%dma_start3A_143, %dma_start3A_150] : memref<8x80xi32, #tpu.memory_space<vmem>> -> memref<1x80xi32, #tpu.memory_space<vmem>>
    %dma_start3A_152 = tpu.memref_squeeze %dma_start3A_151 : memref<1x80xi32, #tpu.memory_space<vmem>> -> memref<80xi32, #tpu.memory_space<vmem>>
    %dma_start3A_153 = arith.constant 0 : i32
    %dma_start3A_154 = tpu.memref_slice %arg2[%add3A, %dma_start3A_142, %dma_start3A_153] : memref<32x125x80xi32, #tpu.memory_space<hbm>> -> memref<1x1x80xi32, #tpu.memory_space<hbm>>
    %dma_start3A_155 = tpu.memref_squeeze %dma_start3A_154 : memref<1x1x80xi32, #tpu.memory_space<hbm>> -> memref<80xi32, #tpu.memory_space<hbm>>
    tpu.enqueue_dma source(%dma_start3A_155 : memref<80xi32, #tpu.memory_space<hbm>>) target(%dma_start3A_152 : memref<80xi32, #tpu.memory_space<vmem>>) target_semaphore(%arg18 : memref<!tpu.dma_semaphore, #tpu.memory_space<semaphore_mem>>)
    %dma_start3A_156 = arith.constant 5 : i32
    %dma_start3A_157 = arith.constant 5 : i32
    %dma_start3A_158 = arith.constant 0 : i32
    %dma_start3A_159 = tpu.memref_slice %arg8[%dma_start3A_157, %dma_start3A_158] : memref<8x80xi32, #tpu.memory_space<vmem>> -> memref<1x80xi32, #tpu.memory_space<vmem>>
    %dma_start3A_160 = tpu.memref_squeeze %dma_start3A_159 : memref<1x80xi32, #tpu.memory_space<vmem>> -> memref<80xi32, #tpu.memory_space<vmem>>
    %dma_start3A_161 = arith.constant 0 : i32
    %dma_start3A_162 = tpu.memref_slice %arg3[%add3A, %dma_start3A_156, %dma_start3A_161] : memref<32x125x80xi32, #tpu.memory_space<hbm>> -> memref<1x1x80xi32, #tpu.memory_space<hbm>>
    %dma_start3A_163 = tpu.memref_squeeze %dma_start3A_162 : memref<1x1x80xi32, #tpu.memory_space<hbm>> -> memref<80xi32, #tpu.memory_space<hbm>>
    %dma_start3A_164 = arith.constant 0 : i32
    %dma_start3A_165 = tpu.memref_slice %arg8[%dma_start3A_157, %dma_start3A_164] : memref<8x80xi32, #tpu.memory_space<vmem>> -> memref<1x80xi32, #tpu.memory_space<vmem>>
    %dma_start3A_166 = tpu.memref_squeeze %dma_start3A_165 : memref<1x80xi32, #tpu.memory_space<vmem>> -> memref<80xi32, #tpu.memory_space<vmem>>
    %dma_start3A_167 = arith.constant 0 : i32
    %dma_start3A_168 = tpu.memref_slice %arg3[%add3A, %dma_start3A_156, %dma_start3A_167] : memref<32x125x80xi32, #tpu.memory_space<hbm>> -> memref<1x1x80xi32, #tpu.memory_space<hbm>>
    %dma_start3A_169 = tpu.memref_squeeze %dma_start3A_168 : memref<1x1x80xi32, #tpu.memory_space<hbm>> -> memref<80xi32, #tpu.memory_space<hbm>>
    tpu.enqueue_dma source(%dma_start3A_169 : memref<80xi32, #tpu.memory_space<hbm>>) target(%dma_start3A_166 : memref<80xi32, #tpu.memory_space<vmem>>) target_semaphore(%arg18 : memref<!tpu.dma_semaphore, #tpu.memory_space<semaphore_mem>>)
    %dma_start3A_170 = arith.constant 6 : i32
    %dma_start3A_171 = arith.constant 6 : i32
    %dma_start3A_172 = arith.constant 0 : i32
    %dma_start3A_173 = tpu.memref_slice %arg7[%dma_start3A_171, %dma_start3A_172] : memref<8x80xi32, #tpu.memory_space<vmem>> -> memref<1x80xi32, #tpu.memory_space<vmem>>
    %dma_start3A_174 = tpu.memref_squeeze %dma_start3A_173 : memref<1x80xi32, #tpu.memory_space<vmem>> -> memref<80xi32, #tpu.memory_space<vmem>>
    %dma_start3A_175 = arith.constant 0 : i32
    %dma_start3A_176 = tpu.memref_slice %arg2[%add3A, %dma_start3A_170, %dma_start3A_175] : memref<32x125x80xi32, #tpu.memory_space<hbm>> -> memref<1x1x80xi32, #tpu.memory_space<hbm>>
    %dma_start3A_177 = tpu.memref_squeeze %dma_start3A_176 : memref<1x1x80xi32, #tpu.memory_space<hbm>> -> memref<80xi32, #tpu.memory_space<hbm>>
    %dma_start3A_178 = arith.constant 0 : i32
    %dma_start3A_179 = tpu.memref_slice %arg7[%dma_start3A_171, %dma_start3A_178] : memref<8x80xi32, #tpu.memory_space<vmem>> -> memref<1x80xi32, #tpu.memory_space<vmem>>
    %dma_start3A_180 = tpu.memref_squeeze %dma_start3A_179 : memref<1x80xi32, #tpu.memory_space<vmem>> -> memref<80xi32, #tpu.memory_space<vmem>>
    %dma_start3A_181 = arith.constant 0 : i32
    %dma_start3A_182 = tpu.memref_slice %arg2[%add3A, %dma_start3A_170, %dma_start3A_181] : memref<32x125x80xi32, #tpu.memory_space<hbm>> -> memref<1x1x80xi32, #tpu.memory_space<hbm>>
    %dma_start3A_183 = tpu.memref_squeeze %dma_start3A_182 : memref<1x1x80xi32, #tpu.memory_space<hbm>> -> memref<80xi32, #tpu.memory_space<hbm>>
    tpu.enqueue_dma source(%dma_start3A_183 : memref<80xi32, #tpu.memory_space<hbm>>) target(%dma_start3A_180 : memref<80xi32, #tpu.memory_space<vmem>>) target_semaphore(%arg19 : memref<!tpu.dma_semaphore, #tpu.memory_space<semaphore_mem>>)
    %dma_start3A_184 = arith.constant 6 : i32
    %dma_start3A_185 = arith.constant 6 : i32
    %dma_start3A_186 = arith.constant 0 : i32
    %dma_start3A_187 = tpu.memref_slice %arg8[%dma_start3A_185, %dma_start3A_186] : memref<8x80xi32, #tpu.memory_space<vmem>> -> memref<1x80xi32, #tpu.memory_space<vmem>>
    %dma_start3A_188 = tpu.memref_squeeze %dma_start3A_187 : memref<1x80xi32, #tpu.memory_space<vmem>> -> memref<80xi32, #tpu.memory_space<vmem>>
    %dma_start3A_189 = arith.constant 0 : i32
    %dma_start3A_190 = tpu.memref_slice %arg3[%add3A, %dma_start3A_184, %dma_start3A_189] : memref<32x125x80xi32, #tpu.memory_space<hbm>> -> memref<1x1x80xi32, #tpu.memory_space<hbm>>
    %dma_start3A_191 = tpu.memref_squeeze %dma_start3A_190 : memref<1x1x80xi32, #tpu.memory_space<hbm>> -> memref<80xi32, #tpu.memory_space<hbm>>
    %dma_start3A_192 = arith.constant 0 : i32
    %dma_start3A_193 = tpu.memref_slice %arg8[%dma_start3A_185, %dma_start3A_192] : memref<8x80xi32, #tpu.memory_space<vmem>> -> memref<1x80xi32, #tpu.memory_space<vmem>>
    %dma_start3A_194 = tpu.memref_squeeze %dma_start3A_193 : memref<1x80xi32, #tpu.memory_space<vmem>> -> memref<80xi32, #tpu.memory_space<vmem>>
    %dma_start3A_195 = arith.constant 0 : i32
    %dma_start3A_196 = tpu.memref_slice %arg3[%add3A, %dma_start3A_184, %dma_start3A_195] : memref<32x125x80xi32, #tpu.memory_space<hbm>> -> memref<1x1x80xi32, #tpu.memory_space<hbm>>
    %dma_start3A_197 = tpu.memref_squeeze %dma_start3A_196 : memref<1x1x80xi32, #tpu.memory_space<hbm>> -> memref<80xi32, #tpu.memory_space<hbm>>
    tpu.enqueue_dma source(%dma_start3A_197 : memref<80xi32, #tpu.memory_space<hbm>>) target(%dma_start3A_194 : memref<80xi32, #tpu.memory_space<vmem>>) target_semaphore(%arg19 : memref<!tpu.dma_semaphore, #tpu.memory_space<semaphore_mem>>)
    %dma_start3A_198 = arith.constant 7 : i32
    %dma_start3A_199 = arith.constant 7 : i32
    %dma_start3A_200 = arith.constant 0 : i32
    %dma_start3A_201 = tpu.memref_slice %arg7[%dma_start3A_199, %dma_start3A_200] : memref<8x80xi32, #tpu.memory_space<vmem>> -> memref<1x80xi32, #tpu.memory_space<vmem>>
    %dma_start3A_202 = tpu.memref_squeeze %dma_start3A_201 : memref<1x80xi32, #tpu.memory_space<vmem>> -> memref<80xi32, #tpu.memory_space<vmem>>
    %dma_start3A_203 = arith.constant 0 : i32
    %dma_start3A_204 = tpu.memref_slice %arg2[%add3A, %dma_start3A_198, %dma_start3A_203] : memref<32x125x80xi32, #tpu.memory_space<hbm>> -> memref<1x1x80xi32, #tpu.memory_space<hbm>>
    %dma_start3A_205 = tpu.memref_squeeze %dma_start3A_204 : memref<1x1x80xi32, #tpu.memory_space<hbm>> -> memref<80xi32, #tpu.memory_space<hbm>>
    %dma_start3A_206 = arith.constant 0 : i32
    %dma_start3A_207 = tpu.memref_slice %arg7[%dma_start3A_199, %dma_start3A_206] : memref<8x80xi32, #tpu.memory_space<vmem>> -> memref<1x80xi32, #tpu.memory_space<vmem>>
    %dma_start3A_208 = tpu.memref_squeeze %dma_start3A_207 : memref<1x80xi32, #tpu.memory_space<vmem>> -> memref<80xi32, #tpu.memory_space<vmem>>
    %dma_start3A_209 = arith.constant 0 : i32
    %dma_start3A_210 = tpu.memref_slice %arg2[%add3A, %dma_start3A_198, %dma_start3A_209] : memref<32x125x80xi32, #tpu.memory_space<hbm>> -> memref<1x1x80xi32, #tpu.memory_space<hbm>>
    %dma_start3A_211 = tpu.memref_squeeze %dma_start3A_210 : memref<1x1x80xi32, #tpu.memory_space<hbm>> -> memref<80xi32, #tpu.memory_space<hbm>>
    tpu.enqueue_dma source(%dma_start3A_211 : memref<80xi32, #tpu.memory_space<hbm>>) target(%dma_start3A_208 : memref<80xi32, #tpu.memory_space<vmem>>) target_semaphore(%arg20 : memref<!tpu.dma_semaphore, #tpu.memory_space<semaphore_mem>>)
    %dma_start3A_212 = arith.constant 7 : i32
    %dma_start3A_213 = arith.constant 7 : i32
    %dma_start3A_214 = arith.constant 0 : i32
    %dma_start3A_215 = tpu.memref_slice %arg8[%dma_start3A_213, %dma_start3A_214] : memref<8x80xi32, #tpu.memory_space<vmem>> -> memref<1x80xi32, #tpu.memory_space<vmem>>
    %dma_start3A_216 = tpu.memref_squeeze %dma_start3A_215 : memref<1x80xi32, #tpu.memory_space<vmem>> -> memref<80xi32, #tpu.memory_space<vmem>>
    %dma_start3A_217 = arith.constant 0 : i32
    %dma_start3A_218 = tpu.memref_slice %arg3[%add3A, %dma_start3A_212, %dma_start3A_217] : memref<32x125x80xi32, #tpu.memory_space<hbm>> -> memref<1x1x80xi32, #tpu.memory_space<hbm>>
    %dma_start3A_219 = tpu.memref_squeeze %dma_start3A_218 : memref<1x1x80xi32, #tpu.memory_space<hbm>> -> memref<80xi32, #tpu.memory_space<hbm>>
    %dma_start3A_220 = arith.constant 0 : i32
    %dma_start3A_221 = tpu.memref_slice %arg8[%dma_start3A_213, %dma_start3A_220] : memref<8x80xi32, #tpu.memory_space<vmem>> -> memref<1x80xi32, #tpu.memory_space<vmem>>
    %dma_start3A_222 = tpu.memref_squeeze %dma_start3A_221 : memref<1x80xi32, #tpu.memory_space<vmem>> -> memref<80xi32, #tpu.memory_space<vmem>>
    %dma_start3A_223 = arith.constant 0 : i32
    %dma_start3A_224 = tpu.memref_slice %arg3[%add3A, %dma_start3A_212, %dma_start3A_223] : memref<32x125x80xi32, #tpu.memory_space<hbm>> -> memref<1x1x80xi32, #tpu.memory_space<hbm>>
    %dma_start3A_225 = tpu.memref_squeeze %dma_start3A_224 : memref<1x1x80xi32, #tpu.memory_space<hbm>> -> memref<80xi32, #tpu.memory_space<hbm>>
    tpu.enqueue_dma source(%dma_start3A_225 : memref<80xi32, #tpu.memory_space<hbm>>) target(%dma_start3A_222 : memref<80xi32, #tpu.memory_space<vmem>>) target_semaphore(%arg20 : memref<!tpu.dma_semaphore, #tpu.memory_space<semaphore_mem>>)
    %eq3A = arith.constant 0 : i32
    %eq3A_226 = arith.cmpi eq, %arg0, %eq3A : i32
    %convert_element_type3A = arith.extui %eq3A_226 : i1 to i32
    %cond3A = arith.constant 0 : i32
    %cond3A_227 = arith.cmpi ne, %convert_element_type3A, %cond3A : i32
    scf.if %cond3A_227 {
      "tpu.region"() ({
        %run_scoped3A = tpu.sem_alloc : memref<!tpu.dma_semaphore, #tpu.memory_space<semaphore_mem>>
        %dma_start3A_523 = arith.constant 0 : i32
        %dma_start3A_524 = tpu.memref_slice %arg29[%mul3A_2, %dma_start3A_523] : memref<10240x128xf32, #tpu.memory_space<vmem_shared>> -> memref<640x128xf32, #tpu.memory_space<vmem_shared>>
        %dma_start3A_525 = arith.constant 0 : i32
        %dma_start3A_526 = tpu.memref_slice %arg4[%mul3A_2, %dma_start3A_525] : memref<10240x128xf32, #tpu.memory_space<hbm>> -> memref<640x128xf32, #tpu.memory_space<hbm>>
        tpu.enqueue_dma source(%dma_start3A_526 : memref<640x128xf32, #tpu.memory_space<hbm>>) target(%dma_start3A_524 : memref<640x128xf32, #tpu.memory_space<vmem_shared>>) target_semaphore(%run_scoped3A : memref<!tpu.dma_semaphore, #tpu.memory_space<semaphore_mem>>)
        %dma_wait3A_527 = arith.constant 0 : i32
        %dma_wait3A_528 = tpu.memref_slice %arg29[%mul3A_2, %dma_wait3A_527] : memref<10240x128xf32, #tpu.memory_space<vmem_shared>> -> memref<640x128xf32, #tpu.memory_space<vmem_shared>>
        %dma_wait3A_529 = arith.constant 0 : i32
        %dma_wait3A_530 = tpu.memref_slice %arg4[%mul3A_2, %dma_wait3A_529] : memref<10240x128xf32, #tpu.memory_space<hbm>> -> memref<640x128xf32, #tpu.memory_space<hbm>>
        tpu.wait_dma2 semaphore(%run_scoped3A : memref<!tpu.dma_semaphore, #tpu.memory_space<semaphore_mem>>) src(%dma_wait3A_530 : memref<640x128xf32, #tpu.memory_space<hbm>>) dst(%dma_wait3A_528 : memref<640x128xf32, #tpu.memory_space<vmem_shared>>)
        tpu.yield
      }) : () -> ()
    } else {
    }
    %ne3A = arith.constant 0 : i32
    %ne3A_228 = arith.cmpi ne, %arg0, %ne3A : i32
    %convert_element_type3A_229 = arith.extui %ne3A_228 : i1 to i32
    %cond3A_230 = arith.constant 0 : i32
    %cond3A_231 = arith.cmpi ne, %convert_element_type3A_229, %cond3A_230 : i32
    scf.if %cond3A_231 {
      "tpu.region"() ({
        %run_scoped3A = tpu.sem_alloc : memref<!tpu.dma_semaphore, #tpu.memory_space<semaphore_mem>>
        %dma_start3A_523 = arith.constant 0 : i32
        %dma_start3A_524 = tpu.memref_slice %arg29[%mul3A_2, %dma_start3A_523] : memref<10240x128xf32, #tpu.memory_space<vmem_shared>> -> memref<640x128xf32, #tpu.memory_space<vmem_shared>>
        tpu.enqueue_dma source(%arg5 : memref<640x128xf32, #tpu.memory_space<hbm>>) target(%dma_start3A_524 : memref<640x128xf32, #tpu.memory_space<vmem_shared>>) target_semaphore(%run_scoped3A : memref<!tpu.dma_semaphore, #tpu.memory_space<semaphore_mem>>)
        %dma_wait3A_525 = arith.constant 0 : i32
        %dma_wait3A_526 = tpu.memref_slice %arg29[%mul3A_2, %dma_wait3A_525] : memref<10240x128xf32, #tpu.memory_space<vmem_shared>> -> memref<640x128xf32, #tpu.memory_space<vmem_shared>>
        tpu.wait_dma2 semaphore(%run_scoped3A : memref<!tpu.dma_semaphore, #tpu.memory_space<semaphore_mem>>) src(%arg5 : memref<640x128xf32, #tpu.memory_space<hbm>>) dst(%dma_wait3A_526 : memref<640x128xf32, #tpu.memory_space<vmem_shared>>)
        tpu.yield
      }) : () -> ()
    } else {
    }
    %barrier3A = arith.constant 0 : index
    tpu.barrier barrier_id(%barrier3A)
    %dma_wait3A = arith.constant 0 : i32
    %dma_wait3A_232 = arith.constant 0 : i32
    %dma_wait3A_233 = arith.constant 0 : i32
    %dma_wait3A_234 = tpu.memref_slice %arg7[%dma_wait3A_232, %dma_wait3A_233] : memref<8x80xi32, #tpu.memory_space<vmem>> -> memref<1x80xi32, #tpu.memory_space<vmem>>
    %dma_wait3A_235 = tpu.memref_squeeze %dma_wait3A_234 : memref<1x80xi32, #tpu.memory_space<vmem>> -> memref<80xi32, #tpu.memory_space<vmem>>
    %dma_wait3A_236 = arith.constant 0 : i32
    %dma_wait3A_237 = tpu.memref_slice %arg2[%add3A, %dma_wait3A, %dma_wait3A_236] : memref<32x125x80xi32, #tpu.memory_space<hbm>> -> memref<1x1x80xi32, #tpu.memory_space<hbm>>
    %dma_wait3A_238 = tpu.memref_squeeze %dma_wait3A_237 : memref<1x1x80xi32, #tpu.memory_space<hbm>> -> memref<80xi32, #tpu.memory_space<hbm>>
    %dma_wait3A_239 = arith.constant 0 : i32
    %dma_wait3A_240 = tpu.memref_slice %arg7[%dma_wait3A_232, %dma_wait3A_239] : memref<8x80xi32, #tpu.memory_space<vmem>> -> memref<1x80xi32, #tpu.memory_space<vmem>>
    %dma_wait3A_241 = tpu.memref_squeeze %dma_wait3A_240 : memref<1x80xi32, #tpu.memory_space<vmem>> -> memref<80xi32, #tpu.memory_space<vmem>>
    %dma_wait3A_242 = arith.constant 0 : i32
    %dma_wait3A_243 = tpu.memref_slice %arg2[%add3A, %dma_wait3A, %dma_wait3A_242] : memref<32x125x80xi32, #tpu.memory_space<hbm>> -> memref<1x1x80xi32, #tpu.memory_space<hbm>>
    %dma_wait3A_244 = tpu.memref_squeeze %dma_wait3A_243 : memref<1x1x80xi32, #tpu.memory_space<hbm>> -> memref<80xi32, #tpu.memory_space<hbm>>
    tpu.wait_dma2 semaphore(%arg13 : memref<!tpu.dma_semaphore, #tpu.memory_space<semaphore_mem>>) src(%dma_wait3A_244 : memref<80xi32, #tpu.memory_space<hbm>>) dst(%dma_wait3A_241 : memref<80xi32, #tpu.memory_space<vmem>>)
    %dma_wait3A_245 = arith.constant 0 : i32
    %dma_wait3A_246 = arith.constant 0 : i32
    %dma_wait3A_247 = arith.constant 0 : i32
    %dma_wait3A_248 = tpu.memref_slice %arg8[%dma_wait3A_246, %dma_wait3A_247] : memref<8x80xi32, #tpu.memory_space<vmem>> -> memref<1x80xi32, #tpu.memory_space<vmem>>
    %dma_wait3A_249 = tpu.memref_squeeze %dma_wait3A_248 : memref<1x80xi32, #tpu.memory_space<vmem>> -> memref<80xi32, #tpu.memory_space<vmem>>
    %dma_wait3A_250 = arith.constant 0 : i32
    %dma_wait3A_251 = tpu.memref_slice %arg3[%add3A, %dma_wait3A_245, %dma_wait3A_250] : memref<32x125x80xi32, #tpu.memory_space<hbm>> -> memref<1x1x80xi32, #tpu.memory_space<hbm>>
    %dma_wait3A_252 = tpu.memref_squeeze %dma_wait3A_251 : memref<1x1x80xi32, #tpu.memory_space<hbm>> -> memref<80xi32, #tpu.memory_space<hbm>>
    %dma_wait3A_253 = arith.constant 0 : i32
    %dma_wait3A_254 = tpu.memref_slice %arg8[%dma_wait3A_246, %dma_wait3A_253] : memref<8x80xi32, #tpu.memory_space<vmem>> -> memref<1x80xi32, #tpu.memory_space<vmem>>
    %dma_wait3A_255 = tpu.memref_squeeze %dma_wait3A_254 : memref<1x80xi32, #tpu.memory_space<vmem>> -> memref<80xi32, #tpu.memory_space<vmem>>
    %dma_wait3A_256 = arith.constant 0 : i32
    %dma_wait3A_257 = tpu.memref_slice %arg3[%add3A, %dma_wait3A_245, %dma_wait3A_256] : memref<32x125x80xi32, #tpu.memory_space<hbm>> -> memref<1x1x80xi32, #tpu.memory_space<hbm>>
    %dma_wait3A_258 = tpu.memref_squeeze %dma_wait3A_257 : memref<1x1x80xi32, #tpu.memory_space<hbm>> -> memref<80xi32, #tpu.memory_space<hbm>>
    tpu.wait_dma2 semaphore(%arg13 : memref<!tpu.dma_semaphore, #tpu.memory_space<semaphore_mem>>) src(%dma_wait3A_258 : memref<80xi32, #tpu.memory_space<hbm>>) dst(%dma_wait3A_255 : memref<80xi32, #tpu.memory_space<vmem>>)
    %dma_start3A_259 = arith.constant 0 : i32
    %dma_start3A_260 = arith.constant 0 : i32
    %dma_start3A_261 = tpu.memref_slice %arg7[%dma_start3A_259, %dma_start3A_260] : memref<8x80xi32, #tpu.memory_space<vmem>> -> memref<1x80xi32, #tpu.memory_space<vmem>>
    %dma_start3A_262 = tpu.memref_squeeze %dma_start3A_261 : memref<1x80xi32, #tpu.memory_space<vmem>> -> memref<80xi32, #tpu.memory_space<vmem>>
    %dma_start3A_263 = arith.constant 0 : i32
    %dma_start3A_264 = arith.constant 0 : i32
    %dma_start3A_265 = tpu.memref_slice %arg4[%dma_start3A_263, %dma_start3A_264] : memref<10240x128xf32, #tpu.memory_space<hbm>> -> memref<10240x128xf32, #tpu.memory_space<hbm>>
    tpu.enqueue_indirect_dma source(%dma_start3A_265 : memref<10240x128xf32, #tpu.memory_space<hbm>>) target(%arg9 : memref<80x128xf32, #tpu.memory_space<vmem>>) offsets(%dma_start3A_262 : memref<80xi32, #tpu.memory_space<vmem>>) semaphore(%arg21 : memref<!tpu.dma_semaphore, #tpu.memory_space<semaphore_mem>>)
    %dma_wait3A_266 = arith.constant 0 : i32
    %dma_wait3A_267 = arith.constant 1 : i32
    %dma_wait3A_268 = arith.constant 0 : i32
    %dma_wait3A_269 = tpu.memref_slice %arg7[%dma_wait3A_267, %dma_wait3A_268] : memref<8x80xi32, #tpu.memory_space<vmem>> -> memref<1x80xi32, #tpu.memory_space<vmem>>
    %dma_wait3A_270 = tpu.memref_squeeze %dma_wait3A_269 : memref<1x80xi32, #tpu.memory_space<vmem>> -> memref<80xi32, #tpu.memory_space<vmem>>
    %dma_wait3A_271 = arith.constant 0 : i32
    %dma_wait3A_272 = tpu.memref_slice %arg2[%add3A, %dma_wait3A_266, %dma_wait3A_271] : memref<32x125x80xi32, #tpu.memory_space<hbm>> -> memref<1x1x80xi32, #tpu.memory_space<hbm>>
    %dma_wait3A_273 = tpu.memref_squeeze %dma_wait3A_272 : memref<1x1x80xi32, #tpu.memory_space<hbm>> -> memref<80xi32, #tpu.memory_space<hbm>>
    %dma_wait3A_274 = arith.constant 0 : i32
    %dma_wait3A_275 = tpu.memref_slice %arg7[%dma_wait3A_267, %dma_wait3A_274] : memref<8x80xi32, #tpu.memory_space<vmem>> -> memref<1x80xi32, #tpu.memory_space<vmem>>
    %dma_wait3A_276 = tpu.memref_squeeze %dma_wait3A_275 : memref<1x80xi32, #tpu.memory_space<vmem>> -> memref<80xi32, #tpu.memory_space<vmem>>
    %dma_wait3A_277 = arith.constant 0 : i32
    %dma_wait3A_278 = tpu.memref_slice %arg2[%add3A, %dma_wait3A_266, %dma_wait3A_277] : memref<32x125x80xi32, #tpu.memory_space<hbm>> -> memref<1x1x80xi32, #tpu.memory_space<hbm>>
    %dma_wait3A_279 = tpu.memref_squeeze %dma_wait3A_278 : memref<1x1x80xi32, #tpu.memory_space<hbm>> -> memref<80xi32, #tpu.memory_space<hbm>>
    tpu.wait_dma2 semaphore(%arg14 : memref<!tpu.dma_semaphore, #tpu.memory_space<semaphore_mem>>) src(%dma_wait3A_279 : memref<80xi32, #tpu.memory_space<hbm>>) dst(%dma_wait3A_276 : memref<80xi32, #tpu.memory_space<vmem>>)
    %dma_wait3A_280 = arith.constant 0 : i32
    %dma_wait3A_281 = arith.constant 1 : i32
    %dma_wait3A_282 = arith.constant 0 : i32
    %dma_wait3A_283 = tpu.memref_slice %arg8[%dma_wait3A_281, %dma_wait3A_282] : memref<8x80xi32, #tpu.memory_space<vmem>> -> memref<1x80xi32, #tpu.memory_space<vmem>>
    %dma_wait3A_284 = tpu.memref_squeeze %dma_wait3A_283 : memref<1x80xi32, #tpu.memory_space<vmem>> -> memref<80xi32, #tpu.memory_space<vmem>>
    %dma_wait3A_285 = arith.constant 0 : i32
    %dma_wait3A_286 = tpu.memref_slice %arg3[%add3A, %dma_wait3A_280, %dma_wait3A_285] : memref<32x125x80xi32, #tpu.memory_space<hbm>> -> memref<1x1x80xi32, #tpu.memory_space<hbm>>
    %dma_wait3A_287 = tpu.memref_squeeze %dma_wait3A_286 : memref<1x1x80xi32, #tpu.memory_space<hbm>> -> memref<80xi32, #tpu.memory_space<hbm>>
    %dma_wait3A_288 = arith.constant 0 : i32
    %dma_wait3A_289 = tpu.memref_slice %arg8[%dma_wait3A_281, %dma_wait3A_288] : memref<8x80xi32, #tpu.memory_space<vmem>> -> memref<1x80xi32, #tpu.memory_space<vmem>>
    %dma_wait3A_290 = tpu.memref_squeeze %dma_wait3A_289 : memref<1x80xi32, #tpu.memory_space<vmem>> -> memref<80xi32, #tpu.memory_space<vmem>>
    %dma_wait3A_291 = arith.constant 0 : i32
    %dma_wait3A_292 = tpu.memref_slice %arg3[%add3A, %dma_wait3A_280, %dma_wait3A_291] : memref<32x125x80xi32, #tpu.memory_space<hbm>> -> memref<1x1x80xi32, #tpu.memory_space<hbm>>
    %dma_wait3A_293 = tpu.memref_squeeze %dma_wait3A_292 : memref<1x1x80xi32, #tpu.memory_space<hbm>> -> memref<80xi32, #tpu.memory_space<hbm>>
    tpu.wait_dma2 semaphore(%arg14 : memref<!tpu.dma_semaphore, #tpu.memory_space<semaphore_mem>>) src(%dma_wait3A_293 : memref<80xi32, #tpu.memory_space<hbm>>) dst(%dma_wait3A_290 : memref<80xi32, #tpu.memory_space<vmem>>)
    %dma_start3A_294 = arith.constant 1 : i32
    %dma_start3A_295 = arith.constant 0 : i32
    %dma_start3A_296 = tpu.memref_slice %arg7[%dma_start3A_294, %dma_start3A_295] : memref<8x80xi32, #tpu.memory_space<vmem>> -> memref<1x80xi32, #tpu.memory_space<vmem>>
    %dma_start3A_297 = tpu.memref_squeeze %dma_start3A_296 : memref<1x80xi32, #tpu.memory_space<vmem>> -> memref<80xi32, #tpu.memory_space<vmem>>
    %dma_start3A_298 = arith.constant 0 : i32
    %dma_start3A_299 = arith.constant 0 : i32
    %dma_start3A_300 = tpu.memref_slice %arg4[%dma_start3A_298, %dma_start3A_299] : memref<10240x128xf32, #tpu.memory_space<hbm>> -> memref<10240x128xf32, #tpu.memory_space<hbm>>
    tpu.enqueue_indirect_dma source(%dma_start3A_300 : memref<10240x128xf32, #tpu.memory_space<hbm>>) target(%arg10 : memref<80x128xf32, #tpu.memory_space<vmem>>) offsets(%dma_start3A_297 : memref<80xi32, #tpu.memory_space<vmem>>) semaphore(%arg22 : memref<!tpu.dma_semaphore, #tpu.memory_space<semaphore_mem>>)
    %dma_wait3A_301 = arith.constant 0 : i32
    %dma_wait3A_302 = arith.constant 2 : i32
    %dma_wait3A_303 = arith.constant 0 : i32
    %dma_wait3A_304 = tpu.memref_slice %arg7[%dma_wait3A_302, %dma_wait3A_303] : memref<8x80xi32, #tpu.memory_space<vmem>> -> memref<1x80xi32, #tpu.memory_space<vmem>>
    %dma_wait3A_305 = tpu.memref_squeeze %dma_wait3A_304 : memref<1x80xi32, #tpu.memory_space<vmem>> -> memref<80xi32, #tpu.memory_space<vmem>>
    %dma_wait3A_306 = arith.constant 0 : i32
    %dma_wait3A_307 = tpu.memref_slice %arg2[%add3A, %dma_wait3A_301, %dma_wait3A_306] : memref<32x125x80xi32, #tpu.memory_space<hbm>> -> memref<1x1x80xi32, #tpu.memory_space<hbm>>
    %dma_wait3A_308 = tpu.memref_squeeze %dma_wait3A_307 : memref<1x1x80xi32, #tpu.memory_space<hbm>> -> memref<80xi32, #tpu.memory_space<hbm>>
    %dma_wait3A_309 = arith.constant 0 : i32
    %dma_wait3A_310 = tpu.memref_slice %arg7[%dma_wait3A_302, %dma_wait3A_309] : memref<8x80xi32, #tpu.memory_space<vmem>> -> memref<1x80xi32, #tpu.memory_space<vmem>>
    %dma_wait3A_311 = tpu.memref_squeeze %dma_wait3A_310 : memref<1x80xi32, #tpu.memory_space<vmem>> -> memref<80xi32, #tpu.memory_space<vmem>>
    %dma_wait3A_312 = arith.constant 0 : i32
    %dma_wait3A_313 = tpu.memref_slice %arg2[%add3A, %dma_wait3A_301, %dma_wait3A_312] : memref<32x125x80xi32, #tpu.memory_space<hbm>> -> memref<1x1x80xi32, #tpu.memory_space<hbm>>
    %dma_wait3A_314 = tpu.memref_squeeze %dma_wait3A_313 : memref<1x1x80xi32, #tpu.memory_space<hbm>> -> memref<80xi32, #tpu.memory_space<hbm>>
    tpu.wait_dma2 semaphore(%arg15 : memref<!tpu.dma_semaphore, #tpu.memory_space<semaphore_mem>>) src(%dma_wait3A_314 : memref<80xi32, #tpu.memory_space<hbm>>) dst(%dma_wait3A_311 : memref<80xi32, #tpu.memory_space<vmem>>)
    %dma_wait3A_315 = arith.constant 0 : i32
    %dma_wait3A_316 = arith.constant 2 : i32
    %dma_wait3A_317 = arith.constant 0 : i32
    %dma_wait3A_318 = tpu.memref_slice %arg8[%dma_wait3A_316, %dma_wait3A_317] : memref<8x80xi32, #tpu.memory_space<vmem>> -> memref<1x80xi32, #tpu.memory_space<vmem>>
    %dma_wait3A_319 = tpu.memref_squeeze %dma_wait3A_318 : memref<1x80xi32, #tpu.memory_space<vmem>> -> memref<80xi32, #tpu.memory_space<vmem>>
    %dma_wait3A_320 = arith.constant 0 : i32
    %dma_wait3A_321 = tpu.memref_slice %arg3[%add3A, %dma_wait3A_315, %dma_wait3A_320] : memref<32x125x80xi32, #tpu.memory_space<hbm>> -> memref<1x1x80xi32, #tpu.memory_space<hbm>>
    %dma_wait3A_322 = tpu.memref_squeeze %dma_wait3A_321 : memref<1x1x80xi32, #tpu.memory_space<hbm>> -> memref<80xi32, #tpu.memory_space<hbm>>
    %dma_wait3A_323 = arith.constant 0 : i32
    %dma_wait3A_324 = tpu.memref_slice %arg8[%dma_wait3A_316, %dma_wait3A_323] : memref<8x80xi32, #tpu.memory_space<vmem>> -> memref<1x80xi32, #tpu.memory_space<vmem>>
    %dma_wait3A_325 = tpu.memref_squeeze %dma_wait3A_324 : memref<1x80xi32, #tpu.memory_space<vmem>> -> memref<80xi32, #tpu.memory_space<vmem>>
    %dma_wait3A_326 = arith.constant 0 : i32
    %dma_wait3A_327 = tpu.memref_slice %arg3[%add3A, %dma_wait3A_315, %dma_wait3A_326] : memref<32x125x80xi32, #tpu.memory_space<hbm>> -> memref<1x1x80xi32, #tpu.memory_space<hbm>>
    %dma_wait3A_328 = tpu.memref_squeeze %dma_wait3A_327 : memref<1x1x80xi32, #tpu.memory_space<hbm>> -> memref<80xi32, #tpu.memory_space<hbm>>
    tpu.wait_dma2 semaphore(%arg15 : memref<!tpu.dma_semaphore, #tpu.memory_space<semaphore_mem>>) src(%dma_wait3A_328 : memref<80xi32, #tpu.memory_space<hbm>>) dst(%dma_wait3A_325 : memref<80xi32, #tpu.memory_space<vmem>>)
    %dma_start3A_329 = arith.constant 2 : i32
    %dma_start3A_330 = arith.constant 0 : i32
    %dma_start3A_331 = tpu.memref_slice %arg7[%dma_start3A_329, %dma_start3A_330] : memref<8x80xi32, #tpu.memory_space<vmem>> -> memref<1x80xi32, #tpu.memory_space<vmem>>
    %dma_start3A_332 = tpu.memref_squeeze %dma_start3A_331 : memref<1x80xi32, #tpu.memory_space<vmem>> -> memref<80xi32, #tpu.memory_space<vmem>>
    %dma_start3A_333 = arith.constant 0 : i32
    %dma_start3A_334 = arith.constant 0 : i32
    %dma_start3A_335 = tpu.memref_slice %arg4[%dma_start3A_333, %dma_start3A_334] : memref<10240x128xf32, #tpu.memory_space<hbm>> -> memref<10240x128xf32, #tpu.memory_space<hbm>>
    tpu.enqueue_indirect_dma source(%dma_start3A_335 : memref<10240x128xf32, #tpu.memory_space<hbm>>) target(%arg11 : memref<80x128xf32, #tpu.memory_space<vmem>>) offsets(%dma_start3A_332 : memref<80xi32, #tpu.memory_space<vmem>>) semaphore(%arg23 : memref<!tpu.dma_semaphore, #tpu.memory_space<semaphore_mem>>)
    %scan3A = arith.constant 0 : i32
    %scan3A_336 = arith.constant 15 : i32
    %scan3A_337 = arith.addi %scan3A, %scan3A_336 : i32
    %scan3A_338 = arith.constant 1 : i32
    scf.for %scan3A_523 = %scan3A to %scan3A_337 step %scan3A_338  : i32 {
      %dma_wait3A_524 = arith.constant 0 : i32
      %dma_wait3A_525 = arith.constant 0 : i32
      %dma_wait3A_526 = tpu.memref_slice %arg7[%dma_wait3A_524, %dma_wait3A_525] : memref<8x80xi32, #tpu.memory_space<vmem>> -> memref<1x80xi32, #tpu.memory_space<vmem>>
      %dma_wait3A_527 = tpu.memref_squeeze %dma_wait3A_526 : memref<1x80xi32, #tpu.memory_space<vmem>> -> memref<80xi32, #tpu.memory_space<vmem>>
      %dma_wait3A_528 = arith.constant 0 : i32
      %dma_wait3A_529 = arith.constant 0 : i32
      %dma_wait3A_530 = tpu.memref_slice %arg4[%dma_wait3A_528, %dma_wait3A_529] : memref<10240x128xf32, #tpu.memory_space<hbm>> -> memref<10240x128xf32, #tpu.memory_space<hbm>>
      tpu.wait_indirect_dma semaphore(%arg21 : memref<!tpu.dma_semaphore, #tpu.memory_space<semaphore_mem>>) src(%dma_wait3A_530 : memref<10240x128xf32, #tpu.memory_space<hbm>>) dst(%arg9 : memref<80x128xf32, #tpu.memory_space<vmem>>)
      %dma_start3A_531 = arith.constant 0 : i32
      %dma_start3A_532 = arith.constant 0 : i32
      %dma_start3A_533 = tpu.memref_slice %arg8[%dma_start3A_531, %dma_start3A_532] : memref<8x80xi32, #tpu.memory_space<vmem>> -> memref<1x80xi32, #tpu.memory_space<vmem>>
      %dma_start3A_534 = tpu.memref_squeeze %dma_start3A_533 : memref<1x80xi32, #tpu.memory_space<vmem>> -> memref<80xi32, #tpu.memory_space<vmem>>
      %dma_start3A_535 = arith.constant 0 : i32
      %dma_start3A_536 = arith.constant 0 : i32
      %dma_start3A_537 = tpu.memref_slice %arg29[%dma_start3A_535, %dma_start3A_536] : memref<10240x128xf32, #tpu.memory_space<vmem_shared>> -> memref<10240x128xf32, #tpu.memory_space<vmem_shared>>
      tpu.enqueue_indirect_dma source(%arg9 : memref<80x128xf32, #tpu.memory_space<vmem>>) target(%dma_start3A_537 : memref<10240x128xf32, #tpu.memory_space<vmem_shared>>) offsets(%dma_start3A_534 : memref<80xi32, #tpu.memory_space<vmem>>) semaphore(%arg25 : memref<!tpu.dma_semaphore, #tpu.memory_space<semaphore_mem>>) {add = true}
      %gt3A = arith.constant 0 : i32
      %gt3A_538 = arith.cmpi sgt, %scan3A_523, %gt3A : i32
      %convert_element_type3A_539 = arith.extui %gt3A_538 : i1 to i32
      %cond3A_540 = arith.constant 0 : i32
      %cond3A_541 = arith.cmpi ne, %convert_element_type3A_539, %cond3A_540 : i32
      scf.if %cond3A_541 {
        %dma_wait3A_1143 = arith.constant 0 : i32
        %dma_wait3A_1144 = arith.constant 0 : i32
        %dma_wait3A_1145 = tpu.memref_slice %arg8[%dma_wait3A_1143, %dma_wait3A_1144] : memref<8x80xi32, #tpu.memory_space<vmem>> -> memref<1x80xi32, #tpu.memory_space<vmem>>
        %dma_wait3A_1146 = tpu.memref_squeeze %dma_wait3A_1145 : memref<1x80xi32, #tpu.memory_space<vmem>> -> memref<80xi32, #tpu.memory_space<vmem>>
        %dma_wait3A_1147 = arith.constant 0 : i32
        %dma_wait3A_1148 = arith.constant 0 : i32
        %dma_wait3A_1149 = tpu.memref_slice %arg29[%dma_wait3A_1147, %dma_wait3A_1148] : memref<10240x128xf32, #tpu.memory_space<vmem_shared>> -> memref<10240x128xf32, #tpu.memory_space<vmem_shared>>
        tpu.wait_indirect_dma semaphore(%arg28 : memref<!tpu.dma_semaphore, #tpu.memory_space<semaphore_mem>>) src(%arg12 : memref<80x128xf32, #tpu.memory_space<vmem>>) dst(%dma_wait3A_1149 : memref<10240x128xf32, #tpu.memory_space<vmem_shared>>)
      } else {
      }
      %dma_wait3A_542 = arith.constant 0 : i32
      %dma_wait3A_543 = arith.constant 3 : i32
      %dma_wait3A_544 = arith.constant 0 : i32
      %dma_wait3A_545 = tpu.memref_slice %arg7[%dma_wait3A_543, %dma_wait3A_544] : memref<8x80xi32, #tpu.memory_space<vmem>> -> memref<1x80xi32, #tpu.memory_space<vmem>>
      %dma_wait3A_546 = tpu.memref_squeeze %dma_wait3A_545 : memref<1x80xi32, #tpu.memory_space<vmem>> -> memref<80xi32, #tpu.memory_space<vmem>>
      %dma_wait3A_547 = arith.constant 0 : i32
      %dma_wait3A_548 = tpu.memref_slice %arg2[%add3A, %dma_wait3A_542, %dma_wait3A_547] : memref<32x125x80xi32, #tpu.memory_space<hbm>> -> memref<1x1x80xi32, #tpu.memory_space<hbm>>
      %dma_wait3A_549 = tpu.memref_squeeze %dma_wait3A_548 : memref<1x1x80xi32, #tpu.memory_space<hbm>> -> memref<80xi32, #tpu.memory_space<hbm>>
      %dma_wait3A_550 = arith.constant 0 : i32
      %dma_wait3A_551 = tpu.memref_slice %arg7[%dma_wait3A_543, %dma_wait3A_550] : memref<8x80xi32, #tpu.memory_space<vmem>> -> memref<1x80xi32, #tpu.memory_space<vmem>>
      %dma_wait3A_552 = tpu.memref_squeeze %dma_wait3A_551 : memref<1x80xi32, #tpu.memory_space<vmem>> -> memref<80xi32, #tpu.memory_space<vmem>>
      %dma_wait3A_553 = arith.constant 0 : i32
      %dma_wait3A_554 = tpu.memref_slice %arg2[%add3A, %dma_wait3A_542, %dma_wait3A_553] : memref<32x125x80xi32, #tpu.memory_space<hbm>> -> memref<1x1x80xi32, #tpu.memory_space<hbm>>
      %dma_wait3A_555 = tpu.memref_squeeze %dma_wait3A_554 : memref<1x1x80xi32, #tpu.memory_space<hbm>> -> memref<80xi32, #tpu.memory_space<hbm>>
      tpu.wait_dma2 semaphore(%arg16 : memref<!tpu.dma_semaphore, #tpu.memory_space<semaphore_mem>>) src(%dma_wait3A_555 : memref<80xi32, #tpu.memory_space<hbm>>) dst(%dma_wait3A_552 : memref<80xi32, #tpu.memory_space<vmem>>)
      %dma_wait3A_556 = arith.constant 0 : i32
      %dma_wait3A_557 = arith.constant 3 : i32
      %dma_wait3A_558 = arith.constant 0 : i32
      %dma_wait3A_559 = tpu.memref_slice %arg8[%dma_wait3A_557, %dma_wait3A_558] : memref<8x80xi32, #tpu.memory_space<vmem>> -> memref<1x80xi32, #tpu.memory_space<vmem>>
      %dma_wait3A_560 = tpu.memref_squeeze %dma_wait3A_559 : memref<1x80xi32, #tpu.memory_space<vmem>> -> memref<80xi32, #tpu.memory_space<vmem>>
      %dma_wait3A_561 = arith.constant 0 : i32
      %dma_wait3A_562 = tpu.memref_slice %arg3[%add3A, %dma_wait3A_556, %dma_wait3A_561] : memref<32x125x80xi32, #tpu.memory_space<hbm>> -> memref<1x1x80xi32, #tpu.memory_space<hbm>>
      %dma_wait3A_563 = tpu.memref_squeeze %dma_wait3A_562 : memref<1x1x80xi32, #tpu.memory_space<hbm>> -> memref<80xi32, #tpu.memory_space<hbm>>
      %dma_wait3A_564 = arith.constant 0 : i32
      %dma_wait3A_565 = tpu.memref_slice %arg8[%dma_wait3A_557, %dma_wait3A_564] : memref<8x80xi32, #tpu.memory_space<vmem>> -> memref<1x80xi32, #tpu.memory_space<vmem>>
      %dma_wait3A_566 = tpu.memref_squeeze %dma_wait3A_565 : memref<1x80xi32, #tpu.memory_space<vmem>> -> memref<80xi32, #tpu.memory_space<vmem>>
      %dma_wait3A_567 = arith.constant 0 : i32
      %dma_wait3A_568 = tpu.memref_slice %arg3[%add3A, %dma_wait3A_556, %dma_wait3A_567] : memref<32x125x80xi32, #tpu.memory_space<hbm>> -> memref<1x1x80xi32, #tpu.memory_space<hbm>>
      %dma_wait3A_569 = tpu.memref_squeeze %dma_wait3A_568 : memref<1x1x80xi32, #tpu.memory_space<hbm>> -> memref<80xi32, #tpu.memory_space<hbm>>
      tpu.wait_dma2 semaphore(%arg16 : memref<!tpu.dma_semaphore, #tpu.memory_space<semaphore_mem>>) src(%dma_wait3A_569 : memref<80xi32, #tpu.memory_space<hbm>>) dst(%dma_wait3A_566 : memref<80xi32, #tpu.memory_space<vmem>>)
      %dma_start3A_570 = arith.constant 3 : i32
      %dma_start3A_571 = arith.constant 0 : i32
      %dma_start3A_572 = tpu.memref_slice %arg7[%dma_start3A_570, %dma_start3A_571] : memref<8x80xi32, #tpu.memory_space<vmem>> -> memref<1x80xi32, #tpu.memory_space<vmem>>
      %dma_start3A_573 = tpu.memref_squeeze %dma_start3A_572 : memref<1x80xi32, #tpu.memory_space<vmem>> -> memref<80xi32, #tpu.memory_space<vmem>>
      %dma_start3A_574 = arith.constant 0 : i32
      %dma_start3A_575 = arith.constant 0 : i32
      %dma_start3A_576 = tpu.memref_slice %arg4[%dma_start3A_574, %dma_start3A_575] : memref<10240x128xf32, #tpu.memory_space<hbm>> -> memref<10240x128xf32, #tpu.memory_space<hbm>>
      tpu.enqueue_indirect_dma source(%dma_start3A_576 : memref<10240x128xf32, #tpu.memory_space<hbm>>) target(%arg12 : memref<80x128xf32, #tpu.memory_space<vmem>>) offsets(%dma_start3A_573 : memref<80xi32, #tpu.memory_space<vmem>>) semaphore(%arg24 : memref<!tpu.dma_semaphore, #tpu.memory_space<semaphore_mem>>)
      %gt3A_577 = arith.constant 0 : i32
      %gt3A_578 = arith.cmpi sgt, %scan3A_523, %gt3A_577 : i32
      %convert_element_type3A_579 = arith.extui %gt3A_578 : i1 to i32
      %cond3A_580 = arith.constant 0 : i32
      %cond3A_581 = arith.cmpi ne, %convert_element_type3A_579, %cond3A_580 : i32
      scf.if %cond3A_581 {
        %mul3A_1143 = arith.constant 8 : i32
        %mul3A_1144 = arith.muli %scan3A_523, %mul3A_1143 : i32
        %add3A_1145 = arith.constant 0 : i32
        %add3A_1146 = arith.addi %mul3A_1144, %add3A_1145 : i32
        %add3A_1147 = arith.constant 6 : i32
        %add3A_1148 = arith.addi %add3A_1146, %add3A_1147 : i32
        %dma_start3A_1149 = arith.constant 6 : i32
        %dma_start3A_1150 = arith.constant 0 : i32
        %dma_start3A_1151 = tpu.memref_slice %arg7[%dma_start3A_1149, %dma_start3A_1150] : memref<8x80xi32, #tpu.memory_space<vmem>> -> memref<1x80xi32, #tpu.memory_space<vmem>>
        %dma_start3A_1152 = tpu.memref_squeeze %dma_start3A_1151 : memref<1x80xi32, #tpu.memory_space<vmem>> -> memref<80xi32, #tpu.memory_space<vmem>>
        %dma_start3A_1153 = arith.constant 0 : i32
        %dma_start3A_1154 = tpu.memref_slice %arg2[%add3A, %add3A_1148, %dma_start3A_1153] : memref<32x125x80xi32, #tpu.memory_space<hbm>> -> memref<1x1x80xi32, #tpu.memory_space<hbm>>
        %dma_start3A_1155 = tpu.memref_squeeze %dma_start3A_1154 : memref<1x1x80xi32, #tpu.memory_space<hbm>> -> memref<80xi32, #tpu.memory_space<hbm>>
        %dma_start3A_1156 = arith.constant 0 : i32
        %dma_start3A_1157 = tpu.memref_slice %arg7[%dma_start3A_1149, %dma_start3A_1156] : memref<8x80xi32, #tpu.memory_space<vmem>> -> memref<1x80xi32, #tpu.memory_space<vmem>>
        %dma_start3A_1158 = tpu.memref_squeeze %dma_start3A_1157 : memref<1x80xi32, #tpu.memory_space<vmem>> -> memref<80xi32, #tpu.memory_space<vmem>>
        %dma_start3A_1159 = arith.constant 0 : i32
        %dma_start3A_1160 = tpu.memref_slice %arg2[%add3A, %add3A_1148, %dma_start3A_1159] : memref<32x125x80xi32, #tpu.memory_space<hbm>> -> memref<1x1x80xi32, #tpu.memory_space<hbm>>
        %dma_start3A_1161 = tpu.memref_squeeze %dma_start3A_1160 : memref<1x1x80xi32, #tpu.memory_space<hbm>> -> memref<80xi32, #tpu.memory_space<hbm>>
        tpu.enqueue_dma source(%dma_start3A_1161 : memref<80xi32, #tpu.memory_space<hbm>>) target(%dma_start3A_1158 : memref<80xi32, #tpu.memory_space<vmem>>) target_semaphore(%arg19 : memref<!tpu.dma_semaphore, #tpu.memory_space<semaphore_mem>>)
        %dma_start3A_1162 = arith.constant 6 : i32
        %dma_start3A_1163 = arith.constant 0 : i32
        %dma_start3A_1164 = tpu.memref_slice %arg8[%dma_start3A_1162, %dma_start3A_1163] : memref<8x80xi32, #tpu.memory_space<vmem>> -> memref<1x80xi32, #tpu.memory_space<vmem>>
        %dma_start3A_1165 = tpu.memref_squeeze %dma_start3A_1164 : memref<1x80xi32, #tpu.memory_space<vmem>> -> memref<80xi32, #tpu.memory_space<vmem>>
        %dma_start3A_1166 = arith.constant 0 : i32
        %dma_start3A_1167 = tpu.memref_slice %arg3[%add3A, %add3A_1148, %dma_start3A_1166] : memref<32x125x80xi32, #tpu.memory_space<hbm>> -> memref<1x1x80xi32, #tpu.memory_space<hbm>>
        %dma_start3A_1168 = tpu.memref_squeeze %dma_start3A_1167 : memref<1x1x80xi32, #tpu.memory_space<hbm>> -> memref<80xi32, #tpu.memory_space<hbm>>
        %dma_start3A_1169 = arith.constant 0 : i32
        %dma_start3A_1170 = tpu.memref_slice %arg8[%dma_start3A_1162, %dma_start3A_1169] : memref<8x80xi32, #tpu.memory_space<vmem>> -> memref<1x80xi32, #tpu.memory_space<vmem>>
        %dma_start3A_1171 = tpu.memref_squeeze %dma_start3A_1170 : memref<1x80xi32, #tpu.memory_space<vmem>> -> memref<80xi32, #tpu.memory_space<vmem>>
        %dma_start3A_1172 = arith.constant 0 : i32
        %dma_start3A_1173 = tpu.memref_slice %arg3[%add3A, %add3A_1148, %dma_start3A_1172] : memref<32x125x80xi32, #tpu.memory_space<hbm>> -> memref<1x1x80xi32, #tpu.memory_space<hbm>>
        %dma_start3A_1174 = tpu.memref_squeeze %dma_start3A_1173 : memref<1x1x80xi32, #tpu.memory_space<hbm>> -> memref<80xi32, #tpu.memory_space<hbm>>
        tpu.enqueue_dma source(%dma_start3A_1174 : memref<80xi32, #tpu.memory_space<hbm>>) target(%dma_start3A_1171 : memref<80xi32, #tpu.memory_space<vmem>>) target_semaphore(%arg19 : memref<!tpu.dma_semaphore, #tpu.memory_space<semaphore_mem>>)
      } else {
      }
      %dma_wait3A_582 = arith.constant 0 : i32
      %dma_wait3A_583 = arith.constant 0 : i32
      %dma_wait3A_584 = tpu.memref_slice %arg7[%dma_wait3A_582, %dma_wait3A_583] : memref<8x80xi32, #tpu.memory_space<vmem>> -> memref<1x80xi32, #tpu.memory_space<vmem>>
      %dma_wait3A_585 = tpu.memref_squeeze %dma_wait3A_584 : memref<1x80xi32, #tpu.memory_space<vmem>> -> memref<80xi32, #tpu.memory_space<vmem>>
      %dma_wait3A_586 = arith.constant 0 : i32
      %dma_wait3A_587 = arith.constant 0 : i32
      %dma_wait3A_588 = tpu.memref_slice %arg4[%dma_wait3A_586, %dma_wait3A_587] : memref<10240x128xf32, #tpu.memory_space<hbm>> -> memref<10240x128xf32, #tpu.memory_space<hbm>>
      tpu.wait_indirect_dma semaphore(%arg22 : memref<!tpu.dma_semaphore, #tpu.memory_space<semaphore_mem>>) src(%dma_wait3A_588 : memref<10240x128xf32, #tpu.memory_space<hbm>>) dst(%arg10 : memref<80x128xf32, #tpu.memory_space<vmem>>)
      %dma_start3A_589 = arith.constant 1 : i32
      %dma_start3A_590 = arith.constant 0 : i32
      %dma_start3A_591 = tpu.memref_slice %arg8[%dma_start3A_589, %dma_start3A_590] : memref<8x80xi32, #tpu.memory_space<vmem>> -> memref<1x80xi32, #tpu.memory_space<vmem>>
      %dma_start3A_592 = tpu.memref_squeeze %dma_start3A_591 : memref<1x80xi32, #tpu.memory_space<vmem>> -> memref<80xi32, #tpu.memory_space<vmem>>
      %dma_start3A_593 = arith.constant 0 : i32
      %dma_start3A_594 = arith.constant 0 : i32
      %dma_start3A_595 = tpu.memref_slice %arg29[%dma_start3A_593, %dma_start3A_594] : memref<10240x128xf32, #tpu.memory_space<vmem_shared>> -> memref<10240x128xf32, #tpu.memory_space<vmem_shared>>
      tpu.enqueue_indirect_dma source(%arg10 : memref<80x128xf32, #tpu.memory_space<vmem>>) target(%dma_start3A_595 : memref<10240x128xf32, #tpu.memory_space<vmem_shared>>) offsets(%dma_start3A_592 : memref<80xi32, #tpu.memory_space<vmem>>) semaphore(%arg26 : memref<!tpu.dma_semaphore, #tpu.memory_space<semaphore_mem>>) {add = true}
      %dma_wait3A_596 = arith.constant 0 : i32
      %dma_wait3A_597 = arith.constant 0 : i32
      %dma_wait3A_598 = tpu.memref_slice %arg8[%dma_wait3A_596, %dma_wait3A_597] : memref<8x80xi32, #tpu.memory_space<vmem>> -> memref<1x80xi32, #tpu.memory_space<vmem>>
      %dma_wait3A_599 = tpu.memref_squeeze %dma_wait3A_598 : memref<1x80xi32, #tpu.memory_space<vmem>> -> memref<80xi32, #tpu.memory_space<vmem>>
      %dma_wait3A_600 = arith.constant 0 : i32
      %dma_wait3A_601 = arith.constant 0 : i32
      %dma_wait3A_602 = tpu.memref_slice %arg29[%dma_wait3A_600, %dma_wait3A_601] : memref<10240x128xf32, #tpu.memory_space<vmem_shared>> -> memref<10240x128xf32, #tpu.memory_space<vmem_shared>>
      tpu.wait_indirect_dma semaphore(%arg25 : memref<!tpu.dma_semaphore, #tpu.memory_space<semaphore_mem>>) src(%arg9 : memref<80x128xf32, #tpu.memory_space<vmem>>) dst(%dma_wait3A_602 : memref<10240x128xf32, #tpu.memory_space<vmem_shared>>)
      %dma_wait3A_603 = arith.constant 0 : i32
      %dma_wait3A_604 = arith.constant 4 : i32
      %dma_wait3A_605 = arith.constant 0 : i32
      %dma_wait3A_606 = tpu.memref_slice %arg7[%dma_wait3A_604, %dma_wait3A_605] : memref<8x80xi32, #tpu.memory_space<vmem>> -> memref<1x80xi32, #tpu.memory_space<vmem>>
      %dma_wait3A_607 = tpu.memref_squeeze %dma_wait3A_606 : memref<1x80xi32, #tpu.memory_space<vmem>> -> memref<80xi32, #tpu.memory_space<vmem>>
      %dma_wait3A_608 = arith.constant 0 : i32
      %dma_wait3A_609 = tpu.memref_slice %arg2[%add3A, %dma_wait3A_603, %dma_wait3A_608] : memref<32x125x80xi32, #tpu.memory_space<hbm>> -> memref<1x1x80xi32, #tpu.memory_space<hbm>>
      %dma_wait3A_610 = tpu.memref_squeeze %dma_wait3A_609 : memref<1x1x80xi32, #tpu.memory_space<hbm>> -> memref<80xi32, #tpu.memory_space<hbm>>
      %dma_wait3A_611 = arith.constant 0 : i32
      %dma_wait3A_612 = tpu.memref_slice %arg7[%dma_wait3A_604, %dma_wait3A_611] : memref<8x80xi32, #tpu.memory_space<vmem>> -> memref<1x80xi32, #tpu.memory_space<vmem>>
      %dma_wait3A_613 = tpu.memref_squeeze %dma_wait3A_612 : memref<1x80xi32, #tpu.memory_space<vmem>> -> memref<80xi32, #tpu.memory_space<vmem>>
      %dma_wait3A_614 = arith.constant 0 : i32
      %dma_wait3A_615 = tpu.memref_slice %arg2[%add3A, %dma_wait3A_603, %dma_wait3A_614] : memref<32x125x80xi32, #tpu.memory_space<hbm>> -> memref<1x1x80xi32, #tpu.memory_space<hbm>>
      %dma_wait3A_616 = tpu.memref_squeeze %dma_wait3A_615 : memref<1x1x80xi32, #tpu.memory_space<hbm>> -> memref<80xi32, #tpu.memory_space<hbm>>
      tpu.wait_dma2 semaphore(%arg17 : memref<!tpu.dma_semaphore, #tpu.memory_space<semaphore_mem>>) src(%dma_wait3A_616 : memref<80xi32, #tpu.memory_space<hbm>>) dst(%dma_wait3A_613 : memref<80xi32, #tpu.memory_space<vmem>>)
      %dma_wait3A_617 = arith.constant 0 : i32
      %dma_wait3A_618 = arith.constant 4 : i32
      %dma_wait3A_619 = arith.constant 0 : i32
      %dma_wait3A_620 = tpu.memref_slice %arg8[%dma_wait3A_618, %dma_wait3A_619] : memref<8x80xi32, #tpu.memory_space<vmem>> -> memref<1x80xi32, #tpu.memory_space<vmem>>
      %dma_wait3A_621 = tpu.memref_squeeze %dma_wait3A_620 : memref<1x80xi32, #tpu.memory_space<vmem>> -> memref<80xi32, #tpu.memory_space<vmem>>
      %dma_wait3A_622 = arith.constant 0 : i32
      %dma_wait3A_623 = tpu.memref_slice %arg3[%add3A, %dma_wait3A_617, %dma_wait3A_622] : memref<32x125x80xi32, #tpu.memory_space<hbm>> -> memref<1x1x80xi32, #tpu.memory_space<hbm>>
      %dma_wait3A_624 = tpu.memref_squeeze %dma_wait3A_623 : memref<1x1x80xi32, #tpu.memory_space<hbm>> -> memref<80xi32, #tpu.memory_space<hbm>>
      %dma_wait3A_625 = arith.constant 0 : i32
      %dma_wait3A_626 = tpu.memref_slice %arg8[%dma_wait3A_618, %dma_wait3A_625] : memref<8x80xi32, #tpu.memory_space<vmem>> -> memref<1x80xi32, #tpu.memory_space<vmem>>
      %dma_wait3A_627 = tpu.memref_squeeze %dma_wait3A_626 : memref<1x80xi32, #tpu.memory_space<vmem>> -> memref<80xi32, #tpu.memory_space<vmem>>
      %dma_wait3A_628 = arith.constant 0 : i32
      %dma_wait3A_629 = tpu.memref_slice %arg3[%add3A, %dma_wait3A_617, %dma_wait3A_628] : memref<32x125x80xi32, #tpu.memory_space<hbm>> -> memref<1x1x80xi32, #tpu.memory_space<hbm>>
      %dma_wait3A_630 = tpu.memref_squeeze %dma_wait3A_629 : memref<1x1x80xi32, #tpu.memory_space<hbm>> -> memref<80xi32, #tpu.memory_space<hbm>>
      tpu.wait_dma2 semaphore(%arg17 : memref<!tpu.dma_semaphore, #tpu.memory_space<semaphore_mem>>) src(%dma_wait3A_630 : memref<80xi32, #tpu.memory_space<hbm>>) dst(%dma_wait3A_627 : memref<80xi32, #tpu.memory_space<vmem>>)
      %dma_start3A_631 = arith.constant 4 : i32
      %dma_start3A_632 = arith.constant 0 : i32
      %dma_start3A_633 = tpu.memref_slice %arg7[%dma_start3A_631, %dma_start3A_632] : memref<8x80xi32, #tpu.memory_space<vmem>> -> memref<1x80xi32, #tpu.memory_space<vmem>>
      %dma_start3A_634 = tpu.memref_squeeze %dma_start3A_633 : memref<1x80xi32, #tpu.memory_space<vmem>> -> memref<80xi32, #tpu.memory_space<vmem>>
      %dma_start3A_635 = arith.constant 0 : i32
      %dma_start3A_636 = arith.constant 0 : i32
      %dma_start3A_637 = tpu.memref_slice %arg4[%dma_start3A_635, %dma_start3A_636] : memref<10240x128xf32, #tpu.memory_space<hbm>> -> memref<10240x128xf32, #tpu.memory_space<hbm>>
      tpu.enqueue_indirect_dma source(%dma_start3A_637 : memref<10240x128xf32, #tpu.memory_space<hbm>>) target(%arg9 : memref<80x128xf32, #tpu.memory_space<vmem>>) offsets(%dma_start3A_634 : memref<80xi32, #tpu.memory_space<vmem>>) semaphore(%arg21 : memref<!tpu.dma_semaphore, #tpu.memory_space<semaphore_mem>>)
      %gt3A_638 = arith.constant 0 : i32
      %gt3A_639 = arith.cmpi sgt, %scan3A_523, %gt3A_638 : i32
      %convert_element_type3A_640 = arith.extui %gt3A_639 : i1 to i32
      %cond3A_641 = arith.constant 0 : i32
      %cond3A_642 = arith.cmpi ne, %convert_element_type3A_640, %cond3A_641 : i32
      scf.if %cond3A_642 {
        %mul3A_1143 = arith.constant 8 : i32
        %mul3A_1144 = arith.muli %scan3A_523, %mul3A_1143 : i32
        %add3A_1145 = arith.constant 1 : i32
        %add3A_1146 = arith.addi %mul3A_1144, %add3A_1145 : i32
        %add3A_1147 = arith.constant 6 : i32
        %add3A_1148 = arith.addi %add3A_1146, %add3A_1147 : i32
        %dma_start3A_1149 = arith.constant 7 : i32
        %dma_start3A_1150 = arith.constant 0 : i32
        %dma_start3A_1151 = tpu.memref_slice %arg7[%dma_start3A_1149, %dma_start3A_1150] : memref<8x80xi32, #tpu.memory_space<vmem>> -> memref<1x80xi32, #tpu.memory_space<vmem>>
        %dma_start3A_1152 = tpu.memref_squeeze %dma_start3A_1151 : memref<1x80xi32, #tpu.memory_space<vmem>> -> memref<80xi32, #tpu.memory_space<vmem>>
        %dma_start3A_1153 = arith.constant 0 : i32
        %dma_start3A_1154 = tpu.memref_slice %arg2[%add3A, %add3A_1148, %dma_start3A_1153] : memref<32x125x80xi32, #tpu.memory_space<hbm>> -> memref<1x1x80xi32, #tpu.memory_space<hbm>>
        %dma_start3A_1155 = tpu.memref_squeeze %dma_start3A_1154 : memref<1x1x80xi32, #tpu.memory_space<hbm>> -> memref<80xi32, #tpu.memory_space<hbm>>
        %dma_start3A_1156 = arith.constant 0 : i32
        %dma_start3A_1157 = tpu.memref_slice %arg7[%dma_start3A_1149, %dma_start3A_1156] : memref<8x80xi32, #tpu.memory_space<vmem>> -> memref<1x80xi32, #tpu.memory_space<vmem>>
        %dma_start3A_1158 = tpu.memref_squeeze %dma_start3A_1157 : memref<1x80xi32, #tpu.memory_space<vmem>> -> memref<80xi32, #tpu.memory_space<vmem>>
        %dma_start3A_1159 = arith.constant 0 : i32
        %dma_start3A_1160 = tpu.memref_slice %arg2[%add3A, %add3A_1148, %dma_start3A_1159] : memref<32x125x80xi32, #tpu.memory_space<hbm>> -> memref<1x1x80xi32, #tpu.memory_space<hbm>>
        %dma_start3A_1161 = tpu.memref_squeeze %dma_start3A_1160 : memref<1x1x80xi32, #tpu.memory_space<hbm>> -> memref<80xi32, #tpu.memory_space<hbm>>
        tpu.enqueue_dma source(%dma_start3A_1161 : memref<80xi32, #tpu.memory_space<hbm>>) target(%dma_start3A_1158 : memref<80xi32, #tpu.memory_space<vmem>>) target_semaphore(%arg20 : memref<!tpu.dma_semaphore, #tpu.memory_space<semaphore_mem>>)
        %dma_start3A_1162 = arith.constant 7 : i32
        %dma_start3A_1163 = arith.constant 0 : i32
        %dma_start3A_1164 = tpu.memref_slice %arg8[%dma_start3A_1162, %dma_start3A_1163] : memref<8x80xi32, #tpu.memory_space<vmem>> -> memref<1x80xi32, #tpu.memory_space<vmem>>
        %dma_start3A_1165 = tpu.memref_squeeze %dma_start3A_1164 : memref<1x80xi32, #tpu.memory_space<vmem>> -> memref<80xi32, #tpu.memory_space<vmem>>
        %dma_start3A_1166 = arith.constant 0 : i32
        %dma_start3A_1167 = tpu.memref_slice %arg3[%add3A, %add3A_1148, %dma_start3A_1166] : memref<32x125x80xi32, #tpu.memory_space<hbm>> -> memref<1x1x80xi32, #tpu.memory_space<hbm>>
        %dma_start3A_1168 = tpu.memref_squeeze %dma_start3A_1167 : memref<1x1x80xi32, #tpu.memory_space<hbm>> -> memref<80xi32, #tpu.memory_space<hbm>>
        %dma_start3A_1169 = arith.constant 0 : i32
        %dma_start3A_1170 = tpu.memref_slice %arg8[%dma_start3A_1162, %dma_start3A_1169] : memref<8x80xi32, #tpu.memory_space<vmem>> -> memref<1x80xi32, #tpu.memory_space<vmem>>
        %dma_start3A_1171 = tpu.memref_squeeze %dma_start3A_1170 : memref<1x80xi32, #tpu.memory_space<vmem>> -> memref<80xi32, #tpu.memory_space<vmem>>
        %dma_start3A_1172 = arith.constant 0 : i32
        %dma_start3A_1173 = tpu.memref_slice %arg3[%add3A, %add3A_1148, %dma_start3A_1172] : memref<32x125x80xi32, #tpu.memory_space<hbm>> -> memref<1x1x80xi32, #tpu.memory_space<hbm>>
        %dma_start3A_1174 = tpu.memref_squeeze %dma_start3A_1173 : memref<1x1x80xi32, #tpu.memory_space<hbm>> -> memref<80xi32, #tpu.memory_space<hbm>>
        tpu.enqueue_dma source(%dma_start3A_1174 : memref<80xi32, #tpu.memory_space<hbm>>) target(%dma_start3A_1171 : memref<80xi32, #tpu.memory_space<vmem>>) target_semaphore(%arg20 : memref<!tpu.dma_semaphore, #tpu.memory_space<semaphore_mem>>)
      } else {
      }
      %dma_wait3A_643 = arith.constant 0 : i32
      %dma_wait3A_644 = arith.constant 0 : i32
      %dma_wait3A_645 = tpu.memref_slice %arg7[%dma_wait3A_643, %dma_wait3A_644] : memref<8x80xi32, #tpu.memory_space<vmem>> -> memref<1x80xi32, #tpu.memory_space<vmem>>
      %dma_wait3A_646 = tpu.memref_squeeze %dma_wait3A_645 : memref<1x80xi32, #tpu.memory_space<vmem>> -> memref<80xi32, #tpu.memory_space<vmem>>
      %dma_wait3A_647 = arith.constant 0 : i32
      %dma_wait3A_648 = arith.constant 0 : i32
      %dma_wait3A_649 = tpu.memref_slice %arg4[%dma_wait3A_647, %dma_wait3A_648] : memref<10240x128xf32, #tpu.memory_space<hbm>> -> memref<10240x128xf32, #tpu.memory_space<hbm>>
      tpu.wait_indirect_dma semaphore(%arg23 : memref<!tpu.dma_semaphore, #tpu.memory_space<semaphore_mem>>) src(%dma_wait3A_649 : memref<10240x128xf32, #tpu.memory_space<hbm>>) dst(%arg11 : memref<80x128xf32, #tpu.memory_space<vmem>>)
      %dma_start3A_650 = arith.constant 2 : i32
      %dma_start3A_651 = arith.constant 0 : i32
      %dma_start3A_652 = tpu.memref_slice %arg8[%dma_start3A_650, %dma_start3A_651] : memref<8x80xi32, #tpu.memory_space<vmem>> -> memref<1x80xi32, #tpu.memory_space<vmem>>
      %dma_start3A_653 = tpu.memref_squeeze %dma_start3A_652 : memref<1x80xi32, #tpu.memory_space<vmem>> -> memref<80xi32, #tpu.memory_space<vmem>>
      %dma_start3A_654 = arith.constant 0 : i32
      %dma_start3A_655 = arith.constant 0 : i32
      %dma_start3A_656 = tpu.memref_slice %arg29[%dma_start3A_654, %dma_start3A_655] : memref<10240x128xf32, #tpu.memory_space<vmem_shared>> -> memref<10240x128xf32, #tpu.memory_space<vmem_shared>>
      tpu.enqueue_indirect_dma source(%arg11 : memref<80x128xf32, #tpu.memory_space<vmem>>) target(%dma_start3A_656 : memref<10240x128xf32, #tpu.memory_space<vmem_shared>>) offsets(%dma_start3A_653 : memref<80xi32, #tpu.memory_space<vmem>>) semaphore(%arg27 : memref<!tpu.dma_semaphore, #tpu.memory_space<semaphore_mem>>) {add = true}
      %dma_wait3A_657 = arith.constant 0 : i32
      %dma_wait3A_658 = arith.constant 0 : i32
      %dma_wait3A_659 = tpu.memref_slice %arg8[%dma_wait3A_657, %dma_wait3A_658] : memref<8x80xi32, #tpu.memory_space<vmem>> -> memref<1x80xi32, #tpu.memory_space<vmem>>
      %dma_wait3A_660 = tpu.memref_squeeze %dma_wait3A_659 : memref<1x80xi32, #tpu.memory_space<vmem>> -> memref<80xi32, #tpu.memory_space<vmem>>
      %dma_wait3A_661 = arith.constant 0 : i32
      %dma_wait3A_662 = arith.constant 0 : i32
      %dma_wait3A_663 = tpu.memref_slice %arg29[%dma_wait3A_661, %dma_wait3A_662] : memref<10240x128xf32, #tpu.memory_space<vmem_shared>> -> memref<10240x128xf32, #tpu.memory_space<vmem_shared>>
      tpu.wait_indirect_dma semaphore(%arg26 : memref<!tpu.dma_semaphore, #tpu.memory_space<semaphore_mem>>) src(%arg10 : memref<80x128xf32, #tpu.memory_space<vmem>>) dst(%dma_wait3A_663 : memref<10240x128xf32, #tpu.memory_space<vmem_shared>>)
      %dma_wait3A_664 = arith.constant 0 : i32
      %dma_wait3A_665 = arith.constant 5 : i32
      %dma_wait3A_666 = arith.constant 0 : i32
      %dma_wait3A_667 = tpu.memref_slice %arg7[%dma_wait3A_665, %dma_wait3A_666] : memref<8x80xi32, #tpu.memory_space<vmem>> -> memref<1x80xi32, #tpu.memory_space<vmem>>
      %dma_wait3A_668 = tpu.memref_squeeze %dma_wait3A_667 : memref<1x80xi32, #tpu.memory_space<vmem>> -> memref<80xi32, #tpu.memory_space<vmem>>
      %dma_wait3A_669 = arith.constant 0 : i32
      %dma_wait3A_670 = tpu.memref_slice %arg2[%add3A, %dma_wait3A_664, %dma_wait3A_669] : memref<32x125x80xi32, #tpu.memory_space<hbm>> -> memref<1x1x80xi32, #tpu.memory_space<hbm>>
      %dma_wait3A_671 = tpu.memref_squeeze %dma_wait3A_670 : memref<1x1x80xi32, #tpu.memory_space<hbm>> -> memref<80xi32, #tpu.memory_space<hbm>>
      %dma_wait3A_672 = arith.constant 0 : i32
      %dma_wait3A_673 = tpu.memref_slice %arg7[%dma_wait3A_665, %dma_wait3A_672] : memref<8x80xi32, #tpu.memory_space<vmem>> -> memref<1x80xi32, #tpu.memory_space<vmem>>
      %dma_wait3A_674 = tpu.memref_squeeze %dma_wait3A_673 : memref<1x80xi32, #tpu.memory_space<vmem>> -> memref<80xi32, #tpu.memory_space<vmem>>
      %dma_wait3A_675 = arith.constant 0 : i32
      %dma_wait3A_676 = tpu.memref_slice %arg2[%add3A, %dma_wait3A_664, %dma_wait3A_675] : memref<32x125x80xi32, #tpu.memory_space<hbm>> -> memref<1x1x80xi32, #tpu.memory_space<hbm>>
      %dma_wait3A_677 = tpu.memref_squeeze %dma_wait3A_676 : memref<1x1x80xi32, #tpu.memory_space<hbm>> -> memref<80xi32, #tpu.memory_space<hbm>>
      tpu.wait_dma2 semaphore(%arg18 : memref<!tpu.dma_semaphore, #tpu.memory_space<semaphore_mem>>) src(%dma_wait3A_677 : memref<80xi32, #tpu.memory_space<hbm>>) dst(%dma_wait3A_674 : memref<80xi32, #tpu.memory_space<vmem>>)
      %dma_wait3A_678 = arith.constant 0 : i32
      %dma_wait3A_679 = arith.constant 5 : i32
      %dma_wait3A_680 = arith.constant 0 : i32
      %dma_wait3A_681 = tpu.memref_slice %arg8[%dma_wait3A_679, %dma_wait3A_680] : memref<8x80xi32, #tpu.memory_space<vmem>> -> memref<1x80xi32, #tpu.memory_space<vmem>>
      %dma_wait3A_682 = tpu.memref_squeeze %dma_wait3A_681 : memref<1x80xi32, #tpu.memory_space<vmem>> -> memref<80xi32, #tpu.memory_space<vmem>>
      %dma_wait3A_683 = arith.constant 0 : i32
      %dma_wait3A_684 = tpu.memref_slice %arg3[%add3A, %dma_wait3A_678, %dma_wait3A_683] : memref<32x125x80xi32, #tpu.memory_space<hbm>> -> memref<1x1x80xi32, #tpu.memory_space<hbm>>
      %dma_wait3A_685 = tpu.memref_squeeze %dma_wait3A_684 : memref<1x1x80xi32, #tpu.memory_space<hbm>> -> memref<80xi32, #tpu.memory_space<hbm>>
      %dma_wait3A_686 = arith.constant 0 : i32
      %dma_wait3A_687 = tpu.memref_slice %arg8[%dma_wait3A_679, %dma_wait3A_686] : memref<8x80xi32, #tpu.memory_space<vmem>> -> memref<1x80xi32, #tpu.memory_space<vmem>>
      %dma_wait3A_688 = tpu.memref_squeeze %dma_wait3A_687 : memref<1x80xi32, #tpu.memory_space<vmem>> -> memref<80xi32, #tpu.memory_space<vmem>>
      %dma_wait3A_689 = arith.constant 0 : i32
      %dma_wait3A_690 = tpu.memref_slice %arg3[%add3A, %dma_wait3A_678, %dma_wait3A_689] : memref<32x125x80xi32, #tpu.memory_space<hbm>> -> memref<1x1x80xi32, #tpu.memory_space<hbm>>
      %dma_wait3A_691 = tpu.memref_squeeze %dma_wait3A_690 : memref<1x1x80xi32, #tpu.memory_space<hbm>> -> memref<80xi32, #tpu.memory_space<hbm>>
      tpu.wait_dma2 semaphore(%arg18 : memref<!tpu.dma_semaphore, #tpu.memory_space<semaphore_mem>>) src(%dma_wait3A_691 : memref<80xi32, #tpu.memory_space<hbm>>) dst(%dma_wait3A_688 : memref<80xi32, #tpu.memory_space<vmem>>)
      %dma_start3A_692 = arith.constant 5 : i32
      %dma_start3A_693 = arith.constant 0 : i32
      %dma_start3A_694 = tpu.memref_slice %arg7[%dma_start3A_692, %dma_start3A_693] : memref<8x80xi32, #tpu.memory_space<vmem>> -> memref<1x80xi32, #tpu.memory_space<vmem>>
      %dma_start3A_695 = tpu.memref_squeeze %dma_start3A_694 : memref<1x80xi32, #tpu.memory_space<vmem>> -> memref<80xi32, #tpu.memory_space<vmem>>
      %dma_start3A_696 = arith.constant 0 : i32
      %dma_start3A_697 = arith.constant 0 : i32
      %dma_start3A_698 = tpu.memref_slice %arg4[%dma_start3A_696, %dma_start3A_697] : memref<10240x128xf32, #tpu.memory_space<hbm>> -> memref<10240x128xf32, #tpu.memory_space<hbm>>
      tpu.enqueue_indirect_dma source(%dma_start3A_698 : memref<10240x128xf32, #tpu.memory_space<hbm>>) target(%arg10 : memref<80x128xf32, #tpu.memory_space<vmem>>) offsets(%dma_start3A_695 : memref<80xi32, #tpu.memory_space<vmem>>) semaphore(%arg22 : memref<!tpu.dma_semaphore, #tpu.memory_space<semaphore_mem>>)
      %mul3A_699 = arith.constant 8 : i32
      %mul3A_700 = arith.muli %scan3A_523, %mul3A_699 : i32
      %add3A_701 = arith.constant 2 : i32
      %add3A_702 = arith.addi %mul3A_700, %add3A_701 : i32
      %add3A_703 = arith.constant 6 : i32
      %add3A_704 = arith.addi %add3A_702, %add3A_703 : i32
      %dma_start3A_705 = arith.constant 0 : i32
      %dma_start3A_706 = arith.constant 0 : i32
      %dma_start3A_707 = tpu.memref_slice %arg7[%dma_start3A_705, %dma_start3A_706] : memref<8x80xi32, #tpu.memory_space<vmem>> -> memref<1x80xi32, #tpu.memory_space<vmem>>
      %dma_start3A_708 = tpu.memref_squeeze %dma_start3A_707 : memref<1x80xi32, #tpu.memory_space<vmem>> -> memref<80xi32, #tpu.memory_space<vmem>>
      %dma_start3A_709 = arith.constant 0 : i32
      %dma_start3A_710 = tpu.memref_slice %arg2[%add3A, %add3A_704, %dma_start3A_709] : memref<32x125x80xi32, #tpu.memory_space<hbm>> -> memref<1x1x80xi32, #tpu.memory_space<hbm>>
      %dma_start3A_711 = tpu.memref_squeeze %dma_start3A_710 : memref<1x1x80xi32, #tpu.memory_space<hbm>> -> memref<80xi32, #tpu.memory_space<hbm>>
      %dma_start3A_712 = arith.constant 0 : i32
      %dma_start3A_713 = tpu.memref_slice %arg7[%dma_start3A_705, %dma_start3A_712] : memref<8x80xi32, #tpu.memory_space<vmem>> -> memref<1x80xi32, #tpu.memory_space<vmem>>
      %dma_start3A_714 = tpu.memref_squeeze %dma_start3A_713 : memref<1x80xi32, #tpu.memory_space<vmem>> -> memref<80xi32, #tpu.memory_space<vmem>>
      %dma_start3A_715 = arith.constant 0 : i32
      %dma_start3A_716 = tpu.memref_slice %arg2[%add3A, %add3A_704, %dma_start3A_715] : memref<32x125x80xi32, #tpu.memory_space<hbm>> -> memref<1x1x80xi32, #tpu.memory_space<hbm>>
      %dma_start3A_717 = tpu.memref_squeeze %dma_start3A_716 : memref<1x1x80xi32, #tpu.memory_space<hbm>> -> memref<80xi32, #tpu.memory_space<hbm>>
      tpu.enqueue_dma source(%dma_start3A_717 : memref<80xi32, #tpu.memory_space<hbm>>) target(%dma_start3A_714 : memref<80xi32, #tpu.memory_space<vmem>>) target_semaphore(%arg13 : memref<!tpu.dma_semaphore, #tpu.memory_space<semaphore_mem>>)
      %dma_start3A_718 = arith.constant 0 : i32
      %dma_start3A_719 = arith.constant 0 : i32
      %dma_start3A_720 = tpu.memref_slice %arg8[%dma_start3A_718, %dma_start3A_719] : memref<8x80xi32, #tpu.memory_space<vmem>> -> memref<1x80xi32, #tpu.memory_space<vmem>>
      %dma_start3A_721 = tpu.memref_squeeze %dma_start3A_720 : memref<1x80xi32, #tpu.memory_space<vmem>> -> memref<80xi32, #tpu.memory_space<vmem>>
      %dma_start3A_722 = arith.constant 0 : i32
      %dma_start3A_723 = tpu.memref_slice %arg3[%add3A, %add3A_704, %dma_start3A_722] : memref<32x125x80xi32, #tpu.memory_space<hbm>> -> memref<1x1x80xi32, #tpu.memory_space<hbm>>
      %dma_start3A_724 = tpu.memref_squeeze %dma_start3A_723 : memref<1x1x80xi32, #tpu.memory_space<hbm>> -> memref<80xi32, #tpu.memory_space<hbm>>
      %dma_start3A_725 = arith.constant 0 : i32
      %dma_start3A_726 = tpu.memref_slice %arg8[%dma_start3A_718, %dma_start3A_725] : memref<8x80xi32, #tpu.memory_space<vmem>> -> memref<1x80xi32, #tpu.memory_space<vmem>>
      %dma_start3A_727 = tpu.memref_squeeze %dma_start3A_726 : memref<1x80xi32, #tpu.memory_space<vmem>> -> memref<80xi32, #tpu.memory_space<vmem>>
      %dma_start3A_728 = arith.constant 0 : i32
      %dma_start3A_729 = tpu.memref_slice %arg3[%add3A, %add3A_704, %dma_start3A_728] : memref<32x125x80xi32, #tpu.memory_space<hbm>> -> memref<1x1x80xi32, #tpu.memory_space<hbm>>
      %dma_start3A_730 = tpu.memref_squeeze %dma_start3A_729 : memref<1x1x80xi32, #tpu.memory_space<hbm>> -> memref<80xi32, #tpu.memory_space<hbm>>
      tpu.enqueue_dma source(%dma_start3A_730 : memref<80xi32, #tpu.memory_space<hbm>>) target(%dma_start3A_727 : memref<80xi32, #tpu.memory_space<vmem>>) target_semaphore(%arg13 : memref<!tpu.dma_semaphore, #tpu.memory_space<semaphore_mem>>)
      %dma_wait3A_731 = arith.constant 0 : i32
      %dma_wait3A_732 = arith.constant 0 : i32
      %dma_wait3A_733 = tpu.memref_slice %arg7[%dma_wait3A_731, %dma_wait3A_732] : memref<8x80xi32, #tpu.memory_space<vmem>> -> memref<1x80xi32, #tpu.memory_space<vmem>>
      %dma_wait3A_734 = tpu.memref_squeeze %dma_wait3A_733 : memref<1x80xi32, #tpu.memory_space<vmem>> -> memref<80xi32, #tpu.memory_space<vmem>>
      %dma_wait3A_735 = arith.constant 0 : i32
      %dma_wait3A_736 = arith.constant 0 : i32
      %dma_wait3A_737 = tpu.memref_slice %arg4[%dma_wait3A_735, %dma_wait3A_736] : memref<10240x128xf32, #tpu.memory_space<hbm>> -> memref<10240x128xf32, #tpu.memory_space<hbm>>
      tpu.wait_indirect_dma semaphore(%arg24 : memref<!tpu.dma_semaphore, #tpu.memory_space<semaphore_mem>>) src(%dma_wait3A_737 : memref<10240x128xf32, #tpu.memory_space<hbm>>) dst(%arg12 : memref<80x128xf32, #tpu.memory_space<vmem>>)
      %dma_start3A_738 = arith.constant 3 : i32
      %dma_start3A_739 = arith.constant 0 : i32
      %dma_start3A_740 = tpu.memref_slice %arg8[%dma_start3A_738, %dma_start3A_739] : memref<8x80xi32, #tpu.memory_space<vmem>> -> memref<1x80xi32, #tpu.memory_space<vmem>>
      %dma_start3A_741 = tpu.memref_squeeze %dma_start3A_740 : memref<1x80xi32, #tpu.memory_space<vmem>> -> memref<80xi32, #tpu.memory_space<vmem>>
      %dma_start3A_742 = arith.constant 0 : i32
      %dma_start3A_743 = arith.constant 0 : i32
      %dma_start3A_744 = tpu.memref_slice %arg29[%dma_start3A_742, %dma_start3A_743] : memref<10240x128xf32, #tpu.memory_space<vmem_shared>> -> memref<10240x128xf32, #tpu.memory_space<vmem_shared>>
      tpu.enqueue_indirect_dma source(%arg12 : memref<80x128xf32, #tpu.memory_space<vmem>>) target(%dma_start3A_744 : memref<10240x128xf32, #tpu.memory_space<vmem_shared>>) offsets(%dma_start3A_741 : memref<80xi32, #tpu.memory_space<vmem>>) semaphore(%arg28 : memref<!tpu.dma_semaphore, #tpu.memory_space<semaphore_mem>>) {add = true}
      %dma_wait3A_745 = arith.constant 0 : i32
      %dma_wait3A_746 = arith.constant 0 : i32
      %dma_wait3A_747 = tpu.memref_slice %arg8[%dma_wait3A_745, %dma_wait3A_746] : memref<8x80xi32, #tpu.memory_space<vmem>> -> memref<1x80xi32, #tpu.memory_space<vmem>>
      %dma_wait3A_748 = tpu.memref_squeeze %dma_wait3A_747 : memref<1x80xi32, #tpu.memory_space<vmem>> -> memref<80xi32, #tpu.memory_space<vmem>>
      %dma_wait3A_749 = arith.constant 0 : i32
      %dma_wait3A_750 = arith.constant 0 : i32
      %dma_wait3A_751 = tpu.memref_slice %arg29[%dma_wait3A_749, %dma_wait3A_750] : memref<10240x128xf32, #tpu.memory_space<vmem_shared>> -> memref<10240x128xf32, #tpu.memory_space<vmem_shared>>
      tpu.wait_indirect_dma semaphore(%arg27 : memref<!tpu.dma_semaphore, #tpu.memory_space<semaphore_mem>>) src(%arg11 : memref<80x128xf32, #tpu.memory_space<vmem>>) dst(%dma_wait3A_751 : memref<10240x128xf32, #tpu.memory_space<vmem_shared>>)
      %dma_wait3A_752 = arith.constant 0 : i32
      %dma_wait3A_753 = arith.constant 6 : i32
      %dma_wait3A_754 = arith.constant 0 : i32
      %dma_wait3A_755 = tpu.memref_slice %arg7[%dma_wait3A_753, %dma_wait3A_754] : memref<8x80xi32, #tpu.memory_space<vmem>> -> memref<1x80xi32, #tpu.memory_space<vmem>>
      %dma_wait3A_756 = tpu.memref_squeeze %dma_wait3A_755 : memref<1x80xi32, #tpu.memory_space<vmem>> -> memref<80xi32, #tpu.memory_space<vmem>>
      %dma_wait3A_757 = arith.constant 0 : i32
      %dma_wait3A_758 = tpu.memref_slice %arg2[%add3A, %dma_wait3A_752, %dma_wait3A_757] : memref<32x125x80xi32, #tpu.memory_space<hbm>> -> memref<1x1x80xi32, #tpu.memory_space<hbm>>
      %dma_wait3A_759 = tpu.memref_squeeze %dma_wait3A_758 : memref<1x1x80xi32, #tpu.memory_space<hbm>> -> memref<80xi32, #tpu.memory_space<hbm>>
      %dma_wait3A_760 = arith.constant 0 : i32
      %dma_wait3A_761 = tpu.memref_slice %arg7[%dma_wait3A_753, %dma_wait3A_760] : memref<8x80xi32, #tpu.memory_space<vmem>> -> memref<1x80xi32, #tpu.memory_space<vmem>>
      %dma_wait3A_762 = tpu.memref_squeeze %dma_wait3A_761 : memref<1x80xi32, #tpu.memory_space<vmem>> -> memref<80xi32, #tpu.memory_space<vmem>>
      %dma_wait3A_763 = arith.constant 0 : i32
      %dma_wait3A_764 = tpu.memref_slice %arg2[%add3A, %dma_wait3A_752, %dma_wait3A_763] : memref<32x125x80xi32, #tpu.memory_space<hbm>> -> memref<1x1x80xi32, #tpu.memory_space<hbm>>
      %dma_wait3A_765 = tpu.memref_squeeze %dma_wait3A_764 : memref<1x1x80xi32, #tpu.memory_space<hbm>> -> memref<80xi32, #tpu.memory_space<hbm>>
      tpu.wait_dma2 semaphore(%arg19 : memref<!tpu.dma_semaphore, #tpu.memory_space<semaphore_mem>>) src(%dma_wait3A_765 : memref<80xi32, #tpu.memory_space<hbm>>) dst(%dma_wait3A_762 : memref<80xi32, #tpu.memory_space<vmem>>)
      %dma_wait3A_766 = arith.constant 0 : i32
      %dma_wait3A_767 = arith.constant 6 : i32
      %dma_wait3A_768 = arith.constant 0 : i32
      %dma_wait3A_769 = tpu.memref_slice %arg8[%dma_wait3A_767, %dma_wait3A_768] : memref<8x80xi32, #tpu.memory_space<vmem>> -> memref<1x80xi32, #tpu.memory_space<vmem>>
      %dma_wait3A_770 = tpu.memref_squeeze %dma_wait3A_769 : memref<1x80xi32, #tpu.memory_space<vmem>> -> memref<80xi32, #tpu.memory_space<vmem>>
      %dma_wait3A_771 = arith.constant 0 : i32
      %dma_wait3A_772 = tpu.memref_slice %arg3[%add3A, %dma_wait3A_766, %dma_wait3A_771] : memref<32x125x80xi32, #tpu.memory_space<hbm>> -> memref<1x1x80xi32, #tpu.memory_space<hbm>>
      %dma_wait3A_773 = tpu.memref_squeeze %dma_wait3A_772 : memref<1x1x80xi32, #tpu.memory_space<hbm>> -> memref<80xi32, #tpu.memory_space<hbm>>
      %dma_wait3A_774 = arith.constant 0 : i32
      %dma_wait3A_775 = tpu.memref_slice %arg8[%dma_wait3A_767, %dma_wait3A_774] : memref<8x80xi32, #tpu.memory_space<vmem>> -> memref<1x80xi32, #tpu.memory_space<vmem>>
      %dma_wait3A_776 = tpu.memref_squeeze %dma_wait3A_775 : memref<1x80xi32, #tpu.memory_space<vmem>> -> memref<80xi32, #tpu.memory_space<vmem>>
      %dma_wait3A_777 = arith.constant 0 : i32
      %dma_wait3A_778 = tpu.memref_slice %arg3[%add3A, %dma_wait3A_766, %dma_wait3A_777] : memref<32x125x80xi32, #tpu.memory_space<hbm>> -> memref<1x1x80xi32, #tpu.memory_space<hbm>>
      %dma_wait3A_779 = tpu.memref_squeeze %dma_wait3A_778 : memref<1x1x80xi32, #tpu.memory_space<hbm>> -> memref<80xi32, #tpu.memory_space<hbm>>
      tpu.wait_dma2 semaphore(%arg19 : memref<!tpu.dma_semaphore, #tpu.memory_space<semaphore_mem>>) src(%dma_wait3A_779 : memref<80xi32, #tpu.memory_space<hbm>>) dst(%dma_wait3A_776 : memref<80xi32, #tpu.memory_space<vmem>>)
      %dma_start3A_780 = arith.constant 6 : i32
      %dma_start3A_781 = arith.constant 0 : i32
      %dma_start3A_782 = tpu.memref_slice %arg7[%dma_start3A_780, %dma_start3A_781] : memref<8x80xi32, #tpu.memory_space<vmem>> -> memref<1x80xi32, #tpu.memory_space<vmem>>
      %dma_start3A_783 = tpu.memref_squeeze %dma_start3A_782 : memref<1x80xi32, #tpu.memory_space<vmem>> -> memref<80xi32, #tpu.memory_space<vmem>>
      %dma_start3A_784 = arith.constant 0 : i32
      %dma_start3A_785 = arith.constant 0 : i32
      %dma_start3A_786 = tpu.memref_slice %arg4[%dma_start3A_784, %dma_start3A_785] : memref<10240x128xf32, #tpu.memory_space<hbm>> -> memref<10240x128xf32, #tpu.memory_space<hbm>>
      tpu.enqueue_indirect_dma source(%dma_start3A_786 : memref<10240x128xf32, #tpu.memory_space<hbm>>) target(%arg11 : memref<80x128xf32, #tpu.memory_space<vmem>>) offsets(%dma_start3A_783 : memref<80xi32, #tpu.memory_space<vmem>>) semaphore(%arg23 : memref<!tpu.dma_semaphore, #tpu.memory_space<semaphore_mem>>)
      %mul3A_787 = arith.constant 8 : i32
      %mul3A_788 = arith.muli %scan3A_523, %mul3A_787 : i32
      %add3A_789 = arith.constant 3 : i32
      %add3A_790 = arith.addi %mul3A_788, %add3A_789 : i32
      %add3A_791 = arith.constant 6 : i32
      %add3A_792 = arith.addi %add3A_790, %add3A_791 : i32
      %dma_start3A_793 = arith.constant 1 : i32
      %dma_start3A_794 = arith.constant 0 : i32
      %dma_start3A_795 = tpu.memref_slice %arg7[%dma_start3A_793, %dma_start3A_794] : memref<8x80xi32, #tpu.memory_space<vmem>> -> memref<1x80xi32, #tpu.memory_space<vmem>>
      %dma_start3A_796 = tpu.memref_squeeze %dma_start3A_795 : memref<1x80xi32, #tpu.memory_space<vmem>> -> memref<80xi32, #tpu.memory_space<vmem>>
      %dma_start3A_797 = arith.constant 0 : i32
      %dma_start3A_798 = tpu.memref_slice %arg2[%add3A, %add3A_792, %dma_start3A_797] : memref<32x125x80xi32, #tpu.memory_space<hbm>> -> memref<1x1x80xi32, #tpu.memory_space<hbm>>
      %dma_start3A_799 = tpu.memref_squeeze %dma_start3A_798 : memref<1x1x80xi32, #tpu.memory_space<hbm>> -> memref<80xi32, #tpu.memory_space<hbm>>
      %dma_start3A_800 = arith.constant 0 : i32
      %dma_start3A_801 = tpu.memref_slice %arg7[%dma_start3A_793, %dma_start3A_800] : memref<8x80xi32, #tpu.memory_space<vmem>> -> memref<1x80xi32, #tpu.memory_space<vmem>>
      %dma_start3A_802 = tpu.memref_squeeze %dma_start3A_801 : memref<1x80xi32, #tpu.memory_space<vmem>> -> memref<80xi32, #tpu.memory_space<vmem>>
      %dma_start3A_803 = arith.constant 0 : i32
      %dma_start3A_804 = tpu.memref_slice %arg2[%add3A, %add3A_792, %dma_start3A_803] : memref<32x125x80xi32, #tpu.memory_space<hbm>> -> memref<1x1x80xi32, #tpu.memory_space<hbm>>
      %dma_start3A_805 = tpu.memref_squeeze %dma_start3A_804 : memref<1x1x80xi32, #tpu.memory_space<hbm>> -> memref<80xi32, #tpu.memory_space<hbm>>
      tpu.enqueue_dma source(%dma_start3A_805 : memref<80xi32, #tpu.memory_space<hbm>>) target(%dma_start3A_802 : memref<80xi32, #tpu.memory_space<vmem>>) target_semaphore(%arg14 : memref<!tpu.dma_semaphore, #tpu.memory_space<semaphore_mem>>)
      %dma_start3A_806 = arith.constant 1 : i32
      %dma_start3A_807 = arith.constant 0 : i32
      %dma_start3A_808 = tpu.memref_slice %arg8[%dma_start3A_806, %dma_start3A_807] : memref<8x80xi32, #tpu.memory_space<vmem>> -> memref<1x80xi32, #tpu.memory_space<vmem>>
      %dma_start3A_809 = tpu.memref_squeeze %dma_start3A_808 : memref<1x80xi32, #tpu.memory_space<vmem>> -> memref<80xi32, #tpu.memory_space<vmem>>
      %dma_start3A_810 = arith.constant 0 : i32
      %dma_start3A_811 = tpu.memref_slice %arg3[%add3A, %add3A_792, %dma_start3A_810] : memref<32x125x80xi32, #tpu.memory_space<hbm>> -> memref<1x1x80xi32, #tpu.memory_space<hbm>>
      %dma_start3A_812 = tpu.memref_squeeze %dma_start3A_811 : memref<1x1x80xi32, #tpu.memory_space<hbm>> -> memref<80xi32, #tpu.memory_space<hbm>>
      %dma_start3A_813 = arith.constant 0 : i32
      %dma_start3A_814 = tpu.memref_slice %arg8[%dma_start3A_806, %dma_start3A_813] : memref<8x80xi32, #tpu.memory_space<vmem>> -> memref<1x80xi32, #tpu.memory_space<vmem>>
      %dma_start3A_815 = tpu.memref_squeeze %dma_start3A_814 : memref<1x80xi32, #tpu.memory_space<vmem>> -> memref<80xi32, #tpu.memory_space<vmem>>
      %dma_start3A_816 = arith.constant 0 : i32
      %dma_start3A_817 = tpu.memref_slice %arg3[%add3A, %add3A_792, %dma_start3A_816] : memref<32x125x80xi32, #tpu.memory_space<hbm>> -> memref<1x1x80xi32, #tpu.memory_space<hbm>>
      %dma_start3A_818 = tpu.memref_squeeze %dma_start3A_817 : memref<1x1x80xi32, #tpu.memory_space<hbm>> -> memref<80xi32, #tpu.memory_space<hbm>>
      tpu.enqueue_dma source(%dma_start3A_818 : memref<80xi32, #tpu.memory_space<hbm>>) target(%dma_start3A_815 : memref<80xi32, #tpu.memory_space<vmem>>) target_semaphore(%arg14 : memref<!tpu.dma_semaphore, #tpu.memory_space<semaphore_mem>>)
      %dma_wait3A_819 = arith.constant 0 : i32
      %dma_wait3A_820 = arith.constant 0 : i32
      %dma_wait3A_821 = tpu.memref_slice %arg7[%dma_wait3A_819, %dma_wait3A_820] : memref<8x80xi32, #tpu.memory_space<vmem>> -> memref<1x80xi32, #tpu.memory_space<vmem>>
      %dma_wait3A_822 = tpu.memref_squeeze %dma_wait3A_821 : memref<1x80xi32, #tpu.memory_space<vmem>> -> memref<80xi32, #tpu.memory_space<vmem>>
      %dma_wait3A_823 = arith.constant 0 : i32
      %dma_wait3A_824 = arith.constant 0 : i32
      %dma_wait3A_825 = tpu.memref_slice %arg4[%dma_wait3A_823, %dma_wait3A_824] : memref<10240x128xf32, #tpu.memory_space<hbm>> -> memref<10240x128xf32, #tpu.memory_space<hbm>>
      tpu.wait_indirect_dma semaphore(%arg21 : memref<!tpu.dma_semaphore, #tpu.memory_space<semaphore_mem>>) src(%dma_wait3A_825 : memref<10240x128xf32, #tpu.memory_space<hbm>>) dst(%arg9 : memref<80x128xf32, #tpu.memory_space<vmem>>)
      %dma_start3A_826 = arith.constant 4 : i32
      %dma_start3A_827 = arith.constant 0 : i32
      %dma_start3A_828 = tpu.memref_slice %arg8[%dma_start3A_826, %dma_start3A_827] : memref<8x80xi32, #tpu.memory_space<vmem>> -> memref<1x80xi32, #tpu.memory_space<vmem>>
      %dma_start3A_829 = tpu.memref_squeeze %dma_start3A_828 : memref<1x80xi32, #tpu.memory_space<vmem>> -> memref<80xi32, #tpu.memory_space<vmem>>
      %dma_start3A_830 = arith.constant 0 : i32
      %dma_start3A_831 = arith.constant 0 : i32
      %dma_start3A_832 = tpu.memref_slice %arg29[%dma_start3A_830, %dma_start3A_831] : memref<10240x128xf32, #tpu.memory_space<vmem_shared>> -> memref<10240x128xf32, #tpu.memory_space<vmem_shared>>
      tpu.enqueue_indirect_dma source(%arg9 : memref<80x128xf32, #tpu.memory_space<vmem>>) target(%dma_start3A_832 : memref<10240x128xf32, #tpu.memory_space<vmem_shared>>) offsets(%dma_start3A_829 : memref<80xi32, #tpu.memory_space<vmem>>) semaphore(%arg25 : memref<!tpu.dma_semaphore, #tpu.memory_space<semaphore_mem>>) {add = true}
      %dma_wait3A_833 = arith.constant 0 : i32
      %dma_wait3A_834 = arith.constant 0 : i32
      %dma_wait3A_835 = tpu.memref_slice %arg8[%dma_wait3A_833, %dma_wait3A_834] : memref<8x80xi32, #tpu.memory_space<vmem>> -> memref<1x80xi32, #tpu.memory_space<vmem>>
      %dma_wait3A_836 = tpu.memref_squeeze %dma_wait3A_835 : memref<1x80xi32, #tpu.memory_space<vmem>> -> memref<80xi32, #tpu.memory_space<vmem>>
      %dma_wait3A_837 = arith.constant 0 : i32
      %dma_wait3A_838 = arith.constant 0 : i32
      %dma_wait3A_839 = tpu.memref_slice %arg29[%dma_wait3A_837, %dma_wait3A_838] : memref<10240x128xf32, #tpu.memory_space<vmem_shared>> -> memref<10240x128xf32, #tpu.memory_space<vmem_shared>>
      tpu.wait_indirect_dma semaphore(%arg28 : memref<!tpu.dma_semaphore, #tpu.memory_space<semaphore_mem>>) src(%arg12 : memref<80x128xf32, #tpu.memory_space<vmem>>) dst(%dma_wait3A_839 : memref<10240x128xf32, #tpu.memory_space<vmem_shared>>)
      %dma_wait3A_840 = arith.constant 0 : i32
      %dma_wait3A_841 = arith.constant 7 : i32
      %dma_wait3A_842 = arith.constant 0 : i32
      %dma_wait3A_843 = tpu.memref_slice %arg7[%dma_wait3A_841, %dma_wait3A_842] : memref<8x80xi32, #tpu.memory_space<vmem>> -> memref<1x80xi32, #tpu.memory_space<vmem>>
      %dma_wait3A_844 = tpu.memref_squeeze %dma_wait3A_843 : memref<1x80xi32, #tpu.memory_space<vmem>> -> memref<80xi32, #tpu.memory_space<vmem>>
      %dma_wait3A_845 = arith.constant 0 : i32
      %dma_wait3A_846 = tpu.memref_slice %arg2[%add3A, %dma_wait3A_840, %dma_wait3A_845] : memref<32x125x80xi32, #tpu.memory_space<hbm>> -> memref<1x1x80xi32, #tpu.memory_space<hbm>>
      %dma_wait3A_847 = tpu.memref_squeeze %dma_wait3A_846 : memref<1x1x80xi32, #tpu.memory_space<hbm>> -> memref<80xi32, #tpu.memory_space<hbm>>
      %dma_wait3A_848 = arith.constant 0 : i32
      %dma_wait3A_849 = tpu.memref_slice %arg7[%dma_wait3A_841, %dma_wait3A_848] : memref<8x80xi32, #tpu.memory_space<vmem>> -> memref<1x80xi32, #tpu.memory_space<vmem>>
      %dma_wait3A_850 = tpu.memref_squeeze %dma_wait3A_849 : memref<1x80xi32, #tpu.memory_space<vmem>> -> memref<80xi32, #tpu.memory_space<vmem>>
      %dma_wait3A_851 = arith.constant 0 : i32
      %dma_wait3A_852 = tpu.memref_slice %arg2[%add3A, %dma_wait3A_840, %dma_wait3A_851] : memref<32x125x80xi32, #tpu.memory_space<hbm>> -> memref<1x1x80xi32, #tpu.memory_space<hbm>>
      %dma_wait3A_853 = tpu.memref_squeeze %dma_wait3A_852 : memref<1x1x80xi32, #tpu.memory_space<hbm>> -> memref<80xi32, #tpu.memory_space<hbm>>
      tpu.wait_dma2 semaphore(%arg20 : memref<!tpu.dma_semaphore, #tpu.memory_space<semaphore_mem>>) src(%dma_wait3A_853 : memref<80xi32, #tpu.memory_space<hbm>>) dst(%dma_wait3A_850 : memref<80xi32, #tpu.memory_space<vmem>>)
      %dma_wait3A_854 = arith.constant 0 : i32
      %dma_wait3A_855 = arith.constant 7 : i32
      %dma_wait3A_856 = arith.constant 0 : i32
      %dma_wait3A_857 = tpu.memref_slice %arg8[%dma_wait3A_855, %dma_wait3A_856] : memref<8x80xi32, #tpu.memory_space<vmem>> -> memref<1x80xi32, #tpu.memory_space<vmem>>
      %dma_wait3A_858 = tpu.memref_squeeze %dma_wait3A_857 : memref<1x80xi32, #tpu.memory_space<vmem>> -> memref<80xi32, #tpu.memory_space<vmem>>
      %dma_wait3A_859 = arith.constant 0 : i32
      %dma_wait3A_860 = tpu.memref_slice %arg3[%add3A, %dma_wait3A_854, %dma_wait3A_859] : memref<32x125x80xi32, #tpu.memory_space<hbm>> -> memref<1x1x80xi32, #tpu.memory_space<hbm>>
      %dma_wait3A_861 = tpu.memref_squeeze %dma_wait3A_860 : memref<1x1x80xi32, #tpu.memory_space<hbm>> -> memref<80xi32, #tpu.memory_space<hbm>>
      %dma_wait3A_862 = arith.constant 0 : i32
      %dma_wait3A_863 = tpu.memref_slice %arg8[%dma_wait3A_855, %dma_wait3A_862] : memref<8x80xi32, #tpu.memory_space<vmem>> -> memref<1x80xi32, #tpu.memory_space<vmem>>
      %dma_wait3A_864 = tpu.memref_squeeze %dma_wait3A_863 : memref<1x80xi32, #tpu.memory_space<vmem>> -> memref<80xi32, #tpu.memory_space<vmem>>
      %dma_wait3A_865 = arith.constant 0 : i32
      %dma_wait3A_866 = tpu.memref_slice %arg3[%add3A, %dma_wait3A_854, %dma_wait3A_865] : memref<32x125x80xi32, #tpu.memory_space<hbm>> -> memref<1x1x80xi32, #tpu.memory_space<hbm>>
      %dma_wait3A_867 = tpu.memref_squeeze %dma_wait3A_866 : memref<1x1x80xi32, #tpu.memory_space<hbm>> -> memref<80xi32, #tpu.memory_space<hbm>>
      tpu.wait_dma2 semaphore(%arg20 : memref<!tpu.dma_semaphore, #tpu.memory_space<semaphore_mem>>) src(%dma_wait3A_867 : memref<80xi32, #tpu.memory_space<hbm>>) dst(%dma_wait3A_864 : memref<80xi32, #tpu.memory_space<vmem>>)
      %dma_start3A_868 = arith.constant 7 : i32
      %dma_start3A_869 = arith.constant 0 : i32
      %dma_start3A_870 = tpu.memref_slice %arg7[%dma_start3A_868, %dma_start3A_869] : memref<8x80xi32, #tpu.memory_space<vmem>> -> memref<1x80xi32, #tpu.memory_space<vmem>>
      %dma_start3A_871 = tpu.memref_squeeze %dma_start3A_870 : memref<1x80xi32, #tpu.memory_space<vmem>> -> memref<80xi32, #tpu.memory_space<vmem>>
      %dma_start3A_872 = arith.constant 0 : i32
      %dma_start3A_873 = arith.constant 0 : i32
      %dma_start3A_874 = tpu.memref_slice %arg4[%dma_start3A_872, %dma_start3A_873] : memref<10240x128xf32, #tpu.memory_space<hbm>> -> memref<10240x128xf32, #tpu.memory_space<hbm>>
      tpu.enqueue_indirect_dma source(%dma_start3A_874 : memref<10240x128xf32, #tpu.memory_space<hbm>>) target(%arg12 : memref<80x128xf32, #tpu.memory_space<vmem>>) offsets(%dma_start3A_871 : memref<80xi32, #tpu.memory_space<vmem>>) semaphore(%arg24 : memref<!tpu.dma_semaphore, #tpu.memory_space<semaphore_mem>>)
      %mul3A_875 = arith.constant 8 : i32
      %mul3A_876 = arith.muli %scan3A_523, %mul3A_875 : i32
      %add3A_877 = arith.constant 4 : i32
      %add3A_878 = arith.addi %mul3A_876, %add3A_877 : i32
      %add3A_879 = arith.constant 6 : i32
      %add3A_880 = arith.addi %add3A_878, %add3A_879 : i32
      %dma_start3A_881 = arith.constant 2 : i32
      %dma_start3A_882 = arith.constant 0 : i32
      %dma_start3A_883 = tpu.memref_slice %arg7[%dma_start3A_881, %dma_start3A_882] : memref<8x80xi32, #tpu.memory_space<vmem>> -> memref<1x80xi32, #tpu.memory_space<vmem>>
      %dma_start3A_884 = tpu.memref_squeeze %dma_start3A_883 : memref<1x80xi32, #tpu.memory_space<vmem>> -> memref<80xi32, #tpu.memory_space<vmem>>
      %dma_start3A_885 = arith.constant 0 : i32
      %dma_start3A_886 = tpu.memref_slice %arg2[%add3A, %add3A_880, %dma_start3A_885] : memref<32x125x80xi32, #tpu.memory_space<hbm>> -> memref<1x1x80xi32, #tpu.memory_space<hbm>>
      %dma_start3A_887 = tpu.memref_squeeze %dma_start3A_886 : memref<1x1x80xi32, #tpu.memory_space<hbm>> -> memref<80xi32, #tpu.memory_space<hbm>>
      %dma_start3A_888 = arith.constant 0 : i32
      %dma_start3A_889 = tpu.memref_slice %arg7[%dma_start3A_881, %dma_start3A_888] : memref<8x80xi32, #tpu.memory_space<vmem>> -> memref<1x80xi32, #tpu.memory_space<vmem>>
      %dma_start3A_890 = tpu.memref_squeeze %dma_start3A_889 : memref<1x80xi32, #tpu.memory_space<vmem>> -> memref<80xi32, #tpu.memory_space<vmem>>
      %dma_start3A_891 = arith.constant 0 : i32
      %dma_start3A_892 = tpu.memref_slice %arg2[%add3A, %add3A_880, %dma_start3A_891] : memref<32x125x80xi32, #tpu.memory_space<hbm>> -> memref<1x1x80xi32, #tpu.memory_space<hbm>>
      %dma_start3A_893 = tpu.memref_squeeze %dma_start3A_892 : memref<1x1x80xi32, #tpu.memory_space<hbm>> -> memref<80xi32, #tpu.memory_space<hbm>>
      tpu.enqueue_dma source(%dma_start3A_893 : memref<80xi32, #tpu.memory_space<hbm>>) target(%dma_start3A_890 : memref<80xi32, #tpu.memory_space<vmem>>) target_semaphore(%arg15 : memref<!tpu.dma_semaphore, #tpu.memory_space<semaphore_mem>>)
      %dma_start3A_894 = arith.constant 2 : i32
      %dma_start3A_895 = arith.constant 0 : i32
      %dma_start3A_896 = tpu.memref_slice %arg8[%dma_start3A_894, %dma_start3A_895] : memref<8x80xi32, #tpu.memory_space<vmem>> -> memref<1x80xi32, #tpu.memory_space<vmem>>
      %dma_start3A_897 = tpu.memref_squeeze %dma_start3A_896 : memref<1x80xi32, #tpu.memory_space<vmem>> -> memref<80xi32, #tpu.memory_space<vmem>>
      %dma_start3A_898 = arith.constant 0 : i32
      %dma_start3A_899 = tpu.memref_slice %arg3[%add3A, %add3A_880, %dma_start3A_898] : memref<32x125x80xi32, #tpu.memory_space<hbm>> -> memref<1x1x80xi32, #tpu.memory_space<hbm>>
      %dma_start3A_900 = tpu.memref_squeeze %dma_start3A_899 : memref<1x1x80xi32, #tpu.memory_space<hbm>> -> memref<80xi32, #tpu.memory_space<hbm>>
      %dma_start3A_901 = arith.constant 0 : i32
      %dma_start3A_902 = tpu.memref_slice %arg8[%dma_start3A_894, %dma_start3A_901] : memref<8x80xi32, #tpu.memory_space<vmem>> -> memref<1x80xi32, #tpu.memory_space<vmem>>
      %dma_start3A_903 = tpu.memref_squeeze %dma_start3A_902 : memref<1x80xi32, #tpu.memory_space<vmem>> -> memref<80xi32, #tpu.memory_space<vmem>>
      %dma_start3A_904 = arith.constant 0 : i32
      %dma_start3A_905 = tpu.memref_slice %arg3[%add3A, %add3A_880, %dma_start3A_904] : memref<32x125x80xi32, #tpu.memory_space<hbm>> -> memref<1x1x80xi32, #tpu.memory_space<hbm>>
      %dma_start3A_906 = tpu.memref_squeeze %dma_start3A_905 : memref<1x1x80xi32, #tpu.memory_space<hbm>> -> memref<80xi32, #tpu.memory_space<hbm>>
      tpu.enqueue_dma source(%dma_start3A_906 : memref<80xi32, #tpu.memory_space<hbm>>) target(%dma_start3A_903 : memref<80xi32, #tpu.memory_space<vmem>>) target_semaphore(%arg15 : memref<!tpu.dma_semaphore, #tpu.memory_space<semaphore_mem>>)
      %dma_wait3A_907 = arith.constant 0 : i32
      %dma_wait3A_908 = arith.constant 0 : i32
      %dma_wait3A_909 = tpu.memref_slice %arg7[%dma_wait3A_907, %dma_wait3A_908] : memref<8x80xi32, #tpu.memory_space<vmem>> -> memref<1x80xi32, #tpu.memory_space<vmem>>
      %dma_wait3A_910 = tpu.memref_squeeze %dma_wait3A_909 : memref<1x80xi32, #tpu.memory_space<vmem>> -> memref<80xi32, #tpu.memory_space<vmem>>
      %dma_wait3A_911 = arith.constant 0 : i32
      %dma_wait3A_912 = arith.constant 0 : i32
      %dma_wait3A_913 = tpu.memref_slice %arg4[%dma_wait3A_911, %dma_wait3A_912] : memref<10240x128xf32, #tpu.memory_space<hbm>> -> memref<10240x128xf32, #tpu.memory_space<hbm>>
      tpu.wait_indirect_dma semaphore(%arg22 : memref<!tpu.dma_semaphore, #tpu.memory_space<semaphore_mem>>) src(%dma_wait3A_913 : memref<10240x128xf32, #tpu.memory_space<hbm>>) dst(%arg10 : memref<80x128xf32, #tpu.memory_space<vmem>>)
      %dma_start3A_914 = arith.constant 5 : i32
      %dma_start3A_915 = arith.constant 0 : i32
      %dma_start3A_916 = tpu.memref_slice %arg8[%dma_start3A_914, %dma_start3A_915] : memref<8x80xi32, #tpu.memory_space<vmem>> -> memref<1x80xi32, #tpu.memory_space<vmem>>
      %dma_start3A_917 = tpu.memref_squeeze %dma_start3A_916 : memref<1x80xi32, #tpu.memory_space<vmem>> -> memref<80xi32, #tpu.memory_space<vmem>>
      %dma_start3A_918 = arith.constant 0 : i32
      %dma_start3A_919 = arith.constant 0 : i32
      %dma_start3A_920 = tpu.memref_slice %arg29[%dma_start3A_918, %dma_start3A_919] : memref<10240x128xf32, #tpu.memory_space<vmem_shared>> -> memref<10240x128xf32, #tpu.memory_space<vmem_shared>>
      tpu.enqueue_indirect_dma source(%arg10 : memref<80x128xf32, #tpu.memory_space<vmem>>) target(%dma_start3A_920 : memref<10240x128xf32, #tpu.memory_space<vmem_shared>>) offsets(%dma_start3A_917 : memref<80xi32, #tpu.memory_space<vmem>>) semaphore(%arg26 : memref<!tpu.dma_semaphore, #tpu.memory_space<semaphore_mem>>) {add = true}
      %dma_wait3A_921 = arith.constant 0 : i32
      %dma_wait3A_922 = arith.constant 0 : i32
      %dma_wait3A_923 = tpu.memref_slice %arg8[%dma_wait3A_921, %dma_wait3A_922] : memref<8x80xi32, #tpu.memory_space<vmem>> -> memref<1x80xi32, #tpu.memory_space<vmem>>
      %dma_wait3A_924 = tpu.memref_squeeze %dma_wait3A_923 : memref<1x80xi32, #tpu.memory_space<vmem>> -> memref<80xi32, #tpu.memory_space<vmem>>
      %dma_wait3A_925 = arith.constant 0 : i32
      %dma_wait3A_926 = arith.constant 0 : i32
      %dma_wait3A_927 = tpu.memref_slice %arg29[%dma_wait3A_925, %dma_wait3A_926] : memref<10240x128xf32, #tpu.memory_space<vmem_shared>> -> memref<10240x128xf32, #tpu.memory_space<vmem_shared>>
      tpu.wait_indirect_dma semaphore(%arg25 : memref<!tpu.dma_semaphore, #tpu.memory_space<semaphore_mem>>) src(%arg9 : memref<80x128xf32, #tpu.memory_space<vmem>>) dst(%dma_wait3A_927 : memref<10240x128xf32, #tpu.memory_space<vmem_shared>>)
      %dma_wait3A_928 = arith.constant 0 : i32
      %dma_wait3A_929 = arith.constant 0 : i32
      %dma_wait3A_930 = arith.constant 0 : i32
      %dma_wait3A_931 = tpu.memref_slice %arg7[%dma_wait3A_929, %dma_wait3A_930] : memref<8x80xi32, #tpu.memory_space<vmem>> -> memref<1x80xi32, #tpu.memory_space<vmem>>
      %dma_wait3A_932 = tpu.memref_squeeze %dma_wait3A_931 : memref<1x80xi32, #tpu.memory_space<vmem>> -> memref<80xi32, #tpu.memory_space<vmem>>
      %dma_wait3A_933 = arith.constant 0 : i32
      %dma_wait3A_934 = tpu.memref_slice %arg2[%add3A, %dma_wait3A_928, %dma_wait3A_933] : memref<32x125x80xi32, #tpu.memory_space<hbm>> -> memref<1x1x80xi32, #tpu.memory_space<hbm>>
      %dma_wait3A_935 = tpu.memref_squeeze %dma_wait3A_934 : memref<1x1x80xi32, #tpu.memory_space<hbm>> -> memref<80xi32, #tpu.memory_space<hbm>>
      %dma_wait3A_936 = arith.constant 0 : i32
      %dma_wait3A_937 = tpu.memref_slice %arg7[%dma_wait3A_929, %dma_wait3A_936] : memref<8x80xi32, #tpu.memory_space<vmem>> -> memref<1x80xi32, #tpu.memory_space<vmem>>
      %dma_wait3A_938 = tpu.memref_squeeze %dma_wait3A_937 : memref<1x80xi32, #tpu.memory_space<vmem>> -> memref<80xi32, #tpu.memory_space<vmem>>
      %dma_wait3A_939 = arith.constant 0 : i32
      %dma_wait3A_940 = tpu.memref_slice %arg2[%add3A, %dma_wait3A_928, %dma_wait3A_939] : memref<32x125x80xi32, #tpu.memory_space<hbm>> -> memref<1x1x80xi32, #tpu.memory_space<hbm>>
      %dma_wait3A_941 = tpu.memref_squeeze %dma_wait3A_940 : memref<1x1x80xi32, #tpu.memory_space<hbm>> -> memref<80xi32, #tpu.memory_space<hbm>>
      tpu.wait_dma2 semaphore(%arg13 : memref<!tpu.dma_semaphore, #tpu.memory_space<semaphore_mem>>) src(%dma_wait3A_941 : memref<80xi32, #tpu.memory_space<hbm>>) dst(%dma_wait3A_938 : memref<80xi32, #tpu.memory_space<vmem>>)
      %dma_wait3A_942 = arith.constant 0 : i32
      %dma_wait3A_943 = arith.constant 0 : i32
      %dma_wait3A_944 = arith.constant 0 : i32
      %dma_wait3A_945 = tpu.memref_slice %arg8[%dma_wait3A_943, %dma_wait3A_944] : memref<8x80xi32, #tpu.memory_space<vmem>> -> memref<1x80xi32, #tpu.memory_space<vmem>>
      %dma_wait3A_946 = tpu.memref_squeeze %dma_wait3A_945 : memref<1x80xi32, #tpu.memory_space<vmem>> -> memref<80xi32, #tpu.memory_space<vmem>>
      %dma_wait3A_947 = arith.constant 0 : i32
      %dma_wait3A_948 = tpu.memref_slice %arg3[%add3A, %dma_wait3A_942, %dma_wait3A_947] : memref<32x125x80xi32, #tpu.memory_space<hbm>> -> memref<1x1x80xi32, #tpu.memory_space<hbm>>
      %dma_wait3A_949 = tpu.memref_squeeze %dma_wait3A_948 : memref<1x1x80xi32, #tpu.memory_space<hbm>> -> memref<80xi32, #tpu.memory_space<hbm>>
      %dma_wait3A_950 = arith.constant 0 : i32
      %dma_wait3A_951 = tpu.memref_slice %arg8[%dma_wait3A_943, %dma_wait3A_950] : memref<8x80xi32, #tpu.memory_space<vmem>> -> memref<1x80xi32, #tpu.memory_space<vmem>>
      %dma_wait3A_952 = tpu.memref_squeeze %dma_wait3A_951 : memref<1x80xi32, #tpu.memory_space<vmem>> -> memref<80xi32, #tpu.memory_space<vmem>>
      %dma_wait3A_953 = arith.constant 0 : i32
      %dma_wait3A_954 = tpu.memref_slice %arg3[%add3A, %dma_wait3A_942, %dma_wait3A_953] : memref<32x125x80xi32, #tpu.memory_space<hbm>> -> memref<1x1x80xi32, #tpu.memory_space<hbm>>
      %dma_wait3A_955 = tpu.memref_squeeze %dma_wait3A_954 : memref<1x1x80xi32, #tpu.memory_space<hbm>> -> memref<80xi32, #tpu.memory_space<hbm>>
      tpu.wait_dma2 semaphore(%arg13 : memref<!tpu.dma_semaphore, #tpu.memory_space<semaphore_mem>>) src(%dma_wait3A_955 : memref<80xi32, #tpu.memory_space<hbm>>) dst(%dma_wait3A_952 : memref<80xi32, #tpu.memory_space<vmem>>)
      %dma_start3A_956 = arith.constant 0 : i32
      %dma_start3A_957 = arith.constant 0 : i32
      %dma_start3A_958 = tpu.memref_slice %arg7[%dma_start3A_956, %dma_start3A_957] : memref<8x80xi32, #tpu.memory_space<vmem>> -> memref<1x80xi32, #tpu.memory_space<vmem>>
      %dma_start3A_959 = tpu.memref_squeeze %dma_start3A_958 : memref<1x80xi32, #tpu.memory_space<vmem>> -> memref<80xi32, #tpu.memory_space<vmem>>
      %dma_start3A_960 = arith.constant 0 : i32
      %dma_start3A_961 = arith.constant 0 : i32
      %dma_start3A_962 = tpu.memref_slice %arg4[%dma_start3A_960, %dma_start3A_961] : memref<10240x128xf32, #tpu.memory_space<hbm>> -> memref<10240x128xf32, #tpu.memory_space<hbm>>
      tpu.enqueue_indirect_dma source(%dma_start3A_962 : memref<10240x128xf32, #tpu.memory_space<hbm>>) target(%arg9 : memref<80x128xf32, #tpu.memory_space<vmem>>) offsets(%dma_start3A_959 : memref<80xi32, #tpu.memory_space<vmem>>) semaphore(%arg21 : memref<!tpu.dma_semaphore, #tpu.memory_space<semaphore_mem>>)
      %mul3A_963 = arith.constant 8 : i32
      %mul3A_964 = arith.muli %scan3A_523, %mul3A_963 : i32
      %add3A_965 = arith.constant 5 : i32
      %add3A_966 = arith.addi %mul3A_964, %add3A_965 : i32
      %add3A_967 = arith.constant 6 : i32
      %add3A_968 = arith.addi %add3A_966, %add3A_967 : i32
      %dma_start3A_969 = arith.constant 3 : i32
      %dma_start3A_970 = arith.constant 0 : i32
      %dma_start3A_971 = tpu.memref_slice %arg7[%dma_start3A_969, %dma_start3A_970] : memref<8x80xi32, #tpu.memory_space<vmem>> -> memref<1x80xi32, #tpu.memory_space<vmem>>
      %dma_start3A_972 = tpu.memref_squeeze %dma_start3A_971 : memref<1x80xi32, #tpu.memory_space<vmem>> -> memref<80xi32, #tpu.memory_space<vmem>>
      %dma_start3A_973 = arith.constant 0 : i32
      %dma_start3A_974 = tpu.memref_slice %arg2[%add3A, %add3A_968, %dma_start3A_973] : memref<32x125x80xi32, #tpu.memory_space<hbm>> -> memref<1x1x80xi32, #tpu.memory_space<hbm>>
      %dma_start3A_975 = tpu.memref_squeeze %dma_start3A_974 : memref<1x1x80xi32, #tpu.memory_space<hbm>> -> memref<80xi32, #tpu.memory_space<hbm>>
      %dma_start3A_976 = arith.constant 0 : i32
      %dma_start3A_977 = tpu.memref_slice %arg7[%dma_start3A_969, %dma_start3A_976] : memref<8x80xi32, #tpu.memory_space<vmem>> -> memref<1x80xi32, #tpu.memory_space<vmem>>
      %dma_start3A_978 = tpu.memref_squeeze %dma_start3A_977 : memref<1x80xi32, #tpu.memory_space<vmem>> -> memref<80xi32, #tpu.memory_space<vmem>>
      %dma_start3A_979 = arith.constant 0 : i32
      %dma_start3A_980 = tpu.memref_slice %arg2[%add3A, %add3A_968, %dma_start3A_979] : memref<32x125x80xi32, #tpu.memory_space<hbm>> -> memref<1x1x80xi32, #tpu.memory_space<hbm>>
      %dma_start3A_981 = tpu.memref_squeeze %dma_start3A_980 : memref<1x1x80xi32, #tpu.memory_space<hbm>> -> memref<80xi32, #tpu.memory_space<hbm>>
      tpu.enqueue_dma source(%dma_start3A_981 : memref<80xi32, #tpu.memory_space<hbm>>) target(%dma_start3A_978 : memref<80xi32, #tpu.memory_space<vmem>>) target_semaphore(%arg16 : memref<!tpu.dma_semaphore, #tpu.memory_space<semaphore_mem>>)
      %dma_start3A_982 = arith.constant 3 : i32
      %dma_start3A_983 = arith.constant 0 : i32
      %dma_start3A_984 = tpu.memref_slice %arg8[%dma_start3A_982, %dma_start3A_983] : memref<8x80xi32, #tpu.memory_space<vmem>> -> memref<1x80xi32, #tpu.memory_space<vmem>>
      %dma_start3A_985 = tpu.memref_squeeze %dma_start3A_984 : memref<1x80xi32, #tpu.memory_space<vmem>> -> memref<80xi32, #tpu.memory_space<vmem>>
      %dma_start3A_986 = arith.constant 0 : i32
      %dma_start3A_987 = tpu.memref_slice %arg3[%add3A, %add3A_968, %dma_start3A_986] : memref<32x125x80xi32, #tpu.memory_space<hbm>> -> memref<1x1x80xi32, #tpu.memory_space<hbm>>
      %dma_start3A_988 = tpu.memref_squeeze %dma_start3A_987 : memref<1x1x80xi32, #tpu.memory_space<hbm>> -> memref<80xi32, #tpu.memory_space<hbm>>
      %dma_start3A_989 = arith.constant 0 : i32
      %dma_start3A_990 = tpu.memref_slice %arg8[%dma_start3A_982, %dma_start3A_989] : memref<8x80xi32, #tpu.memory_space<vmem>> -> memref<1x80xi32, #tpu.memory_space<vmem>>
      %dma_start3A_991 = tpu.memref_squeeze %dma_start3A_990 : memref<1x80xi32, #tpu.memory_space<vmem>> -> memref<80xi32, #tpu.memory_space<vmem>>
      %dma_start3A_992 = arith.constant 0 : i32
      %dma_start3A_993 = tpu.memref_slice %arg3[%add3A, %add3A_968, %dma_start3A_992] : memref<32x125x80xi32, #tpu.memory_space<hbm>> -> memref<1x1x80xi32, #tpu.memory_space<hbm>>
      %dma_start3A_994 = tpu.memref_squeeze %dma_start3A_993 : memref<1x1x80xi32, #tpu.memory_space<hbm>> -> memref<80xi32, #tpu.memory_space<hbm>>
      tpu.enqueue_dma source(%dma_start3A_994 : memref<80xi32, #tpu.memory_space<hbm>>) target(%dma_start3A_991 : memref<80xi32, #tpu.memory_space<vmem>>) target_semaphore(%arg16 : memref<!tpu.dma_semaphore, #tpu.memory_space<semaphore_mem>>)
      %dma_wait3A_995 = arith.constant 0 : i32
      %dma_wait3A_996 = arith.constant 0 : i32
      %dma_wait3A_997 = tpu.memref_slice %arg7[%dma_wait3A_995, %dma_wait3A_996] : memref<8x80xi32, #tpu.memory_space<vmem>> -> memref<1x80xi32, #tpu.memory_space<vmem>>
      %dma_wait3A_998 = tpu.memref_squeeze %dma_wait3A_997 : memref<1x80xi32, #tpu.memory_space<vmem>> -> memref<80xi32, #tpu.memory_space<vmem>>
      %dma_wait3A_999 = arith.constant 0 : i32
      %dma_wait3A_1000 = arith.constant 0 : i32
      %dma_wait3A_1001 = tpu.memref_slice %arg4[%dma_wait3A_999, %dma_wait3A_1000] : memref<10240x128xf32, #tpu.memory_space<hbm>> -> memref<10240x128xf32, #tpu.memory_space<hbm>>
      tpu.wait_indirect_dma semaphore(%arg23 : memref<!tpu.dma_semaphore, #tpu.memory_space<semaphore_mem>>) src(%dma_wait3A_1001 : memref<10240x128xf32, #tpu.memory_space<hbm>>) dst(%arg11 : memref<80x128xf32, #tpu.memory_space<vmem>>)
      %dma_start3A_1002 = arith.constant 6 : i32
      %dma_start3A_1003 = arith.constant 0 : i32
      %dma_start3A_1004 = tpu.memref_slice %arg8[%dma_start3A_1002, %dma_start3A_1003] : memref<8x80xi32, #tpu.memory_space<vmem>> -> memref<1x80xi32, #tpu.memory_space<vmem>>
      %dma_start3A_1005 = tpu.memref_squeeze %dma_start3A_1004 : memref<1x80xi32, #tpu.memory_space<vmem>> -> memref<80xi32, #tpu.memory_space<vmem>>
      %dma_start3A_1006 = arith.constant 0 : i32
      %dma_start3A_1007 = arith.constant 0 : i32
      %dma_start3A_1008 = tpu.memref_slice %arg29[%dma_start3A_1006, %dma_start3A_1007] : memref<10240x128xf32, #tpu.memory_space<vmem_shared>> -> memref<10240x128xf32, #tpu.memory_space<vmem_shared>>
      tpu.enqueue_indirect_dma source(%arg11 : memref<80x128xf32, #tpu.memory_space<vmem>>) target(%dma_start3A_1008 : memref<10240x128xf32, #tpu.memory_space<vmem_shared>>) offsets(%dma_start3A_1005 : memref<80xi32, #tpu.memory_space<vmem>>) semaphore(%arg27 : memref<!tpu.dma_semaphore, #tpu.memory_space<semaphore_mem>>) {add = true}
      %dma_wait3A_1009 = arith.constant 0 : i32
      %dma_wait3A_1010 = arith.constant 0 : i32
      %dma_wait3A_1011 = tpu.memref_slice %arg8[%dma_wait3A_1009, %dma_wait3A_1010] : memref<8x80xi32, #tpu.memory_space<vmem>> -> memref<1x80xi32, #tpu.memory_space<vmem>>
      %dma_wait3A_1012 = tpu.memref_squeeze %dma_wait3A_1011 : memref<1x80xi32, #tpu.memory_space<vmem>> -> memref<80xi32, #tpu.memory_space<vmem>>
      %dma_wait3A_1013 = arith.constant 0 : i32
      %dma_wait3A_1014 = arith.constant 0 : i32
      %dma_wait3A_1015 = tpu.memref_slice %arg29[%dma_wait3A_1013, %dma_wait3A_1014] : memref<10240x128xf32, #tpu.memory_space<vmem_shared>> -> memref<10240x128xf32, #tpu.memory_space<vmem_shared>>
      tpu.wait_indirect_dma semaphore(%arg26 : memref<!tpu.dma_semaphore, #tpu.memory_space<semaphore_mem>>) src(%arg10 : memref<80x128xf32, #tpu.memory_space<vmem>>) dst(%dma_wait3A_1015 : memref<10240x128xf32, #tpu.memory_space<vmem_shared>>)
      %dma_wait3A_1016 = arith.constant 0 : i32
      %dma_wait3A_1017 = arith.constant 1 : i32
      %dma_wait3A_1018 = arith.constant 0 : i32
      %dma_wait3A_1019 = tpu.memref_slice %arg7[%dma_wait3A_1017, %dma_wait3A_1018] : memref<8x80xi32, #tpu.memory_space<vmem>> -> memref<1x80xi32, #tpu.memory_space<vmem>>
      %dma_wait3A_1020 = tpu.memref_squeeze %dma_wait3A_1019 : memref<1x80xi32, #tpu.memory_space<vmem>> -> memref<80xi32, #tpu.memory_space<vmem>>
      %dma_wait3A_1021 = arith.constant 0 : i32
      %dma_wait3A_1022 = tpu.memref_slice %arg2[%add3A, %dma_wait3A_1016, %dma_wait3A_1021] : memref<32x125x80xi32, #tpu.memory_space<hbm>> -> memref<1x1x80xi32, #tpu.memory_space<hbm>>
      %dma_wait3A_1023 = tpu.memref_squeeze %dma_wait3A_1022 : memref<1x1x80xi32, #tpu.memory_space<hbm>> -> memref<80xi32, #tpu.memory_space<hbm>>
      %dma_wait3A_1024 = arith.constant 0 : i32
      %dma_wait3A_1025 = tpu.memref_slice %arg7[%dma_wait3A_1017, %dma_wait3A_1024] : memref<8x80xi32, #tpu.memory_space<vmem>> -> memref<1x80xi32, #tpu.memory_space<vmem>>
      %dma_wait3A_1026 = tpu.memref_squeeze %dma_wait3A_1025 : memref<1x80xi32, #tpu.memory_space<vmem>> -> memref<80xi32, #tpu.memory_space<vmem>>
      %dma_wait3A_1027 = arith.constant 0 : i32
      %dma_wait3A_1028 = tpu.memref_slice %arg2[%add3A, %dma_wait3A_1016, %dma_wait3A_1027] : memref<32x125x80xi32, #tpu.memory_space<hbm>> -> memref<1x1x80xi32, #tpu.memory_space<hbm>>
      %dma_wait3A_1029 = tpu.memref_squeeze %dma_wait3A_1028 : memref<1x1x80xi32, #tpu.memory_space<hbm>> -> memref<80xi32, #tpu.memory_space<hbm>>
      tpu.wait_dma2 semaphore(%arg14 : memref<!tpu.dma_semaphore, #tpu.memory_space<semaphore_mem>>) src(%dma_wait3A_1029 : memref<80xi32, #tpu.memory_space<hbm>>) dst(%dma_wait3A_1026 : memref<80xi32, #tpu.memory_space<vmem>>)
      %dma_wait3A_1030 = arith.constant 0 : i32
      %dma_wait3A_1031 = arith.constant 1 : i32
      %dma_wait3A_1032 = arith.constant 0 : i32
      %dma_wait3A_1033 = tpu.memref_slice %arg8[%dma_wait3A_1031, %dma_wait3A_1032] : memref<8x80xi32, #tpu.memory_space<vmem>> -> memref<1x80xi32, #tpu.memory_space<vmem>>
      %dma_wait3A_1034 = tpu.memref_squeeze %dma_wait3A_1033 : memref<1x80xi32, #tpu.memory_space<vmem>> -> memref<80xi32, #tpu.memory_space<vmem>>
      %dma_wait3A_1035 = arith.constant 0 : i32
      %dma_wait3A_1036 = tpu.memref_slice %arg3[%add3A, %dma_wait3A_1030, %dma_wait3A_1035] : memref<32x125x80xi32, #tpu.memory_space<hbm>> -> memref<1x1x80xi32, #tpu.memory_space<hbm>>
      %dma_wait3A_1037 = tpu.memref_squeeze %dma_wait3A_1036 : memref<1x1x80xi32, #tpu.memory_space<hbm>> -> memref<80xi32, #tpu.memory_space<hbm>>
      %dma_wait3A_1038 = arith.constant 0 : i32
      %dma_wait3A_1039 = tpu.memref_slice %arg8[%dma_wait3A_1031, %dma_wait3A_1038] : memref<8x80xi32, #tpu.memory_space<vmem>> -> memref<1x80xi32, #tpu.memory_space<vmem>>
      %dma_wait3A_1040 = tpu.memref_squeeze %dma_wait3A_1039 : memref<1x80xi32, #tpu.memory_space<vmem>> -> memref<80xi32, #tpu.memory_space<vmem>>
      %dma_wait3A_1041 = arith.constant 0 : i32
      %dma_wait3A_1042 = tpu.memref_slice %arg3[%add3A, %dma_wait3A_1030, %dma_wait3A_1041] : memref<32x125x80xi32, #tpu.memory_space<hbm>> -> memref<1x1x80xi32, #tpu.memory_space<hbm>>
      %dma_wait3A_1043 = tpu.memref_squeeze %dma_wait3A_1042 : memref<1x1x80xi32, #tpu.memory_space<hbm>> -> memref<80xi32, #tpu.memory_space<hbm>>
      tpu.wait_dma2 semaphore(%arg14 : memref<!tpu.dma_semaphore, #tpu.memory_space<semaphore_mem>>) src(%dma_wait3A_1043 : memref<80xi32, #tpu.memory_space<hbm>>) dst(%dma_wait3A_1040 : memref<80xi32, #tpu.memory_space<vmem>>)
      %dma_start3A_1044 = arith.constant 1 : i32
      %dma_start3A_1045 = arith.constant 0 : i32
      %dma_start3A_1046 = tpu.memref_slice %arg7[%dma_start3A_1044, %dma_start3A_1045] : memref<8x80xi32, #tpu.memory_space<vmem>> -> memref<1x80xi32, #tpu.memory_space<vmem>>
      %dma_start3A_1047 = tpu.memref_squeeze %dma_start3A_1046 : memref<1x80xi32, #tpu.memory_space<vmem>> -> memref<80xi32, #tpu.memory_space<vmem>>
      %dma_start3A_1048 = arith.constant 0 : i32
      %dma_start3A_1049 = arith.constant 0 : i32
      %dma_start3A_1050 = tpu.memref_slice %arg4[%dma_start3A_1048, %dma_start3A_1049] : memref<10240x128xf32, #tpu.memory_space<hbm>> -> memref<10240x128xf32, #tpu.memory_space<hbm>>
      tpu.enqueue_indirect_dma source(%dma_start3A_1050 : memref<10240x128xf32, #tpu.memory_space<hbm>>) target(%arg10 : memref<80x128xf32, #tpu.memory_space<vmem>>) offsets(%dma_start3A_1047 : memref<80xi32, #tpu.memory_space<vmem>>) semaphore(%arg22 : memref<!tpu.dma_semaphore, #tpu.memory_space<semaphore_mem>>)
      %mul3A_1051 = arith.constant 8 : i32
      %mul3A_1052 = arith.muli %scan3A_523, %mul3A_1051 : i32
      %add3A_1053 = arith.constant 6 : i32
      %add3A_1054 = arith.addi %mul3A_1052, %add3A_1053 : i32
      %add3A_1055 = arith.constant 6 : i32
      %add3A_1056 = arith.addi %add3A_1054, %add3A_1055 : i32
      %dma_start3A_1057 = arith.constant 4 : i32
      %dma_start3A_1058 = arith.constant 0 : i32
      %dma_start3A_1059 = tpu.memref_slice %arg7[%dma_start3A_1057, %dma_start3A_1058] : memref<8x80xi32, #tpu.memory_space<vmem>> -> memref<1x80xi32, #tpu.memory_space<vmem>>
      %dma_start3A_1060 = tpu.memref_squeeze %dma_start3A_1059 : memref<1x80xi32, #tpu.memory_space<vmem>> -> memref<80xi32, #tpu.memory_space<vmem>>
      %dma_start3A_1061 = arith.constant 0 : i32
      %dma_start3A_1062 = tpu.memref_slice %arg2[%add3A, %add3A_1056, %dma_start3A_1061] : memref<32x125x80xi32, #tpu.memory_space<hbm>> -> memref<1x1x80xi32, #tpu.memory_space<hbm>>
      %dma_start3A_1063 = tpu.memref_squeeze %dma_start3A_1062 : memref<1x1x80xi32, #tpu.memory_space<hbm>> -> memref<80xi32, #tpu.memory_space<hbm>>
      %dma_start3A_1064 = arith.constant 0 : i32
      %dma_start3A_1065 = tpu.memref_slice %arg7[%dma_start3A_1057, %dma_start3A_1064] : memref<8x80xi32, #tpu.memory_space<vmem>> -> memref<1x80xi32, #tpu.memory_space<vmem>>
      %dma_start3A_1066 = tpu.memref_squeeze %dma_start3A_1065 : memref<1x80xi32, #tpu.memory_space<vmem>> -> memref<80xi32, #tpu.memory_space<vmem>>
      %dma_start3A_1067 = arith.constant 0 : i32
      %dma_start3A_1068 = tpu.memref_slice %arg2[%add3A, %add3A_1056, %dma_start3A_1067] : memref<32x125x80xi32, #tpu.memory_space<hbm>> -> memref<1x1x80xi32, #tpu.memory_space<hbm>>
      %dma_start3A_1069 = tpu.memref_squeeze %dma_start3A_1068 : memref<1x1x80xi32, #tpu.memory_space<hbm>> -> memref<80xi32, #tpu.memory_space<hbm>>
      tpu.enqueue_dma source(%dma_start3A_1069 : memref<80xi32, #tpu.memory_space<hbm>>) target(%dma_start3A_1066 : memref<80xi32, #tpu.memory_space<vmem>>) target_semaphore(%arg17 : memref<!tpu.dma_semaphore, #tpu.memory_space<semaphore_mem>>)
      %dma_start3A_1070 = arith.constant 4 : i32
      %dma_start3A_1071 = arith.constant 0 : i32
      %dma_start3A_1072 = tpu.memref_slice %arg8[%dma_start3A_1070, %dma_start3A_1071] : memref<8x80xi32, #tpu.memory_space<vmem>> -> memref<1x80xi32, #tpu.memory_space<vmem>>
      %dma_start3A_1073 = tpu.memref_squeeze %dma_start3A_1072 : memref<1x80xi32, #tpu.memory_space<vmem>> -> memref<80xi32, #tpu.memory_space<vmem>>
      %dma_start3A_1074 = arith.constant 0 : i32
      %dma_start3A_1075 = tpu.memref_slice %arg3[%add3A, %add3A_1056, %dma_start3A_1074] : memref<32x125x80xi32, #tpu.memory_space<hbm>> -> memref<1x1x80xi32, #tpu.memory_space<hbm>>
      %dma_start3A_1076 = tpu.memref_squeeze %dma_start3A_1075 : memref<1x1x80xi32, #tpu.memory_space<hbm>> -> memref<80xi32, #tpu.memory_space<hbm>>
      %dma_start3A_1077 = arith.constant 0 : i32
      %dma_start3A_1078 = tpu.memref_slice %arg8[%dma_start3A_1070, %dma_start3A_1077] : memref<8x80xi32, #tpu.memory_space<vmem>> -> memref<1x80xi32, #tpu.memory_space<vmem>>
      %dma_start3A_1079 = tpu.memref_squeeze %dma_start3A_1078 : memref<1x80xi32, #tpu.memory_space<vmem>> -> memref<80xi32, #tpu.memory_space<vmem>>
      %dma_start3A_1080 = arith.constant 0 : i32
      %dma_start3A_1081 = tpu.memref_slice %arg3[%add3A, %add3A_1056, %dma_start3A_1080] : memref<32x125x80xi32, #tpu.memory_space<hbm>> -> memref<1x1x80xi32, #tpu.memory_space<hbm>>
      %dma_start3A_1082 = tpu.memref_squeeze %dma_start3A_1081 : memref<1x1x80xi32, #tpu.memory_space<hbm>> -> memref<80xi32, #tpu.memory_space<hbm>>
      tpu.enqueue_dma source(%dma_start3A_1082 : memref<80xi32, #tpu.memory_space<hbm>>) target(%dma_start3A_1079 : memref<80xi32, #tpu.memory_space<vmem>>) target_semaphore(%arg17 : memref<!tpu.dma_semaphore, #tpu.memory_space<semaphore_mem>>)
      %dma_wait3A_1083 = arith.constant 0 : i32
      %dma_wait3A_1084 = arith.constant 0 : i32
      %dma_wait3A_1085 = tpu.memref_slice %arg7[%dma_wait3A_1083, %dma_wait3A_1084] : memref<8x80xi32, #tpu.memory_space<vmem>> -> memref<1x80xi32, #tpu.memory_space<vmem>>
      %dma_wait3A_1086 = tpu.memref_squeeze %dma_wait3A_1085 : memref<1x80xi32, #tpu.memory_space<vmem>> -> memref<80xi32, #tpu.memory_space<vmem>>
      %dma_wait3A_1087 = arith.constant 0 : i32
      %dma_wait3A_1088 = arith.constant 0 : i32
      %dma_wait3A_1089 = tpu.memref_slice %arg4[%dma_wait3A_1087, %dma_wait3A_1088] : memref<10240x128xf32, #tpu.memory_space<hbm>> -> memref<10240x128xf32, #tpu.memory_space<hbm>>
      tpu.wait_indirect_dma semaphore(%arg24 : memref<!tpu.dma_semaphore, #tpu.memory_space<semaphore_mem>>) src(%dma_wait3A_1089 : memref<10240x128xf32, #tpu.memory_space<hbm>>) dst(%arg12 : memref<80x128xf32, #tpu.memory_space<vmem>>)
      %dma_start3A_1090 = arith.constant 7 : i32
      %dma_start3A_1091 = arith.constant 0 : i32
      %dma_start3A_1092 = tpu.memref_slice %arg8[%dma_start3A_1090, %dma_start3A_1091] : memref<8x80xi32, #tpu.memory_space<vmem>> -> memref<1x80xi32, #tpu.memory_space<vmem>>
      %dma_start3A_1093 = tpu.memref_squeeze %dma_start3A_1092 : memref<1x80xi32, #tpu.memory_space<vmem>> -> memref<80xi32, #tpu.memory_space<vmem>>
      %dma_start3A_1094 = arith.constant 0 : i32
      %dma_start3A_1095 = arith.constant 0 : i32
      %dma_start3A_1096 = tpu.memref_slice %arg29[%dma_start3A_1094, %dma_start3A_1095] : memref<10240x128xf32, #tpu.memory_space<vmem_shared>> -> memref<10240x128xf32, #tpu.memory_space<vmem_shared>>
      tpu.enqueue_indirect_dma source(%arg12 : memref<80x128xf32, #tpu.memory_space<vmem>>) target(%dma_start3A_1096 : memref<10240x128xf32, #tpu.memory_space<vmem_shared>>) offsets(%dma_start3A_1093 : memref<80xi32, #tpu.memory_space<vmem>>) semaphore(%arg28 : memref<!tpu.dma_semaphore, #tpu.memory_space<semaphore_mem>>) {add = true}
      %dma_wait3A_1097 = arith.constant 0 : i32
      %dma_wait3A_1098 = arith.constant 0 : i32
      %dma_wait3A_1099 = tpu.memref_slice %arg8[%dma_wait3A_1097, %dma_wait3A_1098] : memref<8x80xi32, #tpu.memory_space<vmem>> -> memref<1x80xi32, #tpu.memory_space<vmem>>
      %dma_wait3A_1100 = tpu.memref_squeeze %dma_wait3A_1099 : memref<1x80xi32, #tpu.memory_space<vmem>> -> memref<80xi32, #tpu.memory_space<vmem>>
      %dma_wait3A_1101 = arith.constant 0 : i32
      %dma_wait3A_1102 = arith.constant 0 : i32
      %dma_wait3A_1103 = tpu.memref_slice %arg29[%dma_wait3A_1101, %dma_wait3A_1102] : memref<10240x128xf32, #tpu.memory_space<vmem_shared>> -> memref<10240x128xf32, #tpu.memory_space<vmem_shared>>
      tpu.wait_indirect_dma semaphore(%arg27 : memref<!tpu.dma_semaphore, #tpu.memory_space<semaphore_mem>>) src(%arg11 : memref<80x128xf32, #tpu.memory_space<vmem>>) dst(%dma_wait3A_1103 : memref<10240x128xf32, #tpu.memory_space<vmem_shared>>)
      %dma_wait3A_1104 = arith.constant 0 : i32
      %dma_wait3A_1105 = arith.constant 2 : i32
      %dma_wait3A_1106 = arith.constant 0 : i32
      %dma_wait3A_1107 = tpu.memref_slice %arg7[%dma_wait3A_1105, %dma_wait3A_1106] : memref<8x80xi32, #tpu.memory_space<vmem>> -> memref<1x80xi32, #tpu.memory_space<vmem>>
      %dma_wait3A_1108 = tpu.memref_squeeze %dma_wait3A_1107 : memref<1x80xi32, #tpu.memory_space<vmem>> -> memref<80xi32, #tpu.memory_space<vmem>>
      %dma_wait3A_1109 = arith.constant 0 : i32
      %dma_wait3A_1110 = tpu.memref_slice %arg2[%add3A, %dma_wait3A_1104, %dma_wait3A_1109] : memref<32x125x80xi32, #tpu.memory_space<hbm>> -> memref<1x1x80xi32, #tpu.memory_space<hbm>>
      %dma_wait3A_1111 = tpu.memref_squeeze %dma_wait3A_1110 : memref<1x1x80xi32, #tpu.memory_space<hbm>> -> memref<80xi32, #tpu.memory_space<hbm>>
      %dma_wait3A_1112 = arith.constant 0 : i32
      %dma_wait3A_1113 = tpu.memref_slice %arg7[%dma_wait3A_1105, %dma_wait3A_1112] : memref<8x80xi32, #tpu.memory_space<vmem>> -> memref<1x80xi32, #tpu.memory_space<vmem>>
      %dma_wait3A_1114 = tpu.memref_squeeze %dma_wait3A_1113 : memref<1x80xi32, #tpu.memory_space<vmem>> -> memref<80xi32, #tpu.memory_space<vmem>>
      %dma_wait3A_1115 = arith.constant 0 : i32
      %dma_wait3A_1116 = tpu.memref_slice %arg2[%add3A, %dma_wait3A_1104, %dma_wait3A_1115] : memref<32x125x80xi32, #tpu.memory_space<hbm>> -> memref<1x1x80xi32, #tpu.memory_space<hbm>>
      %dma_wait3A_1117 = tpu.memref_squeeze %dma_wait3A_1116 : memref<1x1x80xi32, #tpu.memory_space<hbm>> -> memref<80xi32, #tpu.memory_space<hbm>>
      tpu.wait_dma2 semaphore(%arg15 : memref<!tpu.dma_semaphore, #tpu.memory_space<semaphore_mem>>) src(%dma_wait3A_1117 : memref<80xi32, #tpu.memory_space<hbm>>) dst(%dma_wait3A_1114 : memref<80xi32, #tpu.memory_space<vmem>>)
      %dma_wait3A_1118 = arith.constant 0 : i32
      %dma_wait3A_1119 = arith.constant 2 : i32
      %dma_wait3A_1120 = arith.constant 0 : i32
      %dma_wait3A_1121 = tpu.memref_slice %arg8[%dma_wait3A_1119, %dma_wait3A_1120] : memref<8x80xi32, #tpu.memory_space<vmem>> -> memref<1x80xi32, #tpu.memory_space<vmem>>
      %dma_wait3A_1122 = tpu.memref_squeeze %dma_wait3A_1121 : memref<1x80xi32, #tpu.memory_space<vmem>> -> memref<80xi32, #tpu.memory_space<vmem>>
      %dma_wait3A_1123 = arith.constant 0 : i32
      %dma_wait3A_1124 = tpu.memref_slice %arg3[%add3A, %dma_wait3A_1118, %dma_wait3A_1123] : memref<32x125x80xi32, #tpu.memory_space<hbm>> -> memref<1x1x80xi32, #tpu.memory_space<hbm>>
      %dma_wait3A_1125 = tpu.memref_squeeze %dma_wait3A_1124 : memref<1x1x80xi32, #tpu.memory_space<hbm>> -> memref<80xi32, #tpu.memory_space<hbm>>
      %dma_wait3A_1126 = arith.constant 0 : i32
      %dma_wait3A_1127 = tpu.memref_slice %arg8[%dma_wait3A_1119, %dma_wait3A_1126] : memref<8x80xi32, #tpu.memory_space<vmem>> -> memref<1x80xi32, #tpu.memory_space<vmem>>
      %dma_wait3A_1128 = tpu.memref_squeeze %dma_wait3A_1127 : memref<1x80xi32, #tpu.memory_space<vmem>> -> memref<80xi32, #tpu.memory_space<vmem>>
      %dma_wait3A_1129 = arith.constant 0 : i32
      %dma_wait3A_1130 = tpu.memref_slice %arg3[%add3A, %dma_wait3A_1118, %dma_wait3A_1129] : memref<32x125x80xi32, #tpu.memory_space<hbm>> -> memref<1x1x80xi32, #tpu.memory_space<hbm>>
      %dma_wait3A_1131 = tpu.memref_squeeze %dma_wait3A_1130 : memref<1x1x80xi32, #tpu.memory_space<hbm>> -> memref<80xi32, #tpu.memory_space<hbm>>
      tpu.wait_dma2 semaphore(%arg15 : memref<!tpu.dma_semaphore, #tpu.memory_space<semaphore_mem>>) src(%dma_wait3A_1131 : memref<80xi32, #tpu.memory_space<hbm>>) dst(%dma_wait3A_1128 : memref<80xi32, #tpu.memory_space<vmem>>)
      %dma_start3A_1132 = arith.constant 2 : i32
      %dma_start3A_1133 = arith.constant 0 : i32
      %dma_start3A_1134 = tpu.memref_slice %arg7[%dma_start3A_1132, %dma_start3A_1133] : memref<8x80xi32, #tpu.memory_space<vmem>> -> memref<1x80xi32, #tpu.memory_space<vmem>>
      %dma_start3A_1135 = tpu.memref_squeeze %dma_start3A_1134 : memref<1x80xi32, #tpu.memory_space<vmem>> -> memref<80xi32, #tpu.memory_space<vmem>>
      %dma_start3A_1136 = arith.constant 0 : i32
      %dma_start3A_1137 = arith.constant 0 : i32
      %dma_start3A_1138 = tpu.memref_slice %arg4[%dma_start3A_1136, %dma_start3A_1137] : memref<10240x128xf32, #tpu.memory_space<hbm>> -> memref<10240x128xf32, #tpu.memory_space<hbm>>
      tpu.enqueue_indirect_dma source(%dma_start3A_1138 : memref<10240x128xf32, #tpu.memory_space<hbm>>) target(%arg11 : memref<80x128xf32, #tpu.memory_space<vmem>>) offsets(%dma_start3A_1135 : memref<80xi32, #tpu.memory_space<vmem>>) semaphore(%arg23 : memref<!tpu.dma_semaphore, #tpu.memory_space<semaphore_mem>>)
      %lt3A = arith.constant 14 : i32
      %lt3A_1139 = arith.cmpi slt, %scan3A_523, %lt3A : i32
      %convert_element_type3A_1140 = arith.extui %lt3A_1139 : i1 to i32
      %cond3A_1141 = arith.constant 0 : i32
      %cond3A_1142 = arith.cmpi ne, %convert_element_type3A_1140, %cond3A_1141 : i32
      scf.if %cond3A_1142 {
        %mul3A_1143 = arith.constant 8 : i32
        %mul3A_1144 = arith.muli %scan3A_523, %mul3A_1143 : i32
        %add3A_1145 = arith.constant 7 : i32
        %add3A_1146 = arith.addi %mul3A_1144, %add3A_1145 : i32
        %add3A_1147 = arith.constant 6 : i32
        %add3A_1148 = arith.addi %add3A_1146, %add3A_1147 : i32
        %dma_start3A_1149 = arith.constant 5 : i32
        %dma_start3A_1150 = arith.constant 0 : i32
        %dma_start3A_1151 = tpu.memref_slice %arg7[%dma_start3A_1149, %dma_start3A_1150] : memref<8x80xi32, #tpu.memory_space<vmem>> -> memref<1x80xi32, #tpu.memory_space<vmem>>
        %dma_start3A_1152 = tpu.memref_squeeze %dma_start3A_1151 : memref<1x80xi32, #tpu.memory_space<vmem>> -> memref<80xi32, #tpu.memory_space<vmem>>
        %dma_start3A_1153 = arith.constant 0 : i32
        %dma_start3A_1154 = tpu.memref_slice %arg2[%add3A, %add3A_1148, %dma_start3A_1153] : memref<32x125x80xi32, #tpu.memory_space<hbm>> -> memref<1x1x80xi32, #tpu.memory_space<hbm>>
        %dma_start3A_1155 = tpu.memref_squeeze %dma_start3A_1154 : memref<1x1x80xi32, #tpu.memory_space<hbm>> -> memref<80xi32, #tpu.memory_space<hbm>>
        %dma_start3A_1156 = arith.constant 0 : i32
        %dma_start3A_1157 = tpu.memref_slice %arg7[%dma_start3A_1149, %dma_start3A_1156] : memref<8x80xi32, #tpu.memory_space<vmem>> -> memref<1x80xi32, #tpu.memory_space<vmem>>
        %dma_start3A_1158 = tpu.memref_squeeze %dma_start3A_1157 : memref<1x80xi32, #tpu.memory_space<vmem>> -> memref<80xi32, #tpu.memory_space<vmem>>
        %dma_start3A_1159 = arith.constant 0 : i32
        %dma_start3A_1160 = tpu.memref_slice %arg2[%add3A, %add3A_1148, %dma_start3A_1159] : memref<32x125x80xi32, #tpu.memory_space<hbm>> -> memref<1x1x80xi32, #tpu.memory_space<hbm>>
        %dma_start3A_1161 = tpu.memref_squeeze %dma_start3A_1160 : memref<1x1x80xi32, #tpu.memory_space<hbm>> -> memref<80xi32, #tpu.memory_space<hbm>>
        tpu.enqueue_dma source(%dma_start3A_1161 : memref<80xi32, #tpu.memory_space<hbm>>) target(%dma_start3A_1158 : memref<80xi32, #tpu.memory_space<vmem>>) target_semaphore(%arg18 : memref<!tpu.dma_semaphore, #tpu.memory_space<semaphore_mem>>)
        %dma_start3A_1162 = arith.constant 5 : i32
        %dma_start3A_1163 = arith.constant 0 : i32
        %dma_start3A_1164 = tpu.memref_slice %arg8[%dma_start3A_1162, %dma_start3A_1163] : memref<8x80xi32, #tpu.memory_space<vmem>> -> memref<1x80xi32, #tpu.memory_space<vmem>>
        %dma_start3A_1165 = tpu.memref_squeeze %dma_start3A_1164 : memref<1x80xi32, #tpu.memory_space<vmem>> -> memref<80xi32, #tpu.memory_space<vmem>>
        %dma_start3A_1166 = arith.constant 0 : i32
        %dma_start3A_1167 = tpu.memref_slice %arg3[%add3A, %add3A_1148, %dma_start3A_1166] : memref<32x125x80xi32, #tpu.memory_space<hbm>> -> memref<1x1x80xi32, #tpu.memory_space<hbm>>
        %dma_start3A_1168 = tpu.memref_squeeze %dma_start3A_1167 : memref<1x1x80xi32, #tpu.memory_space<hbm>> -> memref<80xi32, #tpu.memory_space<hbm>>
        %dma_start3A_1169 = arith.constant 0 : i32
        %dma_start3A_1170 = tpu.memref_slice %arg8[%dma_start3A_1162, %dma_start3A_1169] : memref<8x80xi32, #tpu.memory_space<vmem>> -> memref<1x80xi32, #tpu.memory_space<vmem>>
        %dma_start3A_1171 = tpu.memref_squeeze %dma_start3A_1170 : memref<1x80xi32, #tpu.memory_space<vmem>> -> memref<80xi32, #tpu.memory_space<vmem>>
        %dma_start3A_1172 = arith.constant 0 : i32
        %dma_start3A_1173 = tpu.memref_slice %arg3[%add3A, %add3A_1148, %dma_start3A_1172] : memref<32x125x80xi32, #tpu.memory_space<hbm>> -> memref<1x1x80xi32, #tpu.memory_space<hbm>>
        %dma_start3A_1174 = tpu.memref_squeeze %dma_start3A_1173 : memref<1x1x80xi32, #tpu.memory_space<hbm>> -> memref<80xi32, #tpu.memory_space<hbm>>
        tpu.enqueue_dma source(%dma_start3A_1174 : memref<80xi32, #tpu.memory_space<hbm>>) target(%dma_start3A_1171 : memref<80xi32, #tpu.memory_space<vmem>>) target_semaphore(%arg18 : memref<!tpu.dma_semaphore, #tpu.memory_space<semaphore_mem>>)
      } else {
      }
    }
    %scan3A_339 = arith.constant 15 : i32
    %dma_wait3A_340 = arith.constant 0 : i32
    %dma_wait3A_341 = arith.constant 0 : i32
    %dma_wait3A_342 = tpu.memref_slice %arg7[%dma_wait3A_340, %dma_wait3A_341] : memref<8x80xi32, #tpu.memory_space<vmem>> -> memref<1x80xi32, #tpu.memory_space<vmem>>
    %dma_wait3A_343 = tpu.memref_squeeze %dma_wait3A_342 : memref<1x80xi32, #tpu.memory_space<vmem>> -> memref<80xi32, #tpu.memory_space<vmem>>
    %dma_wait3A_344 = arith.constant 0 : i32
    %dma_wait3A_345 = arith.constant 0 : i32
    %dma_wait3A_346 = tpu.memref_slice %arg4[%dma_wait3A_344, %dma_wait3A_345] : memref<10240x128xf32, #tpu.memory_space<hbm>> -> memref<10240x128xf32, #tpu.memory_space<hbm>>
    tpu.wait_indirect_dma semaphore(%arg21 : memref<!tpu.dma_semaphore, #tpu.memory_space<semaphore_mem>>) src(%dma_wait3A_346 : memref<10240x128xf32, #tpu.memory_space<hbm>>) dst(%arg9 : memref<80x128xf32, #tpu.memory_space<vmem>>)
    %dma_start3A_347 = arith.constant 0 : i32
    %dma_start3A_348 = arith.constant 0 : i32
    %dma_start3A_349 = tpu.memref_slice %arg8[%dma_start3A_347, %dma_start3A_348] : memref<8x80xi32, #tpu.memory_space<vmem>> -> memref<1x80xi32, #tpu.memory_space<vmem>>
    %dma_start3A_350 = tpu.memref_squeeze %dma_start3A_349 : memref<1x80xi32, #tpu.memory_space<vmem>> -> memref<80xi32, #tpu.memory_space<vmem>>
    %dma_start3A_351 = arith.constant 0 : i32
    %dma_start3A_352 = arith.constant 0 : i32
    %dma_start3A_353 = tpu.memref_slice %arg29[%dma_start3A_351, %dma_start3A_352] : memref<10240x128xf32, #tpu.memory_space<vmem_shared>> -> memref<10240x128xf32, #tpu.memory_space<vmem_shared>>
    tpu.enqueue_indirect_dma source(%arg9 : memref<80x128xf32, #tpu.memory_space<vmem>>) target(%dma_start3A_353 : memref<10240x128xf32, #tpu.memory_space<vmem_shared>>) offsets(%dma_start3A_350 : memref<80xi32, #tpu.memory_space<vmem>>) semaphore(%arg25 : memref<!tpu.dma_semaphore, #tpu.memory_space<semaphore_mem>>) {add = true}
    %dma_wait3A_354 = arith.constant 0 : i32
    %dma_wait3A_355 = arith.constant 0 : i32
    %dma_wait3A_356 = tpu.memref_slice %arg8[%dma_wait3A_354, %dma_wait3A_355] : memref<8x80xi32, #tpu.memory_space<vmem>> -> memref<1x80xi32, #tpu.memory_space<vmem>>
    %dma_wait3A_357 = tpu.memref_squeeze %dma_wait3A_356 : memref<1x80xi32, #tpu.memory_space<vmem>> -> memref<80xi32, #tpu.memory_space<vmem>>
    %dma_wait3A_358 = arith.constant 0 : i32
    %dma_wait3A_359 = arith.constant 0 : i32
    %dma_wait3A_360 = tpu.memref_slice %arg29[%dma_wait3A_358, %dma_wait3A_359] : memref<10240x128xf32, #tpu.memory_space<vmem_shared>> -> memref<10240x128xf32, #tpu.memory_space<vmem_shared>>
    tpu.wait_indirect_dma semaphore(%arg28 : memref<!tpu.dma_semaphore, #tpu.memory_space<semaphore_mem>>) src(%arg12 : memref<80x128xf32, #tpu.memory_space<vmem>>) dst(%dma_wait3A_360 : memref<10240x128xf32, #tpu.memory_space<vmem_shared>>)
    %dma_wait3A_361 = arith.constant 0 : i32
    %dma_wait3A_362 = arith.constant 3 : i32
    %dma_wait3A_363 = arith.constant 0 : i32
    %dma_wait3A_364 = tpu.memref_slice %arg7[%dma_wait3A_362, %dma_wait3A_363] : memref<8x80xi32, #tpu.memory_space<vmem>> -> memref<1x80xi32, #tpu.memory_space<vmem>>
    %dma_wait3A_365 = tpu.memref_squeeze %dma_wait3A_364 : memref<1x80xi32, #tpu.memory_space<vmem>> -> memref<80xi32, #tpu.memory_space<vmem>>
    %dma_wait3A_366 = arith.constant 0 : i32
    %dma_wait3A_367 = tpu.memref_slice %arg2[%add3A, %dma_wait3A_361, %dma_wait3A_366] : memref<32x125x80xi32, #tpu.memory_space<hbm>> -> memref<1x1x80xi32, #tpu.memory_space<hbm>>
    %dma_wait3A_368 = tpu.memref_squeeze %dma_wait3A_367 : memref<1x1x80xi32, #tpu.memory_space<hbm>> -> memref<80xi32, #tpu.memory_space<hbm>>
    %dma_wait3A_369 = arith.constant 0 : i32
    %dma_wait3A_370 = tpu.memref_slice %arg7[%dma_wait3A_362, %dma_wait3A_369] : memref<8x80xi32, #tpu.memory_space<vmem>> -> memref<1x80xi32, #tpu.memory_space<vmem>>
    %dma_wait3A_371 = tpu.memref_squeeze %dma_wait3A_370 : memref<1x80xi32, #tpu.memory_space<vmem>> -> memref<80xi32, #tpu.memory_space<vmem>>
    %dma_wait3A_372 = arith.constant 0 : i32
    %dma_wait3A_373 = tpu.memref_slice %arg2[%add3A, %dma_wait3A_361, %dma_wait3A_372] : memref<32x125x80xi32, #tpu.memory_space<hbm>> -> memref<1x1x80xi32, #tpu.memory_space<hbm>>
    %dma_wait3A_374 = tpu.memref_squeeze %dma_wait3A_373 : memref<1x1x80xi32, #tpu.memory_space<hbm>> -> memref<80xi32, #tpu.memory_space<hbm>>
    tpu.wait_dma2 semaphore(%arg16 : memref<!tpu.dma_semaphore, #tpu.memory_space<semaphore_mem>>) src(%dma_wait3A_374 : memref<80xi32, #tpu.memory_space<hbm>>) dst(%dma_wait3A_371 : memref<80xi32, #tpu.memory_space<vmem>>)
    %dma_wait3A_375 = arith.constant 0 : i32
    %dma_wait3A_376 = arith.constant 3 : i32
    %dma_wait3A_377 = arith.constant 0 : i32
    %dma_wait3A_378 = tpu.memref_slice %arg8[%dma_wait3A_376, %dma_wait3A_377] : memref<8x80xi32, #tpu.memory_space<vmem>> -> memref<1x80xi32, #tpu.memory_space<vmem>>
    %dma_wait3A_379 = tpu.memref_squeeze %dma_wait3A_378 : memref<1x80xi32, #tpu.memory_space<vmem>> -> memref<80xi32, #tpu.memory_space<vmem>>
    %dma_wait3A_380 = arith.constant 0 : i32
    %dma_wait3A_381 = tpu.memref_slice %arg3[%add3A, %dma_wait3A_375, %dma_wait3A_380] : memref<32x125x80xi32, #tpu.memory_space<hbm>> -> memref<1x1x80xi32, #tpu.memory_space<hbm>>
    %dma_wait3A_382 = tpu.memref_squeeze %dma_wait3A_381 : memref<1x1x80xi32, #tpu.memory_space<hbm>> -> memref<80xi32, #tpu.memory_space<hbm>>
    %dma_wait3A_383 = arith.constant 0 : i32
    %dma_wait3A_384 = tpu.memref_slice %arg8[%dma_wait3A_376, %dma_wait3A_383] : memref<8x80xi32, #tpu.memory_space<vmem>> -> memref<1x80xi32, #tpu.memory_space<vmem>>
    %dma_wait3A_385 = tpu.memref_squeeze %dma_wait3A_384 : memref<1x80xi32, #tpu.memory_space<vmem>> -> memref<80xi32, #tpu.memory_space<vmem>>
    %dma_wait3A_386 = arith.constant 0 : i32
    %dma_wait3A_387 = tpu.memref_slice %arg3[%add3A, %dma_wait3A_375, %dma_wait3A_386] : memref<32x125x80xi32, #tpu.memory_space<hbm>> -> memref<1x1x80xi32, #tpu.memory_space<hbm>>
    %dma_wait3A_388 = tpu.memref_squeeze %dma_wait3A_387 : memref<1x1x80xi32, #tpu.memory_space<hbm>> -> memref<80xi32, #tpu.memory_space<hbm>>
    tpu.wait_dma2 semaphore(%arg16 : memref<!tpu.dma_semaphore, #tpu.memory_space<semaphore_mem>>) src(%dma_wait3A_388 : memref<80xi32, #tpu.memory_space<hbm>>) dst(%dma_wait3A_385 : memref<80xi32, #tpu.memory_space<vmem>>)
    %dma_start3A_389 = arith.constant 3 : i32
    %dma_start3A_390 = arith.constant 0 : i32
    %dma_start3A_391 = tpu.memref_slice %arg7[%dma_start3A_389, %dma_start3A_390] : memref<8x80xi32, #tpu.memory_space<vmem>> -> memref<1x80xi32, #tpu.memory_space<vmem>>
    %dma_start3A_392 = tpu.memref_squeeze %dma_start3A_391 : memref<1x80xi32, #tpu.memory_space<vmem>> -> memref<80xi32, #tpu.memory_space<vmem>>
    %dma_start3A_393 = arith.constant 0 : i32
    %dma_start3A_394 = arith.constant 0 : i32
    %dma_start3A_395 = tpu.memref_slice %arg4[%dma_start3A_393, %dma_start3A_394] : memref<10240x128xf32, #tpu.memory_space<hbm>> -> memref<10240x128xf32, #tpu.memory_space<hbm>>
    tpu.enqueue_indirect_dma source(%dma_start3A_395 : memref<10240x128xf32, #tpu.memory_space<hbm>>) target(%arg12 : memref<80x128xf32, #tpu.memory_space<vmem>>) offsets(%dma_start3A_392 : memref<80xi32, #tpu.memory_space<vmem>>) semaphore(%arg24 : memref<!tpu.dma_semaphore, #tpu.memory_space<semaphore_mem>>)
    %dma_wait3A_396 = arith.constant 0 : i32
    %dma_wait3A_397 = arith.constant 0 : i32
    %dma_wait3A_398 = tpu.memref_slice %arg7[%dma_wait3A_396, %dma_wait3A_397] : memref<8x80xi32, #tpu.memory_space<vmem>> -> memref<1x80xi32, #tpu.memory_space<vmem>>
    %dma_wait3A_399 = tpu.memref_squeeze %dma_wait3A_398 : memref<1x80xi32, #tpu.memory_space<vmem>> -> memref<80xi32, #tpu.memory_space<vmem>>
    %dma_wait3A_400 = arith.constant 0 : i32
    %dma_wait3A_401 = arith.constant 0 : i32
    %dma_wait3A_402 = tpu.memref_slice %arg4[%dma_wait3A_400, %dma_wait3A_401] : memref<10240x128xf32, #tpu.memory_space<hbm>> -> memref<10240x128xf32, #tpu.memory_space<hbm>>
    tpu.wait_indirect_dma semaphore(%arg22 : memref<!tpu.dma_semaphore, #tpu.memory_space<semaphore_mem>>) src(%dma_wait3A_402 : memref<10240x128xf32, #tpu.memory_space<hbm>>) dst(%arg10 : memref<80x128xf32, #tpu.memory_space<vmem>>)
    %dma_start3A_403 = arith.constant 1 : i32
    %dma_start3A_404 = arith.constant 0 : i32
    %dma_start3A_405 = tpu.memref_slice %arg8[%dma_start3A_403, %dma_start3A_404] : memref<8x80xi32, #tpu.memory_space<vmem>> -> memref<1x80xi32, #tpu.memory_space<vmem>>
    %dma_start3A_406 = tpu.memref_squeeze %dma_start3A_405 : memref<1x80xi32, #tpu.memory_space<vmem>> -> memref<80xi32, #tpu.memory_space<vmem>>
    %dma_start3A_407 = arith.constant 0 : i32
    %dma_start3A_408 = arith.constant 0 : i32
    %dma_start3A_409 = tpu.memref_slice %arg29[%dma_start3A_407, %dma_start3A_408] : memref<10240x128xf32, #tpu.memory_space<vmem_shared>> -> memref<10240x128xf32, #tpu.memory_space<vmem_shared>>
    tpu.enqueue_indirect_dma source(%arg10 : memref<80x128xf32, #tpu.memory_space<vmem>>) target(%dma_start3A_409 : memref<10240x128xf32, #tpu.memory_space<vmem_shared>>) offsets(%dma_start3A_406 : memref<80xi32, #tpu.memory_space<vmem>>) semaphore(%arg26 : memref<!tpu.dma_semaphore, #tpu.memory_space<semaphore_mem>>) {add = true}
    %dma_wait3A_410 = arith.constant 0 : i32
    %dma_wait3A_411 = arith.constant 0 : i32
    %dma_wait3A_412 = tpu.memref_slice %arg8[%dma_wait3A_410, %dma_wait3A_411] : memref<8x80xi32, #tpu.memory_space<vmem>> -> memref<1x80xi32, #tpu.memory_space<vmem>>
    %dma_wait3A_413 = tpu.memref_squeeze %dma_wait3A_412 : memref<1x80xi32, #tpu.memory_space<vmem>> -> memref<80xi32, #tpu.memory_space<vmem>>
    %dma_wait3A_414 = arith.constant 0 : i32
    %dma_wait3A_415 = arith.constant 0 : i32
    %dma_wait3A_416 = tpu.memref_slice %arg29[%dma_wait3A_414, %dma_wait3A_415] : memref<10240x128xf32, #tpu.memory_space<vmem_shared>> -> memref<10240x128xf32, #tpu.memory_space<vmem_shared>>
    tpu.wait_indirect_dma semaphore(%arg25 : memref<!tpu.dma_semaphore, #tpu.memory_space<semaphore_mem>>) src(%arg9 : memref<80x128xf32, #tpu.memory_space<vmem>>) dst(%dma_wait3A_416 : memref<10240x128xf32, #tpu.memory_space<vmem_shared>>)
    %dma_wait3A_417 = arith.constant 0 : i32
    %dma_wait3A_418 = arith.constant 4 : i32
    %dma_wait3A_419 = arith.constant 0 : i32
    %dma_wait3A_420 = tpu.memref_slice %arg7[%dma_wait3A_418, %dma_wait3A_419] : memref<8x80xi32, #tpu.memory_space<vmem>> -> memref<1x80xi32, #tpu.memory_space<vmem>>
    %dma_wait3A_421 = tpu.memref_squeeze %dma_wait3A_420 : memref<1x80xi32, #tpu.memory_space<vmem>> -> memref<80xi32, #tpu.memory_space<vmem>>
    %dma_wait3A_422 = arith.constant 0 : i32
    %dma_wait3A_423 = tpu.memref_slice %arg2[%add3A, %dma_wait3A_417, %dma_wait3A_422] : memref<32x125x80xi32, #tpu.memory_space<hbm>> -> memref<1x1x80xi32, #tpu.memory_space<hbm>>
    %dma_wait3A_424 = tpu.memref_squeeze %dma_wait3A_423 : memref<1x1x80xi32, #tpu.memory_space<hbm>> -> memref<80xi32, #tpu.memory_space<hbm>>
    %dma_wait3A_425 = arith.constant 0 : i32
    %dma_wait3A_426 = tpu.memref_slice %arg7[%dma_wait3A_418, %dma_wait3A_425] : memref<8x80xi32, #tpu.memory_space<vmem>> -> memref<1x80xi32, #tpu.memory_space<vmem>>
    %dma_wait3A_427 = tpu.memref_squeeze %dma_wait3A_426 : memref<1x80xi32, #tpu.memory_space<vmem>> -> memref<80xi32, #tpu.memory_space<vmem>>
    %dma_wait3A_428 = arith.constant 0 : i32
    %dma_wait3A_429 = tpu.memref_slice %arg2[%add3A, %dma_wait3A_417, %dma_wait3A_428] : memref<32x125x80xi32, #tpu.memory_space<hbm>> -> memref<1x1x80xi32, #tpu.memory_space<hbm>>
    %dma_wait3A_430 = tpu.memref_squeeze %dma_wait3A_429 : memref<1x1x80xi32, #tpu.memory_space<hbm>> -> memref<80xi32, #tpu.memory_space<hbm>>
    tpu.wait_dma2 semaphore(%arg17 : memref<!tpu.dma_semaphore, #tpu.memory_space<semaphore_mem>>) src(%dma_wait3A_430 : memref<80xi32, #tpu.memory_space<hbm>>) dst(%dma_wait3A_427 : memref<80xi32, #tpu.memory_space<vmem>>)
    %dma_wait3A_431 = arith.constant 0 : i32
    %dma_wait3A_432 = arith.constant 4 : i32
    %dma_wait3A_433 = arith.constant 0 : i32
    %dma_wait3A_434 = tpu.memref_slice %arg8[%dma_wait3A_432, %dma_wait3A_433] : memref<8x80xi32, #tpu.memory_space<vmem>> -> memref<1x80xi32, #tpu.memory_space<vmem>>
    %dma_wait3A_435 = tpu.memref_squeeze %dma_wait3A_434 : memref<1x80xi32, #tpu.memory_space<vmem>> -> memref<80xi32, #tpu.memory_space<vmem>>
    %dma_wait3A_436 = arith.constant 0 : i32
    %dma_wait3A_437 = tpu.memref_slice %arg3[%add3A, %dma_wait3A_431, %dma_wait3A_436] : memref<32x125x80xi32, #tpu.memory_space<hbm>> -> memref<1x1x80xi32, #tpu.memory_space<hbm>>
    %dma_wait3A_438 = tpu.memref_squeeze %dma_wait3A_437 : memref<1x1x80xi32, #tpu.memory_space<hbm>> -> memref<80xi32, #tpu.memory_space<hbm>>
    %dma_wait3A_439 = arith.constant 0 : i32
    %dma_wait3A_440 = tpu.memref_slice %arg8[%dma_wait3A_432, %dma_wait3A_439] : memref<8x80xi32, #tpu.memory_space<vmem>> -> memref<1x80xi32, #tpu.memory_space<vmem>>
    %dma_wait3A_441 = tpu.memref_squeeze %dma_wait3A_440 : memref<1x80xi32, #tpu.memory_space<vmem>> -> memref<80xi32, #tpu.memory_space<vmem>>
    %dma_wait3A_442 = arith.constant 0 : i32
    %dma_wait3A_443 = tpu.memref_slice %arg3[%add3A, %dma_wait3A_431, %dma_wait3A_442] : memref<32x125x80xi32, #tpu.memory_space<hbm>> -> memref<1x1x80xi32, #tpu.memory_space<hbm>>
    %dma_wait3A_444 = tpu.memref_squeeze %dma_wait3A_443 : memref<1x1x80xi32, #tpu.memory_space<hbm>> -> memref<80xi32, #tpu.memory_space<hbm>>
    tpu.wait_dma2 semaphore(%arg17 : memref<!tpu.dma_semaphore, #tpu.memory_space<semaphore_mem>>) src(%dma_wait3A_444 : memref<80xi32, #tpu.memory_space<hbm>>) dst(%dma_wait3A_441 : memref<80xi32, #tpu.memory_space<vmem>>)
    %dma_start3A_445 = arith.constant 4 : i32
    %dma_start3A_446 = arith.constant 0 : i32
    %dma_start3A_447 = tpu.memref_slice %arg7[%dma_start3A_445, %dma_start3A_446] : memref<8x80xi32, #tpu.memory_space<vmem>> -> memref<1x80xi32, #tpu.memory_space<vmem>>
    %dma_start3A_448 = tpu.memref_squeeze %dma_start3A_447 : memref<1x80xi32, #tpu.memory_space<vmem>> -> memref<80xi32, #tpu.memory_space<vmem>>
    %dma_start3A_449 = arith.constant 0 : i32
    %dma_start3A_450 = arith.constant 0 : i32
    %dma_start3A_451 = tpu.memref_slice %arg4[%dma_start3A_449, %dma_start3A_450] : memref<10240x128xf32, #tpu.memory_space<hbm>> -> memref<10240x128xf32, #tpu.memory_space<hbm>>
    tpu.enqueue_indirect_dma source(%dma_start3A_451 : memref<10240x128xf32, #tpu.memory_space<hbm>>) target(%arg9 : memref<80x128xf32, #tpu.memory_space<vmem>>) offsets(%dma_start3A_448 : memref<80xi32, #tpu.memory_space<vmem>>) semaphore(%arg21 : memref<!tpu.dma_semaphore, #tpu.memory_space<semaphore_mem>>)
    %dma_wait3A_452 = arith.constant 0 : i32
    %dma_wait3A_453 = arith.constant 0 : i32
    %dma_wait3A_454 = tpu.memref_slice %arg7[%dma_wait3A_452, %dma_wait3A_453] : memref<8x80xi32, #tpu.memory_space<vmem>> -> memref<1x80xi32, #tpu.memory_space<vmem>>
    %dma_wait3A_455 = tpu.memref_squeeze %dma_wait3A_454 : memref<1x80xi32, #tpu.memory_space<vmem>> -> memref<80xi32, #tpu.memory_space<vmem>>
    %dma_wait3A_456 = arith.constant 0 : i32
    %dma_wait3A_457 = arith.constant 0 : i32
    %dma_wait3A_458 = tpu.memref_slice %arg4[%dma_wait3A_456, %dma_wait3A_457] : memref<10240x128xf32, #tpu.memory_space<hbm>> -> memref<10240x128xf32, #tpu.memory_space<hbm>>
    tpu.wait_indirect_dma semaphore(%arg23 : memref<!tpu.dma_semaphore, #tpu.memory_space<semaphore_mem>>) src(%dma_wait3A_458 : memref<10240x128xf32, #tpu.memory_space<hbm>>) dst(%arg11 : memref<80x128xf32, #tpu.memory_space<vmem>>)
    %dma_start3A_459 = arith.constant 2 : i32
    %dma_start3A_460 = arith.constant 0 : i32
    %dma_start3A_461 = tpu.memref_slice %arg8[%dma_start3A_459, %dma_start3A_460] : memref<8x80xi32, #tpu.memory_space<vmem>> -> memref<1x80xi32, #tpu.memory_space<vmem>>
    %dma_start3A_462 = tpu.memref_squeeze %dma_start3A_461 : memref<1x80xi32, #tpu.memory_space<vmem>> -> memref<80xi32, #tpu.memory_space<vmem>>
    %dma_start3A_463 = arith.constant 0 : i32
    %dma_start3A_464 = arith.constant 0 : i32
    %dma_start3A_465 = tpu.memref_slice %arg29[%dma_start3A_463, %dma_start3A_464] : memref<10240x128xf32, #tpu.memory_space<vmem_shared>> -> memref<10240x128xf32, #tpu.memory_space<vmem_shared>>
    tpu.enqueue_indirect_dma source(%arg11 : memref<80x128xf32, #tpu.memory_space<vmem>>) target(%dma_start3A_465 : memref<10240x128xf32, #tpu.memory_space<vmem_shared>>) offsets(%dma_start3A_462 : memref<80xi32, #tpu.memory_space<vmem>>) semaphore(%arg27 : memref<!tpu.dma_semaphore, #tpu.memory_space<semaphore_mem>>) {add = true}
    %dma_wait3A_466 = arith.constant 0 : i32
    %dma_wait3A_467 = arith.constant 0 : i32
    %dma_wait3A_468 = tpu.memref_slice %arg8[%dma_wait3A_466, %dma_wait3A_467] : memref<8x80xi32, #tpu.memory_space<vmem>> -> memref<1x80xi32, #tpu.memory_space<vmem>>
    %dma_wait3A_469 = tpu.memref_squeeze %dma_wait3A_468 : memref<1x80xi32, #tpu.memory_space<vmem>> -> memref<80xi32, #tpu.memory_space<vmem>>
    %dma_wait3A_470 = arith.constant 0 : i32
    %dma_wait3A_471 = arith.constant 0 : i32
    %dma_wait3A_472 = tpu.memref_slice %arg29[%dma_wait3A_470, %dma_wait3A_471] : memref<10240x128xf32, #tpu.memory_space<vmem_shared>> -> memref<10240x128xf32, #tpu.memory_space<vmem_shared>>
    tpu.wait_indirect_dma semaphore(%arg26 : memref<!tpu.dma_semaphore, #tpu.memory_space<semaphore_mem>>) src(%arg10 : memref<80x128xf32, #tpu.memory_space<vmem>>) dst(%dma_wait3A_472 : memref<10240x128xf32, #tpu.memory_space<vmem_shared>>)
    %dma_wait3A_473 = arith.constant 0 : i32
    %dma_wait3A_474 = arith.constant 0 : i32
    %dma_wait3A_475 = tpu.memref_slice %arg7[%dma_wait3A_473, %dma_wait3A_474] : memref<8x80xi32, #tpu.memory_space<vmem>> -> memref<1x80xi32, #tpu.memory_space<vmem>>
    %dma_wait3A_476 = tpu.memref_squeeze %dma_wait3A_475 : memref<1x80xi32, #tpu.memory_space<vmem>> -> memref<80xi32, #tpu.memory_space<vmem>>
    %dma_wait3A_477 = arith.constant 0 : i32
    %dma_wait3A_478 = arith.constant 0 : i32
    %dma_wait3A_479 = tpu.memref_slice %arg4[%dma_wait3A_477, %dma_wait3A_478] : memref<10240x128xf32, #tpu.memory_space<hbm>> -> memref<10240x128xf32, #tpu.memory_space<hbm>>
    tpu.wait_indirect_dma semaphore(%arg24 : memref<!tpu.dma_semaphore, #tpu.memory_space<semaphore_mem>>) src(%dma_wait3A_479 : memref<10240x128xf32, #tpu.memory_space<hbm>>) dst(%arg12 : memref<80x128xf32, #tpu.memory_space<vmem>>)
    %dma_start3A_480 = arith.constant 3 : i32
    %dma_start3A_481 = arith.constant 0 : i32
    %dma_start3A_482 = tpu.memref_slice %arg8[%dma_start3A_480, %dma_start3A_481] : memref<8x80xi32, #tpu.memory_space<vmem>> -> memref<1x80xi32, #tpu.memory_space<vmem>>
    %dma_start3A_483 = tpu.memref_squeeze %dma_start3A_482 : memref<1x80xi32, #tpu.memory_space<vmem>> -> memref<80xi32, #tpu.memory_space<vmem>>
    %dma_start3A_484 = arith.constant 0 : i32
    %dma_start3A_485 = arith.constant 0 : i32
    %dma_start3A_486 = tpu.memref_slice %arg29[%dma_start3A_484, %dma_start3A_485] : memref<10240x128xf32, #tpu.memory_space<vmem_shared>> -> memref<10240x128xf32, #tpu.memory_space<vmem_shared>>
    tpu.enqueue_indirect_dma source(%arg12 : memref<80x128xf32, #tpu.memory_space<vmem>>) target(%dma_start3A_486 : memref<10240x128xf32, #tpu.memory_space<vmem_shared>>) offsets(%dma_start3A_483 : memref<80xi32, #tpu.memory_space<vmem>>) semaphore(%arg28 : memref<!tpu.dma_semaphore, #tpu.memory_space<semaphore_mem>>) {add = true}
    %dma_wait3A_487 = arith.constant 0 : i32
    %dma_wait3A_488 = arith.constant 0 : i32
    %dma_wait3A_489 = tpu.memref_slice %arg8[%dma_wait3A_487, %dma_wait3A_488] : memref<8x80xi32, #tpu.memory_space<vmem>> -> memref<1x80xi32, #tpu.memory_space<vmem>>
    %dma_wait3A_490 = tpu.memref_squeeze %dma_wait3A_489 : memref<1x80xi32, #tpu.memory_space<vmem>> -> memref<80xi32, #tpu.memory_space<vmem>>
    %dma_wait3A_491 = arith.constant 0 : i32
    %dma_wait3A_492 = arith.constant 0 : i32
    %dma_wait3A_493 = tpu.memref_slice %arg29[%dma_wait3A_491, %dma_wait3A_492] : memref<10240x128xf32, #tpu.memory_space<vmem_shared>> -> memref<10240x128xf32, #tpu.memory_space<vmem_shared>>
    tpu.wait_indirect_dma semaphore(%arg27 : memref<!tpu.dma_semaphore, #tpu.memory_space<semaphore_mem>>) src(%arg11 : memref<80x128xf32, #tpu.memory_space<vmem>>) dst(%dma_wait3A_493 : memref<10240x128xf32, #tpu.memory_space<vmem_shared>>)
    %dma_wait3A_494 = arith.constant 0 : i32
    %dma_wait3A_495 = arith.constant 0 : i32
    %dma_wait3A_496 = tpu.memref_slice %arg7[%dma_wait3A_494, %dma_wait3A_495] : memref<8x80xi32, #tpu.memory_space<vmem>> -> memref<1x80xi32, #tpu.memory_space<vmem>>
    %dma_wait3A_497 = tpu.memref_squeeze %dma_wait3A_496 : memref<1x80xi32, #tpu.memory_space<vmem>> -> memref<80xi32, #tpu.memory_space<vmem>>
    %dma_wait3A_498 = arith.constant 0 : i32
    %dma_wait3A_499 = arith.constant 0 : i32
    %dma_wait3A_500 = tpu.memref_slice %arg4[%dma_wait3A_498, %dma_wait3A_499] : memref<10240x128xf32, #tpu.memory_space<hbm>> -> memref<10240x128xf32, #tpu.memory_space<hbm>>
    tpu.wait_indirect_dma semaphore(%arg21 : memref<!tpu.dma_semaphore, #tpu.memory_space<semaphore_mem>>) src(%dma_wait3A_500 : memref<10240x128xf32, #tpu.memory_space<hbm>>) dst(%arg9 : memref<80x128xf32, #tpu.memory_space<vmem>>)
    %dma_start3A_501 = arith.constant 4 : i32
    %dma_start3A_502 = arith.constant 0 : i32
    %dma_start3A_503 = tpu.memref_slice %arg8[%dma_start3A_501, %dma_start3A_502] : memref<8x80xi32, #tpu.memory_space<vmem>> -> memref<1x80xi32, #tpu.memory_space<vmem>>
    %dma_start3A_504 = tpu.memref_squeeze %dma_start3A_503 : memref<1x80xi32, #tpu.memory_space<vmem>> -> memref<80xi32, #tpu.memory_space<vmem>>
    %dma_start3A_505 = arith.constant 0 : i32
    %dma_start3A_506 = arith.constant 0 : i32
    %dma_start3A_507 = tpu.memref_slice %arg29[%dma_start3A_505, %dma_start3A_506] : memref<10240x128xf32, #tpu.memory_space<vmem_shared>> -> memref<10240x128xf32, #tpu.memory_space<vmem_shared>>
    tpu.enqueue_indirect_dma source(%arg9 : memref<80x128xf32, #tpu.memory_space<vmem>>) target(%dma_start3A_507 : memref<10240x128xf32, #tpu.memory_space<vmem_shared>>) offsets(%dma_start3A_504 : memref<80xi32, #tpu.memory_space<vmem>>) semaphore(%arg25 : memref<!tpu.dma_semaphore, #tpu.memory_space<semaphore_mem>>) {add = true}
    %dma_wait3A_508 = arith.constant 0 : i32
    %dma_wait3A_509 = arith.constant 0 : i32
    %dma_wait3A_510 = tpu.memref_slice %arg8[%dma_wait3A_508, %dma_wait3A_509] : memref<8x80xi32, #tpu.memory_space<vmem>> -> memref<1x80xi32, #tpu.memory_space<vmem>>
    %dma_wait3A_511 = tpu.memref_squeeze %dma_wait3A_510 : memref<1x80xi32, #tpu.memory_space<vmem>> -> memref<80xi32, #tpu.memory_space<vmem>>
    %dma_wait3A_512 = arith.constant 0 : i32
    %dma_wait3A_513 = arith.constant 0 : i32
    %dma_wait3A_514 = tpu.memref_slice %arg29[%dma_wait3A_512, %dma_wait3A_513] : memref<10240x128xf32, #tpu.memory_space<vmem_shared>> -> memref<10240x128xf32, #tpu.memory_space<vmem_shared>>
    tpu.wait_indirect_dma semaphore(%arg28 : memref<!tpu.dma_semaphore, #tpu.memory_space<semaphore_mem>>) src(%arg12 : memref<80x128xf32, #tpu.memory_space<vmem>>) dst(%dma_wait3A_514 : memref<10240x128xf32, #tpu.memory_space<vmem_shared>>)
    %dma_wait3A_515 = arith.constant 0 : i32
    %dma_wait3A_516 = arith.constant 0 : i32
    %dma_wait3A_517 = tpu.memref_slice %arg8[%dma_wait3A_515, %dma_wait3A_516] : memref<8x80xi32, #tpu.memory_space<vmem>> -> memref<1x80xi32, #tpu.memory_space<vmem>>
    %dma_wait3A_518 = tpu.memref_squeeze %dma_wait3A_517 : memref<1x80xi32, #tpu.memory_space<vmem>> -> memref<80xi32, #tpu.memory_space<vmem>>
    %dma_wait3A_519 = arith.constant 0 : i32
    %dma_wait3A_520 = arith.constant 0 : i32
    %dma_wait3A_521 = tpu.memref_slice %arg29[%dma_wait3A_519, %dma_wait3A_520] : memref<10240x128xf32, #tpu.memory_space<vmem_shared>> -> memref<10240x128xf32, #tpu.memory_space<vmem_shared>>
    tpu.wait_indirect_dma semaphore(%arg25 : memref<!tpu.dma_semaphore, #tpu.memory_space<semaphore_mem>>) src(%arg9 : memref<80x128xf32, #tpu.memory_space<vmem>>) dst(%dma_wait3A_521 : memref<10240x128xf32, #tpu.memory_space<vmem_shared>>)
    %barrier3A_522 = arith.constant 0 : index
    tpu.barrier barrier_id(%barrier3A_522)
    "tpu.region"() ({
      %run_scoped3A = tpu.sem_alloc : memref<!tpu.dma_semaphore, #tpu.memory_space<semaphore_mem>>
      %dma_start3A_523 = arith.constant 0 : i32
      %dma_start3A_524 = tpu.memref_slice %arg6[%arg0, %mul3A_2, %dma_start3A_523] : memref<2x10240x128xf32, #tpu.memory_space<hbm>> -> memref<1x640x128xf32, #tpu.memory_space<hbm>>
      %dma_start3A_525 = tpu.memref_squeeze %dma_start3A_524 : memref<1x640x128xf32, #tpu.memory_space<hbm>> -> memref<640x128xf32, #tpu.memory_space<hbm>>
      %dma_start3A_526 = arith.constant 0 : i32
      %dma_start3A_527 = tpu.memref_slice %arg29[%mul3A_2, %dma_start3A_526] : memref<10240x128xf32, #tpu.memory_space<vmem_shared>> -> memref<640x128xf32, #tpu.memory_space<vmem_shared>>
      tpu.enqueue_dma source(%dma_start3A_527 : memref<640x128xf32, #tpu.memory_space<vmem_shared>>) target(%dma_start3A_525 : memref<640x128xf32, #tpu.memory_space<hbm>>) target_semaphore(%run_scoped3A : memref<!tpu.dma_semaphore, #tpu.memory_space<semaphore_mem>>)
      %dma_wait3A_528 = arith.constant 0 : i32
      %dma_wait3A_529 = tpu.memref_slice %arg6[%arg0, %mul3A_2, %dma_wait3A_528] : memref<2x10240x128xf32, #tpu.memory_space<hbm>> -> memref<1x640x128xf32, #tpu.memory_space<hbm>>
      %dma_wait3A_530 = tpu.memref_squeeze %dma_wait3A_529 : memref<1x640x128xf32, #tpu.memory_space<hbm>> -> memref<640x128xf32, #tpu.memory_space<hbm>>
      %dma_wait3A_531 = arith.constant 0 : i32
      %dma_wait3A_532 = tpu.memref_slice %arg29[%mul3A_2, %dma_wait3A_531] : memref<10240x128xf32, #tpu.memory_space<vmem_shared>> -> memref<640x128xf32, #tpu.memory_space<vmem_shared>>
      tpu.wait_dma2 semaphore(%run_scoped3A : memref<!tpu.dma_semaphore, #tpu.memory_space<semaphore_mem>>) src(%dma_wait3A_532 : memref<640x128xf32, #tpu.memory_space<vmem_shared>>) dst(%dma_wait3A_530 : memref<640x128xf32, #tpu.memory_space<hbm>>)
      tpu.yield
    }) : () -> ()
    return
  }
}

module attributes {stable_mosaic.version = 14 : i64} {
  func.func @_tca_body(%arg0: i32, %arg1: memref<1280x128xf32, #tpu.memory_space<vmem>>, %arg2: memref<128x128xf32, #tpu.memory_space<vmem>>, %arg3: memref<2x1280xf32, #tpu.memory_space<vmem>>, %arg4: memref<1280x128xf32, #tpu.memory_space<vmem>>) attributes {dimension_semantics = [#tpu.dimension_semantics<arbitrary>], iteration_bounds = array<i64: 8>, scalar_prefetch = 0 : i64, scratch_operands = 0 : i64, tpu.core_type = #tpu.core_type<tc>, window_params = [{transform_indices = @transform_0, window_bounds = array<i64: 1280, 128>}, {pipeline_mode = #tpu.pipeline_mode<synchronous>, transform_indices = @transform_1, window_bounds = array<i64: 128, 128>}, {transform_indices = @transform_2, window_bounds = array<i64: 2, 1280>}, {transform_indices = @transform_3, window_bounds = array<i64: 1280, 128>}]} {
    %get3A = arith.constant 0 : index
    %get3A_0 = arith.constant 0 : index
    %get3A_1 = vector.load %arg1[%get3A, %get3A_0] : memref<1280x128xf32, #tpu.memory_space<vmem>>, vector<1280x128xf32>
    %get3A_2 = arith.constant 0 : index
    %get3A_3 = arith.constant 0 : index
    %get3A_4 = vector.load %arg2[%get3A_2, %get3A_3] : memref<128x128xf32, #tpu.memory_space<vmem>>, vector<128x128xf32>
    %dot_general3A = arith.constant dense<0.000000e+00> : vector<1280x128xf32>
    %dot_general3A_5 = tpu.matmul %get3A_1, %get3A_4, %dot_general3A {dimension_numbers = #tpu.dot_dimension_numbers<[1], [0], [0], [1], [0, 0, 1, 1], [], []>, transpose_lhs_hint = false} : vector<1280x128xf32>, vector<128x128xf32>, vector<1280x128xf32> -> vector<1280x128xf32>
    %get3A_6 = arith.constant 0 : index
    %get3A_7 = arith.constant 0 : index
    %get3A_8 = vector.load %arg3[%get3A_6, %get3A_7] : memref<2x1280xf32, #tpu.memory_space<vmem>>, vector<1x1280xf32>
    %get3A_9 = vector.shape_cast %get3A_8 : vector<1x1280xf32> to vector<1280xf32>
    %get3A_10 = arith.constant 1 : index
    %get3A_11 = arith.constant 0 : index
    %get3A_12 = vector.load %arg3[%get3A_10, %get3A_11] : memref<2x1280xf32, #tpu.memory_space<vmem>>, vector<1x1280xf32>
    %get3A_13 = vector.shape_cast %get3A_12 : vector<1x1280xf32> to vector<1280xf32>
    %add3A = arith.addf %get3A_9, %get3A_13 : vector<1280xf32>
    %add3A_14 = arith.constant 1.000000e+00 : f32
    %add3A_15 = vector.broadcast %add3A_14 : f32 to vector<1280xf32>
    %add3A_16 = arith.addf %add3A, %add3A_15 : vector<1280xf32>
    %rsqrt3A = math.rsqrt %add3A_16 : vector<1280xf32>
    %broadcast_in_dim3A = vector.shape_cast %rsqrt3A : vector<1280xf32> to vector<1280x1xf32>
    %mul3A = vector.broadcast %broadcast_in_dim3A : vector<1280x1xf32> to vector<1280x128xf32>
    %mul3A_17 = arith.mulf %dot_general3A_5, %mul3A : vector<1280x128xf32>
    %swap3A = arith.constant 0 : index
    %swap3A_18 = arith.constant 0 : index
    %swap3A_19 = vector.load %arg4[%swap3A, %swap3A_18] : memref<1280x128xf32, #tpu.memory_space<vmem>>, vector<1280x128xf32>
    tpu.vector_store %arg4[%swap3A, %swap3A_18], %mul3A_17 {strides = array<i32>} : memref<1280x128xf32, #tpu.memory_space<vmem>>, vector<1280x128xf32>,
    return
  }
  func.func @transform_0(%arg0: i32) -> (i32, i32) {
    %c0_i32 = arith.constant 0 : i32
    %c0_i32_0 = arith.constant 0 : i32
    return %arg0, %c0_i32 : i32, i32
  }
  func.func @transform_1(%arg0: i32) -> (i32, i32) {
    %c0_i32 = arith.constant 0 : i32
    %c0_i32_0 = arith.constant 0 : i32
    %c0_i32_1 = arith.constant 0 : i32
    return %c0_i32, %c0_i32_0 : i32, i32
  }
  func.func @transform_2(%arg0: i32) -> (i32, i32) {
    %c0_i32 = arith.constant 0 : i32
    %c0_i32_0 = arith.constant 0 : i32
    return %c0_i32, %arg0 : i32, i32
  }
  func.func @transform_3(%arg0: i32) -> (i32, i32) {
    %c0_i32 = arith.constant 0 : i32
    %c0_i32_0 = arith.constant 0 : i32
    return %arg0, %c0_i32 : i32, i32
  }
}

module attributes {stable_mosaic.version = 14 : i64} {
  func.func @_tcb_body(%arg0: i32, %arg1: memref<2x1280x128xf32, #tpu.memory_space<vmem>>, %arg2: memref<2x1280xf32, #tpu.memory_space<vmem>>, %arg3: memref<1x128xf32, #tpu.memory_space<vmem>>, %arg4: memref<1280x128xf32, #tpu.memory_space<vmem>>) attributes {dimension_semantics = [#tpu.dimension_semantics<arbitrary>], iteration_bounds = array<i64: 8>, scalar_prefetch = 0 : i64, scratch_operands = 0 : i64, tpu.core_type = #tpu.core_type<tc>, window_params = [{transform_indices = @transform_0, window_bounds = array<i64: 2, 1280, 128>}, {transform_indices = @transform_1, window_bounds = array<i64: 2, 1280>}, {pipeline_mode = #tpu.pipeline_mode<synchronous>, transform_indices = @transform_2, window_bounds = array<i64: 1, 128>}, {transform_indices = @transform_3, window_bounds = array<i64: 1280, 128>}]} {
    %get3A = arith.constant 0 : index
    %get3A_0 = arith.constant 0 : index
    %get3A_1 = vector.load %arg2[%get3A, %get3A_0] : memref<2x1280xf32, #tpu.memory_space<vmem>>, vector<1x1280xf32>
    %get3A_2 = vector.shape_cast %get3A_1 : vector<1x1280xf32> to vector<1280xf32>
    %get3A_3 = arith.constant 1 : index
    %get3A_4 = arith.constant 0 : index
    %get3A_5 = vector.load %arg2[%get3A_3, %get3A_4] : memref<2x1280xf32, #tpu.memory_space<vmem>>, vector<1x1280xf32>
    %get3A_6 = vector.shape_cast %get3A_5 : vector<1x1280xf32> to vector<1280xf32>
    %add3A = arith.addf %get3A_2, %get3A_6 : vector<1280xf32>
    %add3A_7 = arith.constant 1.000000e+00 : f32
    %add3A_8 = vector.broadcast %add3A_7 : f32 to vector<1280xf32>
    %add3A_9 = arith.addf %add3A, %add3A_8 : vector<1280xf32>
    %get3A_10 = arith.constant 0 : index
    %get3A_11 = arith.constant 0 : index
    %get3A_12 = arith.constant 0 : index
    %get3A_13 = vector.load %arg1[%get3A_10, %get3A_11, %get3A_12] : memref<2x1280x128xf32, #tpu.memory_space<vmem>>, vector<1x1280x128xf32>
    %get3A_14 = vector.shape_cast %get3A_13 : vector<1x1280x128xf32> to vector<1280x128xf32>
    %get3A_15 = arith.constant 1 : index
    %get3A_16 = arith.constant 0 : index
    %get3A_17 = arith.constant 0 : index
    %get3A_18 = vector.load %arg1[%get3A_15, %get3A_16, %get3A_17] : memref<2x1280x128xf32, #tpu.memory_space<vmem>>, vector<1x1280x128xf32>
    %get3A_19 = vector.shape_cast %get3A_18 : vector<1x1280x128xf32> to vector<1280x128xf32>
    %add3A_20 = arith.addf %get3A_14, %get3A_19 : vector<1280x128xf32>
    %rsqrt3A = math.rsqrt %add3A_9 : vector<1280xf32>
    %broadcast_in_dim3A = vector.shape_cast %rsqrt3A : vector<1280xf32> to vector<1280x1xf32>
    %mul3A = vector.broadcast %broadcast_in_dim3A : vector<1280x1xf32> to vector<1280x128xf32>
    %mul3A_21 = arith.mulf %add3A_20, %mul3A : vector<1280x128xf32>
    %get3A_22 = arith.constant 0 : index
    %get3A_23 = arith.constant 0 : index
    %get3A_24 = vector.load %arg3[%get3A_22, %get3A_23] : memref<1x128xf32, #tpu.memory_space<vmem>>, vector<1x128xf32>
    %add3A_25 = vector.broadcast %get3A_24 : vector<1x128xf32> to vector<1280x128xf32>
    %add3A_26 = arith.addf %mul3A_21, %add3A_25 : vector<1280x128xf32>
    %swap3A = arith.constant 0 : index
    %swap3A_27 = arith.constant 0 : index
    %swap3A_28 = vector.load %arg4[%swap3A, %swap3A_27] : memref<1280x128xf32, #tpu.memory_space<vmem>>, vector<1280x128xf32>
    tpu.vector_store %arg4[%swap3A, %swap3A_27], %add3A_26 {strides = array<i32>} : memref<1280x128xf32, #tpu.memory_space<vmem>>, vector<1280x128xf32>,
    return
  }
  func.func @transform_0(%arg0: i32) -> (i32, i32, i32) {
    %c0_i32 = arith.constant 0 : i32
    %c0_i32_0 = arith.constant 0 : i32
    %c0_i32_1 = arith.constant 0 : i32
    return %c0_i32, %arg0, %c0_i32_0 : i32, i32, i32
  }
  func.func @transform_1(%arg0: i32) -> (i32, i32) {
    %c0_i32 = arith.constant 0 : i32
    %c0_i32_0 = arith.constant 0 : i32
    return %c0_i32, %arg0 : i32, i32
  }
  func.func @transform_2(%arg0: i32) -> (i32, i32) {
    %c0_i32 = arith.constant 0 : i32
    %c0_i32_0 = arith.constant 0 : i32
    %c0_i32_1 = arith.constant 0 : i32
    return %c0_i32, %c0_i32_0 : i32, i32
  }
  func.func @transform_3(%arg0: i32) -> (i32, i32) {
    %c0_i32 = arith.constant 0 : i32
    %c0_i32_0 = arith.constant 0 : i32
    return %arg0, %c0_i32 : i32, i32
  }
}

</mosaic_0001>

<sc_bundles>
// kernel: kernel.6.cloned.1.call-start
scs
__scs_entry_jumppad:
0x0: {  	(pc) =	sbr.rel $0x88, $3  }
0x1: {  	(tag) =	ssettag $0x0;
	lr =	simm.s32 $0x1  }
0x2: {  	[smem:$0x3F9D] =	sst lr;
	_ =	strace $0xD0000000  }
0x3: {  	_ = 	snop  }
0x4: {  	_ = 	snop  }
0x5: {  	_ = 	snop  }
0x6: {  	_ = 	snop  }
0x7: {  	_ = 	snop  }
__scs_overlays_trampoline_lowered:
0x8: {  	[smem:$0x3FAC] =	sst s0  }
0x9: {  	[smem:$0x3FAD] =	sst s1  }
0xa: {  	[smem:$0x3FAE] =	sst s2  }
0xb: {  	[smem:$0x3FAF] =	sst s3  }
0xc: {  	[smem:$0x3FB0] =	sst s4  }
0xd: {  	[smem:$0x3FB1] =	sst s5  }
0xe: {  	[smem:$0x3FB2] =	sst s6  }
0xf: {  	[smem:$0x3FB3] =	sst s7  }
0x10: {  	[smem:$0x3FB4] =	sst s8  }
0x11: {  	[smem:$0x3FB5] =	sst s9;
	s0 =	simm.s32 @!p0 $0x0  }
0x12: {  	s1 =	sld [smem:$0x3F9B];
	s0 =	simm.s32 @p0 $0x1  }
0x13: {  	[smem:$0x3FB6] =	sst s0;
	s0 =	simm.s32 @!p1 $0x0  }
0x14: {  	s2 =	sld [smem:$0x3F9A];
	s0 =	simm.s32 @p1 $0x1  }
0x15: {  	[smem:$0x3FB7] =	sst s0;
	s0 =	simm.s32 @!p2 $0x0  }
0x16: {  	s3 =	sld [smem:$0x3FDB];
	s0 =	simm.s32 @p2 $0x1  }
0x17: {  	s4 =	simm.s32 $0x1BF5;
	[smem:$0x3FB9] =	sst s0  }
0x18: {  	s0 =	sld [smem:$0x3F9C];
	_ =	swait.ge [sflag:s4], $0x0  }
0x19: {  	s7 =	sld [smem:$0x3F9D]  }
0x1a: {  	s8 =	sadd.s32 $0xFFFFE003, lr  }
0x1b: {  	s9 =	sadd.s32 $0xFFFFFEF7, lr;
	s5 =	simm.s32 $0xFFFFFFFF;
	p2 =	slt.u32 s8, $0xFFFFF086  }
0x1c: {  	p1 =	slt.u32 s9, $0xF7A;
	s5 =	simm.s32 @!p2 $0x0  }
0x1d: {  	s5 =	simm.s32 @p1 $0x1;
	p0 =	seq.s32 s7, s2  }
0x1e: {  	s7 =	smul.u32 @!p0 $0xF7A, s2;
	p2 =	seq.s32 @!p0 s5, $0x0  }
0x1f: {  	s9 =	smul.u32 $0xF7A, s1;
	s8 =	simm.s32 @!p0 $0x1BF5;
	p2 =	por !p2, p0  }
0x20: {  	[sflag:s8] =	ssyncset.s32 @!p0 $0xFFFFF086;
	s6 =	sadd.s32 @!p0 s3, s7;
	s7 =	simm.s32 @!p0 $0x108  }
0x21: {  	s3 =	sadd.s32 s3, s9;
	s6 =	sadd.s32 @!p0 $0x88, s6;
	s7 =	simm.s32 @p2 $0x1082  }
0x22: {  	[simem:s7], [sflag:s8] =	dma.local @!p0 [hbm:s6], $0xF7A  }
0x23: {  	s9 =	sor.u32 $0xD0000000, s2;
	s6 =	simm.s32 $0x108;
	_ =	swait.ge @!p0 [sflag:s8], $0x0  }
0x24: {  	s3 =	sadd.s32 $0x88, s3;
	s6 =	simm.s32 @!p1 $0x1082;
	[sflag:s4] =	ssyncset.s32 $0xFFFFF086  }
0x25: {  	[simem:s6], [sflag:s4] =	dma.local [hbm:s3], $0xF7A  }
0x26: {  	[smem:$0x3F9D] =	sst s1;
	(tag) =	ssettag s2;
	_ =	strace s9  }
0x27: {  	s1 =	sld [smem:$0x3FAD]  }
0x28: {  	s2 =	sld [smem:$0x3FAE]  }
0x29: {  	s4 =	sld [smem:$0x3FB0]  }
0x2a: {  	p0 =	seq.s32 s5, $0x0;
	s5 =	sld [smem:$0x3FB1]  }
0x2b: {  	s6 =	sld [smem:$0x3FB2]  }
0x2c: {  	s7 =	sld [smem:$0x3FB3]  }
0x2d: {  	s3 =	simm.s32 $0x108;
	s8 =	sld [smem:$0x3FB4]  }
0x2e: {  	s3 =	simm.s32 @!p0 $0x1082;
	s9 =	sld [smem:$0x3FB5]  }
0x2f: {  	lr =	sadd.s32 s0, s3;
	s0 =	sld [smem:$0x3FAC]  }
0x30: {  	s3 =	sld [smem:$0x3FAF]  }
0x31: {  	[smem:$0x3FB8] =	sst s10  }
0x32: {  	s10 =	sld [smem:$0x3FB6];
	_ =	sdelay $0x3  }
0x33: {  	p0 =	seq.s32 s10, $0x1;
	s10 =	sld [smem:$0x3FB8];
	_ =	sdelay $0x3  }
0x34: {  	[smem:$0x3FB8] =	sst s10  }
0x35: {  	s10 =	sld [smem:$0x3FB7];
	_ =	sdelay $0x3  }
0x36: {  	p1 =	seq.s32 s10, $0x1;
	s10 =	sld [smem:$0x3FB8];
	_ =	sdelay $0x3  }
0x37: {  	[smem:$0x3FB8] =	sst s10  }
0x38: {  	s10 =	sld [smem:$0x3FB9]  }
0x39: {  	_ = 	snop;
	(pc) =	sbr.ind lr, $3  }
0x3a: {  	_ = 	snop  }
0x3b: {  	_ = 	snop  }
0x3c: {  	p2 =	seq.s32 s10, $0x1;
	s10 =	sld [smem:$0x3FB8]  }
0x3d: {  	_ =	shalt  }
0x3e: {  	_ =	shalt  }
0x3f: {  	_ =	shalt  }
0x40: {  	_ =	shalt  }
0x41: {  	_ =	shalt  }
0x42: {  	_ =	shalt  }
0x43: {  	_ =	shalt  }
0x44: {  	_ =	shalt  }
0x45: {  	_ =	shalt  }
0x46: {  	_ =	shalt  }
0x47: {  	_ =	shalt  }
0x48: {  	_ =	shalt  }
0x49: {  	_ =	shalt  }
0x4a: {  	_ =	shalt  }
0x4b: {  	_ =	shalt  }
0x4c: {  	_ =	shalt  }
0x4d: {  	_ =	shalt  }
0x4e: {  	_ =	shalt  }
0x4f: {  	_ =	shalt  }
0x50: {  	_ =	shalt  }
0x51: {  	_ =	shalt  }
0x52: {  	_ =	shalt  }
0x53: {  	_ =	shalt  }
0x54: {  	_ =	shalt  }
0x55: {  	_ =	shalt  }
0x56: {  	_ =	shalt  }
0x57: {  	_ =	shalt  }
0x58: {  	_ =	shalt  }
0x59: {  	_ =	shalt  }
0x5a: {  	_ =	shalt  }
0x5b: {  	_ =	shalt  }
0x5c: {  	_ =	shalt  }
0x5d: {  	_ =	shalt  }
0x5e: {  	_ =	shalt  }
0x5f: {  	_ =	shalt  }
0x60: {  	_ =	shalt  }
0x61: {  	_ =	shalt  }
0x62: {  	_ =	shalt  }
0x63: {  	_ =	shalt  }
0x64: {  	_ =	shalt  }
0x65: {  	_ =	shalt  }
0x66: {  	_ =	shalt  }
0x67: {  	_ =	shalt  }
0x68: {  	_ =	shalt  }
0x69: {  	_ =	shalt  }
0x6a: {  	_ =	shalt  }
0x6b: {  	_ =	shalt  }
0x6c: {  	_ =	shalt  }
0x6d: {  	_ =	shalt  }
0x6e: {  	_ =	shalt  }
0x6f: {  	_ =	shalt  }
0x70: {  	_ =	shalt  }
0x71: {  	_ =	shalt  }
0x72: {  	_ =	shalt  }
0x73: {  	_ =	shalt  }
0x74: {  	_ =	shalt  }
0x75: {  	_ =	shalt  }
0x76: {  	_ =	shalt  }
0x77: {  	_ =	shalt  }
0x78: {  	_ =	shalt  }
0x79: {  	_ =	shalt  }
0x7a: {  	_ =	shalt  }
0x7b: {  	_ =	shalt  }
0x7c: {  	_ =	shalt  }
0x7d: {  	_ =	shalt  }
0x7e: {  	_ =	shalt  }
0x7f: {  	_ =	shalt  }
0x80: {  	_ =	shalt  }
0x81: {  	_ =	shalt  }
0x82: {  	_ =	shalt  }
0x83: {  	_ =	shalt  }
0x84: {  	_ =	shalt  }
0x85: {  	_ =	shalt  }
0x86: {  	_ =	shalt  }
0x87: {  	_ =	shalt  }
.Lfunc_end0:
.L_simem_size_0:
called_computation_lowered:
.L_overlay_start_0:
0x88: {  	s2 =	sld [smem:$0x3FD9]  }
0x89: {  	s3 =	sld [smem:$0x3FFE];
	_ =	sdelay $0x1  }
0x8a: {  	s1 =	srdreg.scid  }
0x8b: {  	s0 =	sand.u32 $0x1, s1  }
0x8c: {  	s16 =	sshll.u32 s0, $0xA;
	s2 =	sadd.s32 s3, s2  }
0x8d: {  	s2 =	sadd.s32 s2, s16  }
0x8e: {  	[smem:$0x3FC4] =	sst s2  }
0x8f: {  	_ = 	snop  }
0x90: {  	(tm) =	ssettm $0x1  }
0x91: {  	s17 =	sld [smem:$0x3FFB];
	_ =	sdelay $0x3  }
0x92: {  	_ =	strace s17  }
0x93: {  	s2 =	sld [smem:$0x3FFC];
	_ =	sdelay $0x3  }
0x94: {  	_ =	strace s2  }
0x95: {  	s2 =	sld [smem:$0x3FFD];
	_ =	sdelay $0x3  }
0x96: {  	_ =	strace s2  }
0x97: {  	_ =	strace $0x8FFFFFFF  }
0x98: {  	s18 =	sld [smem:$0x3FDB];
	_ =	sdelay $0x1  }
0x99: {  	s19 =	simm.s32 $_scs_section_size  }
0x9a: {  	s4 =	simm.s32 $_size__tile_overlayer_lowered;
	s5 =	simm.s32 $_tile_overlayer_lowered  }
0x9b: {  	s22 =	simm.s32 $0x1BFF;
	s21 =	sshll.u32 s5, $0x1;
	s2 =	sadd.s32 s19, s18  }
0x9c: {  	s6 =	simm.s32 $0x0;
	s20 =	sshll.u32 s4, $0x1;
	s4 =	sadd.s32 s21, s2  }
0x9d: {  	[timem:s6], [sflag:s22] =	dma.local [hbm:s4], s20  }
0x9e: {  	_ =	swait.ge [sflag:s22], s20  }
0x9f: {  	s3 =	ssub.s32 $0x0, s20;
	[sflag:s22] =	ssyncset.done $0x0  }
0xa0: {  	[sflag:s22] =	ssyncadd.s32 s3;
	_ =	sdelay $0x1  }
0xa1: {  	s23 =	simm.s32 $0x1B8B  }
0xa2: {  	_ =	swait.ge [sflag:s23], $0x1  }
0xa3: {  	[sflag:s23] =	ssyncset.done $0x0  }
0xa4: {  	s25 =	simm.s32 $0x1B8E;
	s24 =	sld [smem:$0x3FFE];
	[sflag:s23] =	ssyncadd.s32 $0xFFFFFFFF  }
0xa5: {  	s26 =	simm.s32 $execute0_lowered;
	[smem:$0x3FD2] =	sst s25  }
0xa6: {  	s4 =	sshll.u32 s26, $0x1;
	_ =	strace $0x80000046;
	[dreg:$0x1] =	wrdreg $0xFFFFFFFF  }
0xa7: {  	s28 =	simm.s32 $_size_execute0_lowered;
	s2 =	sadd.s32 s2, s4;
	[dreg:$0x0] =	wrdreg $0x0  }
0xa8: {  	s4 =	sshll.u32 s28, $0x1;
	[dreg:$0x2] =	wrdreg s2  }
0xa9: {  	[dreg:$0x3] =	wrdreg s4  }
0xaa: {  	[dreg:$0x4] =	wrdreg $0xC0  }
0xab: {  	_ =	task [dreg:s6], $0x5FFFF  }
0xac: {  	[dreg:$0x1] =	wrdreg $0xFFFFFFFF  }
0xad: {  	[dreg:$0x0] =	wrdreg $0x60  }
0xae: {  	[dreg:$0x2] =	wrdreg s24  }
0xaf: {  	[dreg:$0x3] =	wrdreg $0x43000  }
0xb0: {  	[dreg:$0x4] =	wrdreg $0x9  }
0xb1: {  	_ =	task.clear_ibuf [dreg:s6], $0x5FFFF;
	_ =	strace $0x90000046  }
0xb2: {  	s29 =	simm.s32 $0x9;
	_ =	strace $0x80000048  }
0xb3: {  	_ =	swait.ge [sflag:s29], $0x1  }
0xb4: {  	[sflag:s29] =	ssyncadd.s32 $0xFFFFFFFF  }
0xb5: {  	_ =	strace $0x90000048  }
0xb6: {  	_ =	sfence  }
0xb7: {  	s30 =	sld [smem:$0x0];
	_ =	sdelay $0x2  }
0xb8: {  	s31 =	sshll.u32 s1, $0xD;
	s1 =	sshrl.u32 s1, $0x2  }
0xb9: {  	s3 =	sand.u32 $0x4000, s31;
	s1 =	sadd.s32 s1, s30  }
0xba: {  	s0 =	sor.u32 s3, s0;
	s1 =	sshll.u32 s1, $0x11  }
0xbb: {  	s0 =	sor.u32 s1, s0  }
0xbc: {  	s0 =	sadd.s32 $0x8F2B, s0  }
0xbd: {  	[sflag:s0] =	ssyncadd.remote.s32 $0x1  }
0xbe: {  	_ =	sfence.sel $0xFFFF  }
0xbf: {  	[dreg:$0x0] =	wrdreg $0xFFFFFFFF;
	(pc) =	sbr.abs _section_cstart, $3  }
0xc0: {  	[dreg:$0x1] =	wrdreg $0xFFFFFFFF  }
0xc1: {  	_ =	task.clear_ibuf [dreg:s6], $0x2FFFF;
	_ =	strace $0x9FFFFFFF  }
0xc2: {  	(tm) =	ssettm $0x7FFFFFFF  }
0xc3: {  	_ =	shalt  }
tec
execute0_lowered:
.L_overlay_start_1:
0x0: {  	(tag) =	ssettag $0x1  }
0x1: {  	s4 =	rddreg [dreg:$0x0]  }
0x2: {  	s2 =	rddreg [dreg:$0x1]  }
0x3: {  	s0 =	rddreg [dreg:$0x2]  }
0x4: {  	s1 =	stileid.u32;
	s5 =	srdreg.scid  }
0x5: {  	s3 =	simm.s32 $0x0;
	s10 =	simm.s32 $0x50;
	s11 =	simm.s32 $0x4000  }
0x6: {  	s12 =	simm.s32 $0x1;
	s15 =	simm.s32 $0x20;
	s16 =	simm.s32 $0x10  }
0x7: {  	s17 =	simm.s32 $0x0;
	s5 =	sand.u32 $0x1, s5;
	s6 =	smul.u32 $0x500, s1  }
0x8: {  	[smem:$0x7FF] =	sst s3;
	s7 =	sshll.u32 s1, $0xB;
	s9 =	smul.u32 $0xA00, s1  }
0x9: {  	s13 =	sshll.u32 s1, $0x6;
	s8 =	sshll.u32 s5, $0x7;
	_ =	strace $0x80000047  }
0xa: {  	s7 =	sadd.s32 s7, s4;
	s28 =	ssub.s32 $0x2, s5;
	s5 =	sshll.u32 s5, $0xF  }
0xb: {  	s13 =	sor.u32 $0x1C02, s13;
	s6 =	sor.u32 s8, s6;
	s29 =	sshrl.u32 s28, $0x1  }
0xc: {  	s30 =	sadd.s32 s5, s7;
	s31 =	sshrl.u32 s9, $0x2;
	s9 =	simm.s32 $0x4080  }
0xd: {  	s6 =	sshrl.u32 s6, $0x3;
	s8 =	ssub.s32 s28, s29;
	s5 =	sadd.s32 s31, s2  }
0xe: {  	s6 =	sadd.s32 s6, s4;
	s4 =	sadd.s32 $0x1200, s30;
	s7 =	smax.u32 s8, $0x1  }
0xf: {  	v0 =	vimm.f32 $1.000000000e+00;
	v1 =	vimm.f32 $0.0e+00;
	s8 =	simm.s32 $0x2;
	s14 =	sshrl.u32 s5, $0x3;
	s6 =	sadd.s32 $0x11200, s6  }
.LBB2_1:
0x10: {  	[tilespmem:$0x4000] =	vst v0  }
0x11: {  	[tilespmem:$0x4010] =	vst v0  }
0x12: {  	[tilespmem:$0x4020] =	vst v0  }
0x13: {  	[tilespmem:$0x4030] =	vst v0  }
0x14: {  	[tilespmem:$0x4040] =	vst v0  }
0x15: {  	[tilespmem:$0x4080] =	vst v1  }
0x16: {  	[tilespmem:$0x4090] =	vst v1  }
0x17: {  	[tilespmem:$0x40A0] =	vst v1  }
0x18: {  	[tilespmem:$0x40B0] =	vst v1  }
0x19: {  	[tilespmem:$0x40C0] =	vst v1  }
0x1a: {  	[tilespmem:$0x40D0] =	vst v1  }
0x1b: {  	[tilespmem:$0x40E0] =	vst v1  }
0x1c: {  	[tilespmem:$0x40F0] =	vst v1  }
0x1d: {  	[tilespmem:$0x4100] =	vst v1  }
0x1e: {  	[tilespmem:$0x4110] =	vst v1  }
0x1f: {  	[tilespmem:$0x4120] =	vst v1  }
0x20: {  	[tilespmem:$0x4130] =	vst v1  }
0x21: {  	[tilespmem:$0x4140] =	vst v1  }
0x22: {  	[tilespmem:$0x4150] =	vst v1  }
0x23: {  	[tilespmem:$0x4160] =	vst v1  }
0x24: {  	[tilespmem:$0x4170] =	vst v1  }
0x25: {  	[tilespmem:$0x4180] =	vst v1  }
0x26: {  	[tilespmem:$0x4190] =	vst v1  }
0x27: {  	[tilespmem:$0x41A0] =	vst v1  }
0x28: {  	[tilespmem:$0x41B0] =	vst v1  }
0x29: {  	[tilespmem:$0x41C0] =	vst v1  }
0x2a: {  	[tilespmem:$0x41D0] =	vst v1  }
0x2b: {  	[tilespmem:$0x41E0] =	vst v1  }
0x2c: {  	[tilespmem:$0x41F0] =	vst v1  }
0x2d: {  	[tilespmem:$0x4200] =	vst v1  }
0x2e: {  	[tilespmem:$0x4210] =	vst v1  }
0x2f: {  	[tilespmem:$0x4220] =	vst v1  }
0x30: {  	[tilespmem:$0x4230] =	vst v1  }
0x31: {  	[tilespmem:$0x4240] =	vst v1  }
0x32: {  	[tilespmem:$0x4250] =	vst v1  }
0x33: {  	[tilespmem:$0x4260] =	vst v1  }
0x34: {  	[tilespmem:$0x4270] =	vst v1  }
0x35: {  	[tilespmem:$0x4280] =	vst v1  }
0x36: {  	[tilespmem:$0x4290] =	vst v1  }
0x37: {  	[tilespmem:$0x42A0] =	vst v1  }
0x38: {  	[tilespmem:$0x42B0] =	vst v1  }
0x39: {  	[tilespmem:$0x42C0] =	vst v1  }
0x3a: {  	[tilespmem:$0x42D0] =	vst v1  }
0x3b: {  	[tilespmem:$0x42E0] =	vst v1  }
0x3c: {  	[tilespmem:$0x42F0] =	vst v1  }
0x3d: {  	[tilespmem:s3], [sflag:$0x2] =	stream.linear.gather [hbm4b:s4+s3], $0x3E80, $0x38;
	[tilespmem:$0x4580] =	vst v63  }
0x3e: {  	_ =	swait.ge [sflag:s8], $0x3E80  }
0x3f: {  	[sflag:s8] =	ssyncset.done $0x0  }
0x40: {  	[sflag:s8] =	ssyncadd.s32 $0xFFFFC180  }
0x41: {  	[spmem:s5] =	stream.linear.scatter [tilespmem:s9], [sflag:$0x2], $0x280, $0x38;
	[tilespmem:$0x4580] =	vst v63  }
0x42: {  	_ =	swait.ge [sflag:s8], $0x280  }
0x43: {  	[sflag:s8] =	ssyncset.done $0x0  }
0x44: {  	[sflag:s8] =	ssyncadd.s32 $0xFFFFFD80  }
0x45: {  	s18 =	simm.s32 $0x0;
	[bflag:$0x0] =	sbarrier.arrive $0xFFFF  }
.LBB2_2:
0x46: {  	p0 =	sne.s32 s18, $0xF800  }
.Ltmp0:
0x47: {  	_ = 	snop;
	(pc) =	sbr.rel @p0 .LBB2_2-.Ltmp0, $3  }
0x48: {  	_ =	sdelay $0x1  }
0x49: {  	s19 =	sshra.s32 s18, $0x2;
	s18 =	sadd.s32 $0x200, s18  }
0x4a: {  	[spmem:s2] =	stream.indirect.scatter.add.f32 [tilespmem:s11], [sflag:$0x1], $0x1, s19, s10, $0xb8;
	[tilespmem:$0x4580] =	vst v63  }
0x4b: {  	_ =	swait.ge [sflag:s12], $0x50  }
0x4c: {  	s18 =	simm.s32 $0x7C;
	[sflag:s12] =	ssyncset.done $0x0  }
.LBB2_4:
0x4d: {  	p0 =	sne.s32 s18, $0x1;
	s18 =	sadd.s32 $0xFFFFFFFF, s18;
	[sflag:s12] =	ssyncadd.s32 $0xFFFFFFB0  }
.Ltmp1:
0x4e: {  	(pc) =	sbr.rel @p0 .LBB2_4-.Ltmp1, $3  }
0x4f: {  	_ =	sdelay $0x1  }
0x50: {  	_ =	swait.ge [sflag:s12], $0x50  }
0x51: {  	[sflag:s12] =	ssyncset.done $0x0  }
0x52: {  	s17 =	sadd.s32 $0x1, s17  }
0x53: {  	[sflag:s12] =	ssyncadd.s32 $0xFFFFFFB0;
	p0 =	sne.s32 s17, s7  }
.Ltmp2:
0x54: {  	[bflag:$0x0] =	sbarrier.arrive $0xFFFF;
	(pc) =	sbr.rel @p0 .LBB2_1-.Ltmp2, $4  }
0x55: {  	[hbm:s6@s15], [sflag:s13] =	dma.strided [spmem:s14@s16], $0x50, s12, $0x10   }
0x56: {  	_ =	swait.ge [sflag:s8], $0x50  }
0x57: {  	[sflag:s8] =	ssyncset.done $0x0  }
0x58: {  	[sflag:s8] =	ssyncadd.s32 $0xFFFFFFB0  }
0x59: {  	_ =	sfence.sel $0x180000  }
0x5a: {  	[bflag:$0x0] =	sbarrier.arrive $0xFFFF  }
0x5b: {  	p0 =	sne.s32 s1, $0x0;
	_ =	strace $0x90000047  }
0x5c: {  	s0 =	sadd.s32 @!p0 $0x100000, s0;
	[bflag:$0x2] =	sbarrier.arrive $0xFFFF  }
0x5d: {  	[sflag:s0] =	ssyncadd.tile.s32 @!p0 $0x1;
	_ =	shalt  }
.Lfunc_end2:
_tile_overlayer_lowered:
.L_overlay_start_2:
0x5e: {  	(tag) =	ssettag $0x2  }
0x5f: {  	s0 =	rddreg [dreg:$0x0];
	s2 =	stileid.u32  }
0x60: {  	s1 =	rddreg [dreg:$0x1];
	p0 =	sne.s32 s2, $0x0  }
0x61: {  	s3 =	rddreg [dreg:$0x2];
	[bflag:$0x3] =	sbarrier.arrive $0xFFFF;
	s2 =	simm.s32 @!p0 $0x1C02  }
0x62: {  	[timem:s3], [sflag:s2] =	dma.local @!p0 [hbm:s0], s1  }
0x63: {  	s0 =	simm.s32 @!p0 $0x2  }
0x64: {  	_ =	swait.ge @!p0 [sflag:s0], s1  }
0x65: {  	s1 =	ssub.s32 @!p0 $0x0, s1;
	[sflag:s0] =	ssyncset.done @!p0 $0x0  }
0x66: {  	[sflag:s0] =	ssyncadd.s32 @!p0 s1  }
0x67: {  	[bflag:$0x3] =	sbarrier.arrive $0xFFFF  }
0x68: {  	_ =	shalt  }

// kernel: kernel.9.cloned.1.call-start
scs
__scs_entry_jumppad:
0x0: {  	(pc) =	sbr.rel $0x88, $3  }
0x1: {  	(tag) =	ssettag $0x0;
	lr =	simm.s32 $0x1  }
0x2: {  	[smem:$0x3F9D] =	sst lr;
	_ =	strace $0xD0000000  }
0x3: {  	_ = 	snop  }
0x4: {  	_ = 	snop  }
0x5: {  	_ = 	snop  }
0x6: {  	_ = 	snop  }
0x7: {  	_ = 	snop  }
__scs_overlays_trampoline_lowered:
0x8: {  	[smem:$0x3FAC] =	sst s0  }
0x9: {  	[smem:$0x3FAD] =	sst s1  }
0xa: {  	[smem:$0x3FAE] =	sst s2  }
0xb: {  	[smem:$0x3FAF] =	sst s3  }
0xc: {  	[smem:$0x3FB0] =	sst s4  }
0xd: {  	[smem:$0x3FB1] =	sst s5  }
0xe: {  	[smem:$0x3FB2] =	sst s6  }
0xf: {  	[smem:$0x3FB3] =	sst s7  }
0x10: {  	[smem:$0x3FB4] =	sst s8  }
0x11: {  	[smem:$0x3FB5] =	sst s9;
	s0 =	simm.s32 @!p0 $0x0  }
0x12: {  	s1 =	sld [smem:$0x3F9B];
	s0 =	simm.s32 @p0 $0x1  }
0x13: {  	[smem:$0x3FB6] =	sst s0;
	s0 =	simm.s32 @!p1 $0x0  }
0x14: {  	s2 =	sld [smem:$0x3F9A];
	s0 =	simm.s32 @p1 $0x1  }
0x15: {  	[smem:$0x3FB7] =	sst s0;
	s0 =	simm.s32 @!p2 $0x0  }
0x16: {  	s3 =	sld [smem:$0x3FDB];
	s0 =	simm.s32 @p2 $0x1  }
0x17: {  	s4 =	simm.s32 $0x1BF5;
	[smem:$0x3FB9] =	sst s0  }
0x18: {  	s0 =	sld [smem:$0x3F9C];
	_ =	swait.ge [sflag:s4], $0x0  }
0x19: {  	s7 =	sld [smem:$0x3F9D]  }
0x1a: {  	s8 =	sadd.s32 $0xFFFFE003, lr  }
0x1b: {  	s9 =	sadd.s32 $0xFFFFFEF7, lr;
	s5 =	simm.s32 $0xFFFFFFFF;
	p2 =	slt.u32 s8, $0xFFFFF086  }
0x1c: {  	p1 =	slt.u32 s9, $0xF7A;
	s5 =	simm.s32 @!p2 $0x0  }
0x1d: {  	s5 =	simm.s32 @p1 $0x1;
	p0 =	seq.s32 s7, s2  }
0x1e: {  	s7 =	smul.u32 @!p0 $0xF7A, s2;
	p2 =	seq.s32 @!p0 s5, $0x0  }
0x1f: {  	s9 =	smul.u32 $0xF7A, s1;
	s8 =	simm.s32 @!p0 $0x1BF5;
	p2 =	por !p2, p0  }
0x20: {  	[sflag:s8] =	ssyncset.s32 @!p0 $0xFFFFF086;
	s6 =	sadd.s32 @!p0 s3, s7;
	s7 =	simm.s32 @!p0 $0x108  }
0x21: {  	s3 =	sadd.s32 s3, s9;
	s6 =	sadd.s32 @!p0 $0x88, s6;
	s7 =	simm.s32 @p2 $0x1082  }
0x22: {  	[simem:s7], [sflag:s8] =	dma.local @!p0 [hbm:s6], $0xF7A  }
0x23: {  	s9 =	sor.u32 $0xD0000000, s2;
	s6 =	simm.s32 $0x108;
	_ =	swait.ge @!p0 [sflag:s8], $0x0  }
0x24: {  	s3 =	sadd.s32 $0x88, s3;
	s6 =	simm.s32 @!p1 $0x1082;
	[sflag:s4] =	ssyncset.s32 $0xFFFFF086  }
0x25: {  	[simem:s6], [sflag:s4] =	dma.local [hbm:s3], $0xF7A  }
0x26: {  	[smem:$0x3F9D] =	sst s1;
	(tag) =	ssettag s2;
	_ =	strace s9  }
0x27: {  	s1 =	sld [smem:$0x3FAD]  }
0x28: {  	s2 =	sld [smem:$0x3FAE]  }
0x29: {  	s4 =	sld [smem:$0x3FB0]  }
0x2a: {  	p0 =	seq.s32 s5, $0x0;
	s5 =	sld [smem:$0x3FB1]  }
0x2b: {  	s6 =	sld [smem:$0x3FB2]  }
0x2c: {  	s7 =	sld [smem:$0x3FB3]  }
0x2d: {  	s3 =	simm.s32 $0x108;
	s8 =	sld [smem:$0x3FB4]  }
0x2e: {  	s3 =	simm.s32 @!p0 $0x1082;
	s9 =	sld [smem:$0x3FB5]  }
0x2f: {  	lr =	sadd.s32 s0, s3;
	s0 =	sld [smem:$0x3FAC]  }
0x30: {  	s3 =	sld [smem:$0x3FAF]  }
0x31: {  	[smem:$0x3FB8] =	sst s10  }
0x32: {  	s10 =	sld [smem:$0x3FB6];
	_ =	sdelay $0x3  }
0x33: {  	p0 =	seq.s32 s10, $0x1;
	s10 =	sld [smem:$0x3FB8];
	_ =	sdelay $0x3  }
0x34: {  	[smem:$0x3FB8] =	sst s10  }
0x35: {  	s10 =	sld [smem:$0x3FB7];
	_ =	sdelay $0x3  }
0x36: {  	p1 =	seq.s32 s10, $0x1;
	s10 =	sld [smem:$0x3FB8];
	_ =	sdelay $0x3  }
0x37: {  	[smem:$0x3FB8] =	sst s10  }
0x38: {  	s10 =	sld [smem:$0x3FB9]  }
0x39: {  	_ = 	snop;
	(pc) =	sbr.ind lr, $3  }
0x3a: {  	_ = 	snop  }
0x3b: {  	_ = 	snop  }
0x3c: {  	p2 =	seq.s32 s10, $0x1;
	s10 =	sld [smem:$0x3FB8]  }
0x3d: {  	_ =	shalt  }
0x3e: {  	_ =	shalt  }
0x3f: {  	_ =	shalt  }
0x40: {  	_ =	shalt  }
0x41: {  	_ =	shalt  }
0x42: {  	_ =	shalt  }
0x43: {  	_ =	shalt  }
0x44: {  	_ =	shalt  }
0x45: {  	_ =	shalt  }
0x46: {  	_ =	shalt  }
0x47: {  	_ =	shalt  }
0x48: {  	_ =	shalt  }
0x49: {  	_ =	shalt  }
0x4a: {  	_ =	shalt  }
0x4b: {  	_ =	shalt  }
0x4c: {  	_ =	shalt  }
0x4d: {  	_ =	shalt  }
0x4e: {  	_ =	shalt  }
0x4f: {  	_ =	shalt  }
0x50: {  	_ =	shalt  }
0x51: {  	_ =	shalt  }
0x52: {  	_ =	shalt  }
0x53: {  	_ =	shalt  }
0x54: {  	_ =	shalt  }
0x55: {  	_ =	shalt  }
0x56: {  	_ =	shalt  }
0x57: {  	_ =	shalt  }
0x58: {  	_ =	shalt  }
0x59: {  	_ =	shalt  }
0x5a: {  	_ =	shalt  }
0x5b: {  	_ =	shalt  }
0x5c: {  	_ =	shalt  }
0x5d: {  	_ =	shalt  }
0x5e: {  	_ =	shalt  }
0x5f: {  	_ =	shalt  }
0x60: {  	_ =	shalt  }
0x61: {  	_ =	shalt  }
0x62: {  	_ =	shalt  }
0x63: {  	_ =	shalt  }
0x64: {  	_ =	shalt  }
0x65: {  	_ =	shalt  }
0x66: {  	_ =	shalt  }
0x67: {  	_ =	shalt  }
0x68: {  	_ =	shalt  }
0x69: {  	_ =	shalt  }
0x6a: {  	_ =	shalt  }
0x6b: {  	_ =	shalt  }
0x6c: {  	_ =	shalt  }
0x6d: {  	_ =	shalt  }
0x6e: {  	_ =	shalt  }
0x6f: {  	_ =	shalt  }
0x70: {  	_ =	shalt  }
0x71: {  	_ =	shalt  }
0x72: {  	_ =	shalt  }
0x73: {  	_ =	shalt  }
0x74: {  	_ =	shalt  }
0x75: {  	_ =	shalt  }
0x76: {  	_ =	shalt  }
0x77: {  	_ =	shalt  }
0x78: {  	_ =	shalt  }
0x79: {  	_ =	shalt  }
0x7a: {  	_ =	shalt  }
0x7b: {  	_ =	shalt  }
0x7c: {  	_ =	shalt  }
0x7d: {  	_ =	shalt  }
0x7e: {  	_ =	shalt  }
0x7f: {  	_ =	shalt  }
0x80: {  	_ =	shalt  }
0x81: {  	_ =	shalt  }
0x82: {  	_ =	shalt  }
0x83: {  	_ =	shalt  }
0x84: {  	_ =	shalt  }
0x85: {  	_ =	shalt  }
0x86: {  	_ =	shalt  }
0x87: {  	_ =	shalt  }
.Lfunc_end0:
.L_simem_size_0:
called_computation.1_lowered:
.L_overlay_start_0:
0x88: {  	s2 =	sld [smem:$0x3FD9]  }
0x89: {  	s3 =	sld [smem:$0x3FFE];
	_ =	sdelay $0x1  }
0x8a: {  	s1 =	srdreg.scid  }
0x8b: {  	s0 =	sand.u32 $0x1, s1  }
0x8c: {  	s17 =	sshll.u32 s0, $0xA;
	s2 =	sadd.s32 s3, s2  }
0x8d: {  	s2 =	sadd.s32 s2, s17  }
0x8e: {  	[smem:$0x3FC4] =	sst s2  }
0x8f: {  	_ = 	snop  }
0x90: {  	s2 =	sld [smem:$0x3FD0];
	(tm) =	ssettm $0x1  }
0x91: {  	s18 =	sld [smem:$0x3FFB];
	_ =	sdelay $0x3  }
0x92: {  	_ =	strace s18  }
0x93: {  	s3 =	sld [smem:$0x3FFC];
	_ =	sdelay $0x3  }
0x94: {  	_ =	strace s3  }
0x95: {  	s3 =	sld [smem:$0x3FFD];
	_ =	sdelay $0x3  }
0x96: {  	_ =	strace s3  }
0x97: {  	_ =	strace $0x8FFFFFFF  }
0x98: {  	s19 =	sld [smem:$0x3FDB];
	_ =	sdelay $0x1  }
0x99: {  	s4 =	simm.s32 $_scs_section_size  }
0x9a: {  	s5 =	simm.s32 $_size__tile_overlayer_lowered;
	s6 =	simm.s32 $_tile_overlayer_lowered  }
0x9b: {  	s22 =	simm.s32 $0x1BFF;
	s21 =	sshll.u32 s6, $0x1;
	s3 =	sadd.s32 s4, s19  }
0x9c: {  	s7 =	simm.s32 $0x0;
	s20 =	sshll.u32 s5, $0x1;
	s5 =	sadd.s32 s21, s3  }
0x9d: {  	[timem:s7], [sflag:s22] =	dma.local [hbm:s5], s20  }
0x9e: {  	_ =	swait.ge [sflag:s22], s20  }
0x9f: {  	s4 =	ssub.s32 $0x0, s20;
	[sflag:s22] =	ssyncset.done $0x0  }
0xa0: {  	[sflag:s22] =	ssyncadd.s32 s4;
	_ =	sdelay $0x1  }
0xa1: {  	s23 =	simm.s32 $0x1B8B  }
0xa2: {  	_ =	swait.ge [sflag:s23], $0x1  }
0xa3: {  	[sflag:s23] =	ssyncset.done $0x0  }
0xa4: {  	s25 =	simm.s32 $0x1B8E;
	s24 =	sld [smem:$0x3FFE];
	[sflag:s23] =	ssyncadd.s32 $0xFFFFFFFF  }
0xa5: {  	s26 =	simm.s32 $execute0_lowered;
	[smem:$0x3FD2] =	sst s25  }
0xa6: {  	s5 =	sshll.u32 s26, $0x1;
	_ =	strace $0x80000049;
	[dreg:$0x1] =	wrdreg $0xFFFFFFFF  }
0xa7: {  	s28 =	simm.s32 $_size_execute0_lowered;
	s3 =	sadd.s32 s3, s5;
	[dreg:$0x0] =	wrdreg $0x0  }
0xa8: {  	s5 =	sshll.u32 s28, $0x1;
	[dreg:$0x2] =	wrdreg s3  }
0xa9: {  	[dreg:$0x3] =	wrdreg s5  }
0xaa: {  	[dreg:$0x4] =	wrdreg $0xC0  }
0xab: {  	_ =	task [dreg:s7], $0x5FFFF  }
0xac: {  	[dreg:$0x1] =	wrdreg $0xFFFFFFFF  }
0xad: {  	[dreg:$0x0] =	wrdreg $0x60  }
0xae: {  	[dreg:$0x2] =	wrdreg s2  }
0xaf: {  	[dreg:$0x3] =	wrdreg s24  }
0xb0: {  	[dreg:$0x4] =	wrdreg $0xA8000  }
0xb1: {  	[dreg:$0x5] =	wrdreg $0x9  }
0xb2: {  	_ =	task.clear_ibuf [dreg:s7], $0x6FFFF;
	_ =	strace $0x90000049  }
0xb3: {  	s29 =	simm.s32 $0x9;
	_ =	strace $0x8000004B  }
0xb4: {  	_ =	swait.ge [sflag:s29], $0x1  }
0xb5: {  	[sflag:s29] =	ssyncadd.s32 $0xFFFFFFFF  }
0xb6: {  	_ =	strace $0x9000004B  }
0xb7: {  	_ =	sfence  }
0xb8: {  	s30 =	sld [smem:$0x0];
	_ =	sdelay $0x2  }
0xb9: {  	s31 =	sshll.u32 s1, $0xD;
	s1 =	sshrl.u32 s1, $0x2  }
0xba: {  	s3 =	sand.u32 $0x4000, s31;
	s1 =	sadd.s32 s1, s30  }
0xbb: {  	s0 =	sor.u32 s3, s0;
	s1 =	sshll.u32 s1, $0x11  }
0xbc: {  	s0 =	sor.u32 s1, s0  }
0xbd: {  	s0 =	sadd.s32 $0x8F2B, s0  }
0xbe: {  	[sflag:s0] =	ssyncadd.remote.s32 $0x1  }
0xbf: {  	_ =	sfence.sel $0xFFFF  }
0xc0: {  	[dreg:$0x0] =	wrdreg $0xFFFFFFFF;
	(pc) =	sbr.abs _section_cstart, $3  }
0xc1: {  	[dreg:$0x1] =	wrdreg $0xFFFFFFFF  }
0xc2: {  	_ =	task.clear_ibuf [dreg:s7], $0x2FFFF;
	_ =	strace $0x9FFFFFFF  }
0xc3: {  	(tm) =	ssettm $0x7FFFFFFF  }
tec
execute0_lowered:
.L_overlay_start_1:
0x0: {  	(tag) =	ssettag $0x1  }
0x1: {  	s1 =	rddreg [dreg:$0x0]  }
0x2: {  	s0 =	rddreg [dreg:$0x1]  }
0x3: {  	s2 =	rddreg [dreg:$0x2];
	s4 =	simm.s32 $0x0;
	s3 =	srdreg.scid  }
0x4: {  	s14 =	stileid.u32;
	s29 =	simm.s32 $0x600;
	s30 =	simm.s32 $0x8  }
0x5: {  	s28 =	simm.s32 $0xA;
	[smem:$0x7FF] =	sst s4;
	s3 =	sand.u32 $0x1, s3  }
0x6: {  	s8 =	smul.u32 $0x14000, s14;
	s5 =	sadd.s32 $0x1200, s0;
	s6 =	sadd.s32 $0x11200, s0  }
0x7: {  	s9 =	sadd.s32 $0x39200, s0;
	s10 =	sshll.u32 s14, $0xE;
	s7 =	smul.u32 $0x140000, s3  }
0x8: {  	_ =	strace $0x8000004A;
	s21 =	sshll.u32 s3, $0x12;
	s11 =	ssub.s32 $0x2, s3  }
0x9: {  	p0 =	sne.s32 s3, $0x0;
	s7 =	sadd.s32 s8, s7;
	s8 =	sor.u32 s10, s21  }
0xa: {  	s22 =	sshrl.u32 s11, $0x1;
	s7 =	sshrl.u32 s7, $0x3;
	s10 =	sshrl.u32 s8, $0x3  }
0xb: {  	s0 =	sadd.s32 s7, s0;
	s23 =	sadd.s32 s10, s1;
	s24 =	sor.u32 $0x10, s10  }
0xc: {  	s7 =	ssub.s32 s11, s22;
	[dreg:$0x4] =	wrdreg s23;
	s12 =	sadd.s32 s1, s24  }
0xd: {  	s25 =	sor.u32 $0x20, s10;
	s11 =	sadd.s32 s5, s24;
	[dreg:$0x5] =	wrdreg s12  }
0xe: {  	s31 =	sor.u32 $0x30, s10;
	s26 =	sadd.s32 s1, s25;
	[dreg:$0x6] =	wrdreg s11  }
0xf: {  	s15 =	sor.u32 $0x40, s10;
	s13 =	sadd.s32 s1, s31;
	[dreg:$0x7] =	wrdreg s26  }
0x10: {  	s17 =	sor.u32 $0x50, s10;
	s16 =	sadd.s32 s1, s15;
	[dreg:$0x9] =	wrdreg s13  }
0x11: {  	s20 =	sor.u32 $0x60, s10;
	s18 =	sadd.s32 s1, s17;
	[dreg:$0xb] =	wrdreg s16  }
0x12: {  	s22 =	smul.u32 $0x50000, s14;
	s19 =	sadd.s32 s5, s17;
	[dreg:$0xd] =	wrdreg s18  }
0x13: {  	s21 =	sadd.s32 s1, s20;
	s23 =	sadd.s32 s5, s20;
	[dreg:$0xe] =	wrdreg s19  }
0x14: {  	s24 =	sadd.s32 s10, s5;
	s0 =	sadd.s32 $0x3BA00, s0;
	[dreg:$0x10] =	wrdreg s21  }
0x15: {  	s20 =	simm.s32 $0x11;
	s17 =	simm.s32 $0x8000;
	[dreg:$0x11] =	wrdreg s23  }
0x16: {  	s11 =	sadd.s32 s5, s25;
	s13 =	smul.u32 $0x2800, s14;
	[dreg:$0x12] =	wrdreg s24  }
0x17: {  	s25 =	sor.u32 $0x70, s10;
	s3 =	sshrl.u32 s22, $0x2;
	s26 =	sor.u32 $0x400, s8  }
0x18: {  	[dreg:$0x17] =	wrdreg s0;
	s21 =	simm.s32 $0x580;
	s18 =	simm.s32 $0x200  }
0x19: {  	s23 =	simm.s32 $0x280;
	s22 =	simm.s32 $0x50;
	s14 =	simm.s32 $0x3000  }
0x1a: {  	s24 =	simm.s32 $0x5800;
	s19 =	simm.s32 $0x9;
	s16 =	simm.s32 $0x5  }
0x1b: {  	s8 =	simm.s32 $0xE;
	[dreg:$0x8] =	wrdreg s11;
	s11 =	sadd.s32 s5, s31  }
0x1c: {  	s10 =	sadd.s32 s1, s25;
	s3 =	sadd.s32 s3, s2;
	[dreg:$0x16] =	wrdreg s26  }
0x1d: {  	s31 =	smax.u32 s7, $0x1;
	s26 =	simm.s32 $0x180;
	[dreg:$0xa] =	wrdreg s11  }
0x1e: {  	s1 =	simm.s32 $0x680;
	s7 =	simm.s32 $0x800;
	[dreg:$0x13] =	wrdreg s10  }
0x1f: {  	s11 =	sadd.s32 s5, s15;
	s12 =	sadd.s32 s6, s13;
	[dreg:$0x15] =	wrdreg s3  }
.Ltmp0:
0x20: {  	[dreg:$0x18] =	wrdreg s31;
	s10 =	simm.s32 $0x500;
	(pc) =	sbr.rel .LBB2_1-.Ltmp0, $4  }
0x21: {  	s15 =	simm.s32 $0xD;
	s3 =	simm.s32 $0x0;
	s13 =	simm.s32 $0xB  }
0x22: {  	[dreg:$0xc] =	wrdreg s11;
	s12 =	smov.u32 @p0 s9;
	s9 =	sadd.s32 s5, s25  }
0x23: {  	s11 =	simm.s32 $0x400;
	s25 =	simm.s32 $0xC;
	[dreg:$0xf] =	wrdreg s12  }
0x24: {  	[dreg:$0x14] =	wrdreg s9;
	s9 =	simm.s32 $0x480;
	s12 =	simm.s32 $0xF  }
.LBB2_4:
0x25: {  	_ =	swait.ge [sflag:s19], $0x2800  }
0x26: {  	[sflag:s19] =	ssyncset.done $0x0  }
0x27: {  	s7 =	simm.s32 $0x800;
	s3 =	simm.s32 $0x10;
	[sflag:s19] =	ssyncadd.s32 $0xFFFFD800  }
0x28: {  	[spmem:s2] =	stream.indirect.scatter.add.f32 [tilespmem:s7], [sflag:$0xD], $0x80, s11, s22, $0xb8;
	[tilespmem:$0x1E800] =	vst v63  }
0x29: {  	_ =	swait.ge [sflag:s3], $0x2800  }
0x2a: {  	[sflag:s3] =	ssyncset.done $0x0  }
0x2b: {  	s0 =	simm.s32 $0x4;
	[sflag:s3] =	ssyncadd.s32 $0xFFFFD800  }
0x2c: {  	_ =	swait.ge [sflag:s0], $0x80  }
0x2d: {  	[sflag:s0] =	ssyncset.done $0x0  }
0x2e: {  	[sflag:s0] =	ssyncadd.s32 $0xFFFFFF80  }
0x2f: {  	_ =	swait.ge [sflag:s0], $0x80  }
0x30: {  	[sflag:s0] =	ssyncset.done $0x0  }
0x31: {  	s1 =	simm.s32 $0x8000;
	s24 =	simm.s32 $0xA;
	[sflag:s0] =	ssyncadd.s32 $0xFFFFFF80  }
0x32: {  	[tilespmem:s1], [sflag:$0xC] =	stream.indirect.gather [hbm4b:s6+s22], $0x80, s26, s22, $0xb8;
	[tilespmem:$0x1E800] =	vst v63  }
0x33: {  	_ =	swait.ge [sflag:s24], $0x2800  }
0x34: {  	[sflag:s24] =	ssyncset.done $0x0  }
0x35: {  	s9 =	simm.s32 $0x480;
	s14 =	simm.s32 $0x3000;
	[sflag:s24] =	ssyncadd.s32 $0xFFFFD800  }
0x36: {  	[spmem:s2] =	stream.indirect.scatter.add.f32 [tilespmem:s14], [sflag:$0xE], $0x80, s9, s22, $0xb8;
	[tilespmem:$0x1E800] =	vst v63  }
0x37: {  	_ =	swait.ge [sflag:s15], $0x2800  }
0x38: {  	[sflag:s15] =	ssyncset.done $0x0  }
0x39: {  	[sflag:s15] =	ssyncadd.s32 $0xFFFFD800  }
0x3a: {  	_ =	swait.ge [sflag:s16], $0x80  }
0x3b: {  	[sflag:s16] =	ssyncset.done $0x0  }
0x3c: {  	[sflag:s16] =	ssyncadd.s32 $0xFFFFFF80  }
0x3d: {  	_ =	swait.ge [sflag:s16], $0x80  }
0x3e: {  	[sflag:s16] =	ssyncset.done $0x0  }
0x3f: {  	s31 =	simm.s32 $0xB;
	[sflag:s16] =	ssyncadd.s32 $0xFFFFFF80  }
0x40: {  	[tilespmem:s7], [sflag:$0x9] =	stream.indirect.gather [hbm4b:s6+s22], $0x80, s18, s22, $0xb8;
	[tilespmem:$0x1E800] =	vst v63  }
0x41: {  	_ =	swait.ge [sflag:s31], $0x2800  }
0x42: {  	[sflag:s31] =	ssyncset.done $0x0  }
0x43: {  	s10 =	simm.s32 $0x500;
	s24 =	simm.s32 $0x5800;
	[sflag:s31] =	ssyncadd.s32 $0xFFFFD800  }
0x44: {  	[spmem:s2] =	stream.indirect.scatter.add.f32 [tilespmem:s24], [sflag:$0xF], $0x80, s10, s22, $0xb8;
	[tilespmem:$0x1E800] =	vst v63  }
0x45: {  	_ =	swait.ge [sflag:s8], $0x2800  }
0x46: {  	[sflag:s8] =	ssyncset.done $0x0  }
0x47: {  	[sflag:s8] =	ssyncadd.s32 $0xFFFFD800  }
0x48: {  	_ =	swait.ge [sflag:s25], $0x2800  }
0x49: {  	[sflag:s25] =	ssyncset.done $0x0  }
0x4a: {  	s21 =	simm.s32 $0x580;
	[sflag:s25] =	ssyncadd.s32 $0xFFFFD800  }
0x4b: {  	[spmem:s2] =	stream.indirect.scatter.add.f32 [tilespmem:s1], [sflag:$0x10], $0x80, s21, s22, $0xb8;
	[tilespmem:$0x1E800] =	vst v63  }
0x4c: {  	_ =	swait.ge [sflag:s12], $0x2800  }
0x4d: {  	[sflag:s12] =	ssyncset.done $0x0  }
0x4e: {  	[sflag:s12] =	ssyncadd.s32 $0xFFFFD800  }
0x4f: {  	_ =	swait.ge [sflag:s19], $0x2800  }
0x50: {  	[sflag:s19] =	ssyncset.done $0x0  }
0x51: {  	s29 =	simm.s32 $0x600;
	[sflag:s19] =	ssyncadd.s32 $0xFFFFD800  }
0x52: {  	[spmem:s2] =	stream.indirect.scatter.add.f32 [tilespmem:s7], [sflag:$0xD], $0x80, s29, s22, $0xb8;
	[tilespmem:$0x1E800] =	vst v63  }
0x53: {  	_ =	swait.ge [sflag:s3], $0x2800  }
0x54: {  	[sflag:s3] =	ssyncset.done $0x0  }
0x55: {  	[sflag:s3] =	ssyncadd.s32 $0xFFFFD800  }
0x56: {  	_ =	swait.ge [sflag:s15], $0x2800  }
0x57: {  	[sflag:s15] =	ssyncset.done $0x0  }
0x58: {  	[sflag:s15] =	ssyncadd.s32 $0xFFFFD800  }
0x59: {  	[bflag:$0x0] =	sbarrier.arrive $0xFFFF  }
0x5a: {  	s1 =	rddreg [dreg:$0x17]  }
0x5b: {  	s3 =	rddreg [dreg:$0x1a]  }
0x5c: {  	s20 =	rddreg [dreg:$0x1b]  }
0x5d: {  	[hbm:s1], [sflag:s3] =	dma.local [spmem:s20], $0x2800  }
0x5e: {  	s20 =	simm.s32 $0x11  }
0x5f: {  	_ =	swait.ge [sflag:s20], $0x2800  }
0x60: {  	s23 =	rddreg [dreg:$0x19]  }
0x61: {  	s31 =	rddreg [dreg:$0x18];
	s3 =	sadd.s32 $0x1, s23  }
0x62: {  	p0 =	sne.s32 s3, s31  }
.Ltmp1:
0x63: {  	_ = 	snop;
	(pc) =	sbr.rel @!p0 .LBB2_5-.Ltmp1, $3  }
0x64: {  	_ =	sdelay $0x1  }
0x65: {  	[sflag:s20] =	ssyncset.done $0x0  }
0x66: {  	s1 =	simm.s32 $0x680;
	[sflag:s20] =	ssyncadd.s32 $0xFFFFD800;
	s23 =	simm.s32 $0x280  }
.LBB2_1:
0x67: {  	[dreg:$0x19] =	wrdreg s3  }
0x68: {  	s0 =	rddreg [dreg:$0x4]  }
0x69: {  	[tilespmem:s4], [sflag:$0x1] =	stream.linear.gather [hbm4b:s0+s4], $0x80, $0x38;
	[tilespmem:$0x1E800] =	vst v63  }
0x6a: {  	s3 =	rddreg [dreg:$0x12]  }
0x6b: {  	[tilespmem:s11], [sflag:$0x1] =	stream.linear.gather [hbm4b:s3+s4], $0x80, $0x38;
	[tilespmem:$0x1E800] =	vst v63  }
0x6c: {  	s0 =	rddreg [dreg:$0x5];
	s3 =	simm.s32 $0x80  }
0x6d: {  	[tilespmem:s3], [sflag:$0x2] =	stream.linear.gather [hbm4b:s0+s4], $0x80, $0x38;
	[tilespmem:$0x1E800] =	vst v63  }
0x6e: {  	s0 =	rddreg [dreg:$0x6]  }
0x6f: {  	[tilespmem:s9], [sflag:$0x2] =	stream.linear.gather [hbm4b:s0+s4], $0x80, $0x38;
	[tilespmem:$0x1E800] =	vst v63  }
0x70: {  	s0 =	rddreg [dreg:$0x7];
	s9 =	simm.s32 $0x100  }
0x71: {  	[tilespmem:s9], [sflag:$0x3] =	stream.linear.gather [hbm4b:s0+s4], $0x80, $0x38;
	[tilespmem:$0x1E800] =	vst v63  }
0x72: {  	s0 =	rddreg [dreg:$0x8]  }
0x73: {  	[tilespmem:s10], [sflag:$0x3] =	stream.linear.gather [hbm4b:s0+s4], $0x80, $0x38;
	[tilespmem:$0x1E800] =	vst v63  }
0x74: {  	s10 =	rddreg [dreg:$0x9]  }
0x75: {  	[tilespmem:s26], [sflag:$0x4] =	stream.linear.gather [hbm4b:s10+s4], $0x80, $0x38;
	[tilespmem:$0x1E800] =	vst v63  }
0x76: {  	s26 =	rddreg [dreg:$0xa]  }
0x77: {  	s10 =	rddreg [dreg:$0xb]  }
0x78: {  	[tilespmem:s21], [sflag:$0x4] =	stream.linear.gather [hbm4b:s26+s4], $0x80, $0x38;
	[tilespmem:$0x1E800] =	vst v63  }
0x79: {  	s21 =	rddreg [dreg:$0xc]  }
0x7a: {  	[tilespmem:s18], [sflag:$0x5] =	stream.linear.gather [hbm4b:s10+s4], $0x80, $0x38;
	[tilespmem:$0x1E800] =	vst v63  }
0x7b: {  	s26 =	rddreg [dreg:$0xd]  }
0x7c: {  	[tilespmem:s29], [sflag:$0x5] =	stream.linear.gather [hbm4b:s21+s4], $0x80, $0x38;
	[tilespmem:$0x1E800] =	vst v63  }
0x7d: {  	s10 =	rddreg [dreg:$0x10]  }
0x7e: {  	[tilespmem:s23], [sflag:$0x6] =	stream.linear.gather [hbm4b:s26+s4], $0x80, $0x38;
	[tilespmem:$0x1E800] =	vst v63  }
0x7f: {  	s29 =	rddreg [dreg:$0xe]  }
0x80: {  	[tilespmem:s1], [sflag:$0x6] =	stream.linear.gather [hbm4b:s29+s4], $0x80, $0x38;
	[tilespmem:$0x1E800] =	vst v63  }
0x81: {  	s21 =	simm.s32 $0x300;
	s26 =	rddreg [dreg:$0x11]  }
0x82: {  	[tilespmem:s21], [sflag:$0x7] =	stream.linear.gather [hbm4b:s10+s4], $0x80, $0x38;
	[tilespmem:$0x1E800] =	vst v63  }
0x83: {  	s29 =	simm.s32 $0x700;
	s1 =	stileid.u32;
	s10 =	rddreg [dreg:$0x13]  }
0x84: {  	[tilespmem:s29], [sflag:$0x7] =	stream.linear.gather [hbm4b:s26+s4], $0x80, $0x38;
	[tilespmem:$0x1E800] =	vst v63  }
0x85: {  	s0 =	sshll.u32 s1, $0x6;
	s21 =	simm.s32 $0x380;
	s26 =	rddreg [dreg:$0x14]  }
0x86: {  	[tilespmem:s21], [sflag:$0x8] =	stream.linear.gather [hbm4b:s10+s4], $0x80, $0x38;
	[tilespmem:$0x1E800] =	vst v63  }
0x87: {  	s10 =	sor.u32 $0x1C11, s0;
	s21 =	rddreg [dreg:$0x15]  }
0x88: {  	s29 =	simm.s32 $0x780;
	[dreg:$0x1a] =	wrdreg s10  }
0x89: {  	[tilespmem:s29], [sflag:$0x8] =	stream.linear.gather [hbm4b:s26+s4], $0x80, $0x38;
	[tilespmem:$0x1E800] =	vst v63  }
0x8a: {  	s26 =	sshrl.u32 s21, $0x3;
	s29 =	rddreg [dreg:$0xf]  }
0x8b: {  	[dreg:$0x1b] =	wrdreg s26  }
0x8c: {  	[spmem:s26], [sflag:s10] =	dma.local [hbm:s29], $0x2800  }
0x8d: {  	_ =	swait.ge [sflag:s20], $0x2800  }
0x8e: {  	[sflag:s20] =	ssyncset.done $0x0  }
0x8f: {  	[sflag:s20] =	ssyncadd.s32 $0xFFFFD800  }
0x90: {  	s21 =	simm.s32 $0x1;
	[bflag:$0x0] =	sbarrier.arrive $0xFFFF  }
0x91: {  	_ =	swait.ge [sflag:s21], $0x80  }
0x92: {  	[sflag:s21] =	ssyncset.done $0x0  }
0x93: {  	[sflag:s21] =	ssyncadd.s32 $0xFFFFFF80  }
0x94: {  	_ =	swait.ge [sflag:s21], $0x80  }
0x95: {  	[sflag:s21] =	ssyncset.done $0x0  }
0x96: {  	s26 =	simm.s32 $0x2;
	[sflag:s21] =	ssyncadd.s32 $0xFFFFFF80  }
0x97: {  	[tilespmem:s7], [sflag:$0x9] =	stream.indirect.gather [hbm4b:s6+s22], $0x80, s4, s22, $0xb8;
	[tilespmem:$0x1E800] =	vst v63  }
0x98: {  	_ =	swait.ge [sflag:s26], $0x80  }
0x99: {  	[sflag:s26] =	ssyncset.done $0x0  }
0x9a: {  	[sflag:s26] =	ssyncadd.s32 $0xFFFFFF80  }
0x9b: {  	_ =	swait.ge [sflag:s26], $0x80  }
0x9c: {  	[sflag:s26] =	ssyncset.done $0x0  }
0x9d: {  	s29 =	simm.s32 $0x3;
	[sflag:s26] =	ssyncadd.s32 $0xFFFFFF80  }
0x9e: {  	[tilespmem:s14], [sflag:$0xA] =	stream.indirect.gather [hbm4b:s6+s22], $0x80, s3, s22, $0xb8;
	[tilespmem:$0x1E800] =	vst v63  }
0x9f: {  	_ =	swait.ge [sflag:s29], $0x80  }
0xa0: {  	[sflag:s29] =	ssyncset.done $0x0  }
0xa1: {  	[sflag:s29] =	ssyncadd.s32 $0xFFFFFF80  }
0xa2: {  	_ =	swait.ge [sflag:s29], $0x80  }
0xa3: {  	[sflag:s29] =	ssyncset.done $0x0  }
0xa4: {  	[sflag:s29] =	ssyncadd.s32 $0xFFFFFF80  }
0xa5: {  	[tilespmem:s24], [sflag:$0xB] =	stream.indirect.gather [hbm4b:s6+s22], $0x80, s9, s22, $0xb8;
	[tilespmem:$0x1E800] =	vst v63  }
0xa6: {  	s31 =	simm.s32 $0x0;
	s0 =	simm.s32 $0x0;
	s20 =	rddreg [dreg:$0x0]  }
.LBB2_2:
0xa7: {  	_ =	swait.ge [sflag:s19], $0x2800  }
0xa8: {  	p0 =	seq.s32 s31, $0x0;
	[sflag:s19] =	ssyncset.done $0x0  }
0xa9: {  	s7 =	simm.s32 $0x800;
	s3 =	simm.s32 @p0 $0x4;
	[sflag:s19] =	ssyncadd.s32 $0xFFFFD800  }
0xaa: {  	[spmem:s2] =	stream.indirect.scatter.add.f32 [tilespmem:s7], [sflag:$0xD], $0x80, s11, s22, $0xb8;
	[tilespmem:$0x1E800] =	vst v63  }
0xab: {  	_ =	swait.ge @p0 [sflag:s3], $0x80  }
0xac: {  	[sflag:s3] =	ssyncset.done @p0 $0x0  }
0xad: {  	[sflag:s3] =	ssyncadd.s32 @p0 $0xFFFFFF80  }
0xae: {  	_ =	swait.ge @p0 [sflag:s3], $0x80  }
0xaf: {  	s9 =	simm.s32 @p0 $0x180;
	[sflag:s3] =	ssyncset.done @p0 $0x0  }
0xb0: {  	s10 =	simm.s32 @p0 $0x8000;
	[sflag:s3] =	ssyncadd.s32 @p0 $0xFFFFFF80;
	s3 =	simm.s32 @p0 $0x50  }
0xb1: {  	[tilespmem:s10], [sflag:$0xC] =	stream.indirect.gather @p0 [hbm4b:s6+s3], $0x80, s9, s3, $0xb8;
	[tilespmem:$0x1E800] =	vst v63  }
0xb2: {  	s3 =	simm.s32 @!p0 $0x10  }
0xb3: {  	_ =	swait.ge @!p0 [sflag:s3], $0x2800  }
0xb4: {  	[sflag:s3] =	ssyncset.done @!p0 $0x0  }
0xb5: {  	[sflag:s3] =	ssyncadd.s32 @!p0 $0xFFFFD800;
	s3 =	simm.s32 @!p0 $0x4  }
0xb6: {  	_ =	swait.ge @!p0 [sflag:s3], $0x80  }
0xb7: {  	[sflag:s3] =	ssyncset.done @!p0 $0x0  }
0xb8: {  	[sflag:s3] =	ssyncadd.s32 @!p0 $0xFFFFFF80  }
0xb9: {  	_ =	swait.ge @!p0 [sflag:s3], $0x80  }
0xba: {  	s9 =	simm.s32 @!p0 $0x180;
	[sflag:s3] =	ssyncset.done @!p0 $0x0  }
0xbb: {  	s10 =	simm.s32 @!p0 $0x8000;
	[sflag:s3] =	ssyncadd.s32 @!p0 $0xFFFFFF80;
	s3 =	simm.s32 @!p0 $0x50  }
0xbc: {  	[tilespmem:s10], [sflag:$0xC] =	stream.indirect.gather @!p0 [hbm4b:s6+s3], $0x80, s9, s3, $0xb8;
	[tilespmem:$0x1E800] =	vst v63  }
0xbd: {  	s3 =	rddreg [dreg:$0x4]  }
0xbe: {  	s3 =	sadd.s32 @!p0 s31, s3  }
0xbf: {  	s11 =	simm.s32 @!p0 $0x300;
	s10 =	simm.s32 @!p0 $0x0;
	s9 =	sadd.s32 @!p0 $0x60, s3  }
0xc0: {  	[tilespmem:s11], [sflag:$0x7] =	stream.linear.gather @!p0 [hbm4b:s9+s10], $0x80, $0x38;
	[tilespmem:$0x1E800] =	vst v63  }
0xc1: {  	s9 =	rddreg [dreg:$0x12]  }
0xc2: {  	s9 =	sadd.s32 @!p0 s31, s9  }
0xc3: {  	s21 =	simm.s32 @!p0 $0x700;
	s11 =	sadd.s32 @!p0 $0x60, s9  }
0xc4: {  	[tilespmem:s21], [sflag:$0x7] =	stream.linear.gather @!p0 [hbm4b:s11+s10], $0x80, $0x38;
	[tilespmem:$0x1E800] =	vst v63  }
0xc5: {  	_ =	swait.ge [sflag:s28], $0x2800  }
0xc6: {  	[sflag:s28] =	ssyncset.done $0x0  }
0xc7: {  	s29 =	simm.s32 $0x480;
	s14 =	simm.s32 $0x3000;
	[sflag:s28] =	ssyncadd.s32 $0xFFFFD800  }
0xc8: {  	[spmem:s2] =	stream.indirect.scatter.add.f32 [tilespmem:s14], [sflag:$0xE], $0x80, s29, s22, $0xb8;
	[tilespmem:$0x1E800] =	vst v63  }
0xc9: {  	_ =	swait.ge [sflag:s15], $0x2800  }
0xca: {  	[sflag:s15] =	ssyncset.done $0x0  }
0xcb: {  	[sflag:s15] =	ssyncadd.s32 $0xFFFFD800  }
0xcc: {  	_ =	swait.ge [sflag:s16], $0x80  }
0xcd: {  	[sflag:s16] =	ssyncset.done $0x0  }
0xce: {  	[sflag:s16] =	ssyncadd.s32 $0xFFFFFF80  }
0xcf: {  	_ =	swait.ge [sflag:s16], $0x80  }
0xd0: {  	[sflag:s16] =	ssyncset.done $0x0  }
0xd1: {  	[sflag:s16] =	ssyncadd.s32 $0xFFFFFF80  }
0xd2: {  	[tilespmem:s7], [sflag:$0x9] =	stream.indirect.gather [hbm4b:s6+s22], $0x80, s18, s22, $0xb8;
	[tilespmem:$0x1E800] =	vst v63  }
0xd3: {  	s3 =	sadd.s32 @!p0 $0x70, s3;
	s11 =	simm.s32 @!p0 $0x380  }
0xd4: {  	[tilespmem:s11], [sflag:$0x8] =	stream.linear.gather @!p0 [hbm4b:s3+s10], $0x80, $0x38;
	[tilespmem:$0x1E800] =	vst v63  }
0xd5: {  	s3 =	sadd.s32 @!p0 $0x70, s9;
	s9 =	simm.s32 @!p0 $0x780  }
0xd6: {  	[tilespmem:s9], [sflag:$0x8] =	stream.linear.gather @!p0 [hbm4b:s3+s10], $0x80, $0x38;
	[tilespmem:$0x1E800] =	vst v63  }
0xd7: {  	_ =	swait.ge [sflag:s13], $0x2800  }
0xd8: {  	[sflag:s13] =	ssyncset.done $0x0  }
0xd9: {  	s26 =	simm.s32 $0x500;
	s24 =	simm.s32 $0x5800;
	[sflag:s13] =	ssyncadd.s32 $0xFFFFD800  }
0xda: {  	[spmem:s2] =	stream.indirect.scatter.add.f32 [tilespmem:s24], [sflag:$0xF], $0x80, s26, s22, $0xb8;
	[tilespmem:$0x1E800] =	vst v63  }
0xdb: {  	_ =	swait.ge [sflag:s8], $0x2800  }
0xdc: {  	[sflag:s8] =	ssyncset.done $0x0  }
0xdd: {  	s1 =	simm.s32 $0x6;
	[sflag:s8] =	ssyncadd.s32 $0xFFFFD800  }
0xde: {  	_ =	swait.ge [sflag:s1], $0x80  }
0xdf: {  	[sflag:s1] =	ssyncset.done $0x0  }
0xe0: {  	[sflag:s1] =	ssyncadd.s32 $0xFFFFFF80  }
0xe1: {  	s3 =	smov.u32 s0;
	_ =	swait.ge [sflag:s1], $0x80  }
0xe2: {  	s3 =	simm.s32 @p0 $0x0;
	[sflag:s1] =	ssyncset.done $0x0;
	s21 =	rddreg [dreg:$0x16]  }
0xe3: {  	[sflag:s1] =	ssyncadd.s32 $0xFFFFFF80;
	s3 =	sadd.s32 s3, s21  }
0xe4: {  	[tilespmem:s14], [sflag:$0xA] =	stream.indirect.gather [hbm4b:s6+s22], $0x80, s23, s22, $0xb8;
	[tilespmem:$0x1E800] =	vst v63  }
0xe5: {  	s3 =	sshrl.u32 s3, $0x3  }
0xe6: {  	s23 =	sadd.s32 s20, s3  }
0xe7: {  	[tilespmem:s4], [sflag:$0x1] =	stream.linear.gather [hbm4b:s23+s4], $0x80, $0x38;
	[tilespmem:$0x1E800] =	vst v63  }
0xe8: {  	s11 =	simm.s32 $0x400;
	s1 =	sadd.s32 s5, s3  }
0xe9: {  	[tilespmem:s11], [sflag:$0x1] =	stream.linear.gather [hbm4b:s1+s4], $0x80, $0x38;
	[tilespmem:$0x1E800] =	vst v63  }
0xea: {  	_ =	swait.ge [sflag:s25], $0x2800  }
0xeb: {  	[sflag:s25] =	ssyncset.done $0x0  }
0xec: {  	s18 =	simm.s32 $0x580;
	[sflag:s25] =	ssyncadd.s32 $0xFFFFD800  }
0xed: {  	[spmem:s2] =	stream.indirect.scatter.add.f32 [tilespmem:s17], [sflag:$0x10], $0x80, s18, s22, $0xb8;
	[tilespmem:$0x1E800] =	vst v63  }
0xee: {  	_ =	swait.ge [sflag:s12], $0x2800  }
0xef: {  	[sflag:s12] =	ssyncset.done $0x0  }
0xf0: {  	s10 =	simm.s32 $0x7;
	[sflag:s12] =	ssyncadd.s32 $0xFFFFD800  }
0xf1: {  	_ =	swait.ge [sflag:s10], $0x80  }
0xf2: {  	[sflag:s10] =	ssyncset.done $0x0  }
0xf3: {  	[sflag:s10] =	ssyncadd.s32 $0xFFFFFF80  }
0xf4: {  	_ =	swait.ge [sflag:s10], $0x80  }
0xf5: {  	[sflag:s10] =	ssyncset.done $0x0  }
0xf6: {  	s21 =	simm.s32 $0x300;
	s23 =	sor.u32 $0x10, s3;
	[sflag:s10] =	ssyncadd.s32 $0xFFFFFF80  }
0xf7: {  	[tilespmem:s24], [sflag:$0xB] =	stream.indirect.gather [hbm4b:s6+s22], $0x80, s21, s22, $0xb8;
	[tilespmem:$0x1E800] =	vst v63  }
0xf8: {  	s1 =	sadd.s32 s20, s23;
	s21 =	simm.s32 $0x80  }
0xf9: {  	[tilespmem:s21], [sflag:$0x2] =	stream.linear.gather [hbm4b:s1+s4], $0x80, $0x38;
	[tilespmem:$0x1E800] =	vst v63  }
0xfa: {  	s9 =	sadd.s32 s5, s23  }
0xfb: {  	[tilespmem:s29], [sflag:$0x2] =	stream.linear.gather [hbm4b:s9+s4], $0x80, $0x38;
	[tilespmem:$0x1E800] =	vst v63  }
0xfc: {  	_ =	swait.ge [sflag:s19], $0x2800  }
0xfd: {  	[sflag:s19] =	ssyncset.done $0x0  }
0xfe: {  	s23 =	simm.s32 $0x600;
	s10 =	simm.s32 $0x10;
	[sflag:s19] =	ssyncadd.s32 $0xFFFFD800  }
0xff: {  	[spmem:s2] =	stream.indirect.scatter.add.f32 [tilespmem:s7], [sflag:$0xD], $0x80, s23, s22, $0xb8;
	[tilespmem:$0x1E800] =	vst v63  }
0x100: {  	_ =	swait.ge [sflag:s10], $0x2800  }
0x101: {  	[sflag:s10] =	ssyncset.done $0x0  }
0x102: {  	[sflag:s10] =	ssyncadd.s32 $0xFFFFD800  }
0x103: {  	_ =	swait.ge [sflag:s30], $0x80  }
0x104: {  	[sflag:s30] =	ssyncset.done $0x0  }
0x105: {  	[sflag:s30] =	ssyncadd.s32 $0xFFFFFF80  }
0x106: {  	_ =	swait.ge [sflag:s30], $0x80  }
0x107: {  	[sflag:s30] =	ssyncset.done $0x0  }
0x108: {  	s29 =	simm.s32 $0x380;
	s9 =	sor.u32 $0x20, s3;
	[sflag:s30] =	ssyncadd.s32 $0xFFFFFF80  }
0x109: {  	[tilespmem:s17], [sflag:$0xC] =	stream.indirect.gather [hbm4b:s6+s22], $0x80, s29, s22, $0xb8;
	[tilespmem:$0x1E800] =	vst v63  }
0x10a: {  	s10 =	sadd.s32 s20, s9;
	s29 =	simm.s32 $0x100  }
0x10b: {  	[tilespmem:s29], [sflag:$0x3] =	stream.linear.gather [hbm4b:s10+s4], $0x80, $0x38;
	[tilespmem:$0x1E800] =	vst v63  }
0x10c: {  	s9 =	sadd.s32 s5, s9  }
0x10d: {  	[tilespmem:s26], [sflag:$0x3] =	stream.linear.gather [hbm4b:s9+s4], $0x80, $0x38;
	[tilespmem:$0x1E800] =	vst v63  }
0x10e: {  	_ =	swait.ge [sflag:s28], $0x2800  }
0x10f: {  	[sflag:s28] =	ssyncset.done $0x0  }
0x110: {  	s10 =	simm.s32 $0x680;
	[sflag:s28] =	ssyncadd.s32 $0xFFFFD800  }
0x111: {  	[spmem:s2] =	stream.indirect.scatter.add.f32 [tilespmem:s14], [sflag:$0xE], $0x80, s10, s22, $0xb8;
	[tilespmem:$0x1E800] =	vst v63  }
0x112: {  	_ =	swait.ge [sflag:s15], $0x2800  }
0x113: {  	[sflag:s15] =	ssyncset.done $0x0  }
0x114: {  	s26 =	simm.s32 $0x1;
	[sflag:s15] =	ssyncadd.s32 $0xFFFFD800  }
0x115: {  	_ =	swait.ge [sflag:s26], $0x80  }
0x116: {  	[sflag:s26] =	ssyncset.done $0x0  }
0x117: {  	[sflag:s26] =	ssyncadd.s32 $0xFFFFFF80  }
0x118: {  	_ =	swait.ge [sflag:s26], $0x80  }
0x119: {  	[sflag:s26] =	ssyncset.done $0x0  }
0x11a: {  	s9 =	sor.u32 $0x30, s3;
	[sflag:s26] =	ssyncadd.s32 $0xFFFFFF80  }
0x11b: {  	[tilespmem:s7], [sflag:$0x9] =	stream.indirect.gather [hbm4b:s6+s22], $0x80, s4, s22, $0xb8;
	[tilespmem:$0x1E800] =	vst v63  }
0x11c: {  	s26 =	simm.s32 $0x180;
	s7 =	sadd.s32 s20, s9  }
0x11d: {  	[tilespmem:s26], [sflag:$0x4] =	stream.linear.gather [hbm4b:s7+s4], $0x80, $0x38;
	[tilespmem:$0x1E800] =	vst v63  }
0x11e: {  	s9 =	sadd.s32 s5, s9  }
0x11f: {  	[tilespmem:s18], [sflag:$0x4] =	stream.linear.gather [hbm4b:s9+s4], $0x80, $0x38;
	[tilespmem:$0x1E800] =	vst v63  }
0x120: {  	_ =	swait.ge [sflag:s13], $0x2800  }
0x121: {  	[sflag:s13] =	ssyncset.done $0x0  }
0x122: {  	s7 =	simm.s32 $0x700;
	[sflag:s13] =	ssyncadd.s32 $0xFFFFD800  }
0x123: {  	[spmem:s2] =	stream.indirect.scatter.add.f32 [tilespmem:s24], [sflag:$0xF], $0x80, s7, s22, $0xb8;
	[tilespmem:$0x1E800] =	vst v63  }
0x124: {  	_ =	swait.ge [sflag:s8], $0x2800  }
0x125: {  	[sflag:s8] =	ssyncset.done $0x0  }
0x126: {  	s10 =	simm.s32 $0x2;
	[sflag:s8] =	ssyncadd.s32 $0xFFFFD800  }
0x127: {  	_ =	swait.ge [sflag:s10], $0x80  }
0x128: {  	[sflag:s10] =	ssyncset.done $0x0  }
0x129: {  	[sflag:s10] =	ssyncadd.s32 $0xFFFFFF80  }
0x12a: {  	_ =	swait.ge [sflag:s10], $0x80  }
0x12b: {  	[sflag:s10] =	ssyncset.done $0x0  }
0x12c: {  	s7 =	sor.u32 $0x40, s3;
	[sflag:s10] =	ssyncadd.s32 $0xFFFFFF80  }
0x12d: {  	[tilespmem:s14], [sflag:$0xA] =	stream.indirect.gather [hbm4b:s6+s22], $0x80, s21, s22, $0xb8;
	[tilespmem:$0x1E800] =	vst v63  }
0x12e: {  	s18 =	simm.s32 $0x200;
	s14 =	sadd.s32 s20, s7  }
0x12f: {  	[tilespmem:s18], [sflag:$0x5] =	stream.linear.gather [hbm4b:s14+s4], $0x80, $0x38;
	[tilespmem:$0x1E800] =	vst v63  }
0x130: {  	s9 =	sadd.s32 s5, s7  }
0x131: {  	[tilespmem:s23], [sflag:$0x5] =	stream.linear.gather [hbm4b:s9+s4], $0x80, $0x38;
	[tilespmem:$0x1E800] =	vst v63  }
0x132: {  	_ =	swait.ge [sflag:s25], $0x2800  }
0x133: {  	[sflag:s25] =	ssyncset.done $0x0  }
0x134: {  	s21 =	simm.s32 $0x780;
	[sflag:s25] =	ssyncadd.s32 $0xFFFFD800  }
0x135: {  	[spmem:s2] =	stream.indirect.scatter.add.f32 [tilespmem:s17], [sflag:$0x10], $0x80, s21, s22, $0xb8;
	[tilespmem:$0x1E800] =	vst v63  }
0x136: {  	_ =	swait.ge [sflag:s12], $0x2800  }
0x137: {  	[sflag:s12] =	ssyncset.done $0x0  }
0x138: {  	s23 =	simm.s32 $0x3;
	[sflag:s12] =	ssyncadd.s32 $0xFFFFD800  }
0x139: {  	_ =	swait.ge [sflag:s23], $0x80  }
0x13a: {  	p0 =	seq.s32 s31, $0x700;
	[sflag:s23] =	ssyncset.done $0x0  }
.Ltmp2:
0x13b: {  	[sflag:s23] =	ssyncadd.s32 $0xFFFFFF80;
	(pc) =	sbr.rel @p0 .LBB2_4-.Ltmp2, $4  }
0x13c: {  	_ =	swait.ge [sflag:s23], $0x80  }
0x13d: {  	[sflag:s23] =	ssyncset.done $0x0  }
0x13e: {  	s1 =	simm.s32 $0x280;
	[sflag:s23] =	ssyncadd.s32 $0xFFFFFF80  }
0x13f: {  	[tilespmem:s24], [sflag:$0xB] =	stream.indirect.gather [hbm4b:s6+s22], $0x80, s29, s22, $0xb8;
	[tilespmem:$0x1E800] =	vst v63  }
.Ltmp3:
0x140: {  	s3 =	sor.u32 $0x50, s3;
	(pc) =	sbr.rel .LBB2_2-.Ltmp3, $4  }
0x141: {  	s29 =	simm.s32 $0x680;
	s0 =	sadd.s32 $0x400, s0;
	s9 =	sadd.s32 s20, s3  }
0x142: {  	[tilespmem:s1], [sflag:$0x6] =	stream.linear.gather [hbm4b:s9+s4], $0x80, $0x38;
	[tilespmem:$0x1E800] =	vst v63  }
0x143: {  	s31 =	sadd.s32 $0x80, s31;
	s23 =	simm.s32 $0x280;
	s3 =	sadd.s32 s5, s3  }
0x144: {  	[tilespmem:s29], [sflag:$0x6] =	stream.linear.gather [hbm4b:s3+s4], $0x80, $0x38;
	[tilespmem:$0x1E800] =	vst v63  }
.LBB2_5:
0x145: {  	_ =	sfence.sel $0x180000  }
0x146: {  	[bflag:$0x0] =	sbarrier.arrive $0xFFFF  }
0x147: {  	_ =	strace $0x9000004A  }
0x148: {  	s0 =	stileid.u32;
	[bflag:$0x2] =	sbarrier.arrive $0xFFFF  }
0x149: {  	p0 =	sne.s32 s0, $0x0;
	s0 =	rddreg [dreg:$0x3]  }
0x14a: {  	s0 =	sadd.s32 @!p0 $0x100000, s0  }
0x14b: {  	[sflag:s0] =	ssyncadd.tile.s32 @!p0 $0x1;
	_ =	shalt  }
.Lfunc_end2:
_tile_overlayer_lowered:
.L_overlay_start_2:
0x14c: {  	(tag) =	ssettag $0x2  }
0x14d: {  	s0 =	rddreg [dreg:$0x0];
	s2 =	stileid.u32  }
0x14e: {  	s1 =	rddreg [dreg:$0x1];
	p0 =	sne.s32 s2, $0x0  }
0x14f: {  	s3 =	rddreg [dreg:$0x2];
	[bflag:$0x3] =	sbarrier.arrive $0xFFFF;
	s2 =	simm.s32 @!p0 $0x1C11  }
0x150: {  	[timem:s3], [sflag:s2] =	dma.local @!p0 [hbm:s0], s1  }
0x151: {  	s0 =	simm.s32 @!p0 $0x11  }
0x152: {  	_ =	swait.ge @!p0 [sflag:s0], s1  }
0x153: {  	s1 =	ssub.s32 @!p0 $0x0, s1;
	[sflag:s0] =	ssyncset.done @!p0 $0x0  }
0x154: {  	[sflag:s0] =	ssyncadd.s32 @!p0 s1  }
0x155: {  	[bflag:$0x3] =	sbarrier.arrive $0xFFFF  }
0x156: {  	_ =	shalt  }

</sc_bundles>
